<compile_context>
chip_gen: v7x
topology: tpu7x:2x2x1
jax: 0.10.2.dev20260603
libtpu: 0.0.44.dev20260713+nightly
codegen_flags: <defaults>
</compile_context>

<pallas_src>
import functools

import jax
import jax.numpy as jnp
from jax import lax
from jax.experimental import pallas as pl
from jax.experimental.pallas import tpu as pltpu
from jax.experimental.pallas import tpu_sc as plsc

_L = 16


def _sort4(a, b, c, d):
    lo0, hi0 = jnp.minimum(a, c), jnp.maximum(a, c)
    lo1, hi1 = jnp.minimum(b, d), jnp.maximum(b, d)
    r0 = jnp.minimum(lo0, lo1)
    r3 = jnp.maximum(hi0, hi1)
    m0 = jnp.maximum(lo0, lo1)
    m1 = jnp.minimum(hi0, hi1)
    r1 = jnp.minimum(m0, m1)
    r2 = jnp.maximum(m0, m1)
    return r0, r1, r2, r3


def kernel(inp):
    b, c, h, w = inp.shape
    h2, w2 = h // 2, w // 2
    n = b * c
    ngrp = w2 // _L

    info = plsc.get_sparse_core_info()
    nw = info.num_cores * info.num_subcores
    ch_per_w = n // nw
    assert n % nw == 0 and w2 % _L == 0 and h2 % 2 == 0 and c % (nw // b) == 0

    w_per_b = nw // b
    ch_per_wb = c // w_per_b
    hp = h2 // 2
    hrows = hp * 2
    nblk = 2 * ch_per_wb

    mesh = plsc.VectorSubcoreMesh(core_axis_name="core", subcore_axis_name="sub")

    @functools.partial(
        pl.kernel,
        out_type=jax.ShapeDtypeStruct((b, 4 * c, h2, w2), jnp.float32),
        mesh=mesh,
        scratch_types=[
            pltpu.VMEM((hrows, w), jnp.float32),
            pltpu.VMEM((hrows, w), jnp.float32),
            pltpu.VMEM((4, hp, w2), jnp.float32),
            pltpu.VMEM((4, hp, w2), jnp.float32),
            pltpu.SemaphoreType.DMA,
            pltpu.SemaphoreType.DMA,
            pltpu.SemaphoreType.DMA,
            pltpu.SemaphoreType.DMA,
        ],
        compiler_params=pltpu.CompilerParams(needs_layout_passes=False),
    )
    def run(x_hbm, out_hbm, in_v0, in_v1, out_v0, out_v1, si0, si1, so0, so1):
        in_v = (in_v0, in_v1)
        out_v = (out_v0, out_v1)
        wid = lax.axis_index("sub") * info.num_cores + lax.axis_index("core")
        bb = wid // w_per_b
        cc0 = (wid % w_per_b) * ch_per_wb
        lane2 = lax.iota(jnp.int32, _L) * 2
        cole = [lane2 + 2 * _L * g for g in range(ngrp)]
        colo = [lane2 + 2 * _L * g + 1 for g in range(ngrp)]
        sin = (si0, si1)
        sout = (so0, so1)

        def in_copy(t, buf, sem):
            cc = cc0 + t // 2
            r0 = (t % 2) * hrows
            return pltpu.make_async_copy(
                x_hbm.at[bb, cc, pl.ds(r0, hrows), :], in_v[buf], sem)

        def out_copy(t, buf, sem):
            cc = cc0 + t // 2
            p0 = (t % 2) * hp
            return pltpu.make_async_copy(
                out_v[buf],
                out_hbm.at[bb, pl.ds(cc * 4, 4), pl.ds(p0, hp), :], sem)

        def compute(buf):
            @plsc.parallel_loop(0, hp, step=1, unroll=8)
            def do_rowpair(p):
                rt = jnp.broadcast_to(2 * p, (_L,))
                rb = rt + 1
                for g in range(ngrp):
                    va = plsc.load_gather(in_v[buf], [rt, cole[g]])
                    vb = plsc.load_gather(in_v[buf], [rt, colo[g]])
                    vc = plsc.load_gather(in_v[buf], [rb, cole[g]])
                    vd = plsc.load_gather(in_v[buf], [rb, colo[g]])
                    s0, s1, s2, s3 = _sort4(va, vb, vc, vd)
                    o = g * _L
                    out_v[buf][0, p, pl.ds(o, _L)] = s0
                    out_v[buf][1, p, pl.ds(o, _L)] = s1
                    out_v[buf][2, p, pl.ds(o, _L)] = s2
                    out_v[buf][3, p, pl.ds(o, _L)] = s3

        in_copy(0, 0, sin[0]).start()

        def body(i, carry):
            t0 = i * 2
            for buf in range(2):
                t = t0 + buf
                nxt = 1 - buf

                @pl.when(t + 1 < nblk)
                def _():
                    in_copy(t + 1, nxt, sin[nxt]).start()

                in_copy(t, buf, sin[buf]).wait()

                @pl.when(t >= 2)
                def _():
                    out_copy(t - 2, buf, sout[buf]).wait()

                compute(buf)
                out_copy(t, buf, sout[buf]).start()
            return carry

        lax.fori_loop(0, nblk // 2, body, 0)
        out_copy(nblk - 2, 0, sout[0]).wait()
        out_copy(nblk - 1, 1, sout[1]).wait()

    return run(inp)

# --- scband reference (transcript-rebuilt; emitter-appended) ---
"""Pipeline reference for scband-sort-conv-26886495273261 (READ-ONLY COPY).

The authoritative reference and input builder live on the scoring server;
editing this copy changes nothing except your own understanding.
"""

import jax, jax.numpy as jnp
import numpy as np


def setup_inputs(seed: int = 0) -> dict:
    key = jax.random.key(seed)
    inp = jax.random.normal(key, (4, 192, 224, 224), dtype=jnp.float32)
    return {"inp": inp}


def reference(inp):
    # Faithful translation of SortConv.forward:
    #   out = Unfold(kernel=2, stride=2)(inp).view(b, c, 4, -1)
    #   out = sort(out, dim=2).values.view(b, 4*c, h//2, w//2)
    # PyTorch unfold channel ordering is (c, kh, kw) with c outermost, and the
    # patch (L) dimension enumerates patches in row-major (h2, w2) order.
    b, c, h, w = inp.shape
    h2, w2 = h // 2, w // 2
    x = inp.reshape(b, c, h2, 2, w2, 2)
    # bring kernel positions (kh, kw) together -> dim of size 4 ordered kh*2+kw
    x = jnp.transpose(x, (0, 1, 3, 5, 2, 4))  # (b, c, 2, 2, h2, w2)
    x = x.reshape(b, c, 4, h2 * w2)
    x = jnp.sort(x, axis=2)
    out = x.reshape(b, 4 * c, h2, w2)
    return out

if __name__ == "__main__":
    import jax
    _d = setup_inputs()
    print(jax.jit(kernel)(*tuple(_d.values())))

</pallas_src>

<mosaic_0001>
#map = affine_map<(d0, d1) -> (0, 0, 0, 0)>
module attributes {stable_mosaic.version = 14 : i64} {
  func.func @run(%arg0: i32, %arg1: i32, %arg2: memref<4x192x224x224xf32, #tpu.memory_space<hbm>>, %arg3: memref<4x768x112x112xf32, #tpu.memory_space<hbm>>, %arg4: memref<112x224xf32, #tpu.memory_space<vmem>>, %arg5: memref<112x224xf32, #tpu.memory_space<vmem>>, %arg6: memref<4x56x112xf32, #tpu.memory_space<vmem>>, %arg7: memref<4x56x112xf32, #tpu.memory_space<vmem>>, %arg8: memref<!tpu.dma_semaphore, #tpu.memory_space<semaphore_mem>>, %arg9: memref<!tpu.dma_semaphore, #tpu.memory_space<semaphore_mem>>, %arg10: memref<!tpu.dma_semaphore, #tpu.memory_space<semaphore_mem>>, %arg11: memref<!tpu.dma_semaphore, #tpu.memory_space<semaphore_mem>>) attributes {dimension_semantics = [#tpu.dimension_semantics<core_parallel>, #tpu.dimension_semantics<subcore_parallel>], iteration_bounds = array<i64: 2, 16>, scalar_prefetch = 0 : i64, scratch_operands = 8 : i64, tpu.core_type = #tpu.core_type<sc_vector_subcore>, window_params = [{transform_indices = #map}, {transform_indices = #map}]} {
    %mul3A = arith.constant 2 : i32
    %mul3A_0 = arith.muli %arg1, %mul3A : i32
    %add3A = arith.addi %mul3A_0, %arg0 : i32
    %jit3A = arith.constant 8 : i32
    %div3A = arith.divsi %add3A, %jit3A : i32
    %sign3A = arith.constant 0 : i32
    %sign3A_1 = arith.cmpi sgt, %add3A, %sign3A : i32
    %sign3A_2 = arith.extui %sign3A_1 : i1 to i32
    %sign3A_3 = arith.constant 0 : i32
    %sign3A_4 = arith.cmpi slt, %add3A, %sign3A_3 : i32
    %sign3A_5 = arith.extui %sign3A_4 : i1 to i32
    %sign3A_6 = arith.subi %sign3A_2, %sign3A_5 : i32
    %sign3A_7 = arith.constant 0 : i32
    %sign3A_8 = arith.cmpi sgt, %jit3A, %sign3A_7 : i32
    %sign3A_9 = arith.extui %sign3A_8 : i1 to i32
    %sign3A_10 = arith.constant 0 : i32
    %sign3A_11 = arith.cmpi slt, %jit3A, %sign3A_10 : i32
    %sign3A_12 = arith.extui %sign3A_11 : i1 to i32
    %sign3A_13 = arith.subi %sign3A_9, %sign3A_12 : i32
    %ne3A = arith.cmpi ne, %sign3A_6, %sign3A_13 : i32
    %rem3A = arith.remsi %add3A, %jit3A : i32
    %ne3A_14 = arith.constant 0 : i32
    %ne3A_15 = arith.cmpi ne, %rem3A, %ne3A_14 : i32
    %and3A = arith.andi %ne3A, %ne3A_15 : i1
    %sub3A = arith.constant 1 : i32
    %sub3A_16 = arith.subi %div3A, %sub3A : i32
    %select_n3A = arith.select %and3A, %sub3A_16, %div3A : i32
    %jit3A_17 = arith.constant 8 : i32
    %eq3A = arith.constant 0 : i32
    %eq3A_18 = arith.cmpi eq, %jit3A_17, %eq3A : i32
    %jit3A_19 = arith.constant 1 : i32
    %select_n3A_20 = arith.select %eq3A_18, %jit3A_19, %jit3A_17 : i32
    %rem3A_21 = arith.remsi %add3A, %select_n3A_20 : i32
    %ne3A_22 = arith.constant 0 : i32
    %ne3A_23 = arith.cmpi ne, %rem3A_21, %ne3A_22 : i32
    %lt3A = arith.constant 0 : i32
    %lt3A_24 = arith.cmpi slt, %rem3A_21, %lt3A : i32
    %lt3A_25 = arith.constant 0 : i32
    %lt3A_26 = arith.cmpi slt, %select_n3A_20, %lt3A_25 : i32
    %ne3A_27 = arith.xori %lt3A_24, %lt3A_26 : i1
    %and3A_28 = arith.andi %ne3A_27, %ne3A_23 : i1
    %add3A_29 = arith.addi %rem3A_21, %select_n3A_20 : i32
    %select_n3A_30 = arith.select %and3A_28, %add3A_29, %rem3A_21 : i32
    %mul3A_31 = arith.constant 24 : i32
    %mul3A_32 = arith.muli %select_n3A_30, %mul3A_31 : i32
    %iota3A = tpu.iota {dimensions = array<i32: 0>} : vector<16xi32>
    %mul3A_33 = arith.constant 2 : i32
    %mul3A_34 = vector.broadcast %mul3A_33 : i32 to vector<16xi32>
    %mul3A_35 = arith.muli %iota3A, %mul3A_34 : vector<16xi32>
    %add3A_36 = arith.constant 0 : i32
    %add3A_37 = vector.broadcast %add3A_36 : i32 to vector<16xi32>
    %add3A_38 = arith.addi %mul3A_35, %add3A_37 : vector<16xi32>
    %add3A_39 = arith.constant 32 : i32
    %add3A_40 = vector.broadcast %add3A_39 : i32 to vector<16xi32>
    %add3A_41 = arith.addi %mul3A_35, %add3A_40 : vector<16xi32>
    %add3A_42 = arith.constant 64 : i32
    %add3A_43 = vector.broadcast %add3A_42 : i32 to vector<16xi32>
    %add3A_44 = arith.addi %mul3A_35, %add3A_43 : vector<16xi32>
    %add3A_45 = arith.constant 96 : i32
    %add3A_46 = vector.broadcast %add3A_45 : i32 to vector<16xi32>
    %add3A_47 = arith.addi %mul3A_35, %add3A_46 : vector<16xi32>
    %add3A_48 = arith.constant 128 : i32
    %add3A_49 = vector.broadcast %add3A_48 : i32 to vector<16xi32>
    %add3A_50 = arith.addi %mul3A_35, %add3A_49 : vector<16xi32>
    %add3A_51 = arith.constant 160 : i32
    %add3A_52 = vector.broadcast %add3A_51 : i32 to vector<16xi32>
    %add3A_53 = arith.addi %mul3A_35, %add3A_52 : vector<16xi32>
    %add3A_54 = arith.constant 192 : i32
    %add3A_55 = vector.broadcast %add3A_54 : i32 to vector<16xi32>
    %add3A_56 = arith.addi %mul3A_35, %add3A_55 : vector<16xi32>
    %add3A_57 = arith.constant 0 : i32
    %add3A_58 = vector.broadcast %add3A_57 : i32 to vector<16xi32>
    %add3A_59 = arith.addi %mul3A_35, %add3A_58 : vector<16xi32>
    %add3A_60 = arith.constant 1 : i32
    %add3A_61 = vector.broadcast %add3A_60 : i32 to vector<16xi32>
    %add3A_62 = arith.addi %add3A_59, %add3A_61 : vector<16xi32>
    %add3A_63 = arith.constant 32 : i32
    %add3A_64 = vector.broadcast %add3A_63 : i32 to vector<16xi32>
    %add3A_65 = arith.addi %mul3A_35, %add3A_64 : vector<16xi32>
    %add3A_66 = arith.constant 1 : i32
    %add3A_67 = vector.broadcast %add3A_66 : i32 to vector<16xi32>
    %add3A_68 = arith.addi %add3A_65, %add3A_67 : vector<16xi32>
    %add3A_69 = arith.constant 64 : i32
    %add3A_70 = vector.broadcast %add3A_69 : i32 to vector<16xi32>
    %add3A_71 = arith.addi %mul3A_35, %add3A_70 : vector<16xi32>
    %add3A_72 = arith.constant 1 : i32
    %add3A_73 = vector.broadcast %add3A_72 : i32 to vector<16xi32>
    %add3A_74 = arith.addi %add3A_71, %add3A_73 : vector<16xi32>
    %add3A_75 = arith.constant 96 : i32
    %add3A_76 = vector.broadcast %add3A_75 : i32 to vector<16xi32>
    %add3A_77 = arith.addi %mul3A_35, %add3A_76 : vector<16xi32>
    %add3A_78 = arith.constant 1 : i32
    %add3A_79 = vector.broadcast %add3A_78 : i32 to vector<16xi32>
    %add3A_80 = arith.addi %add3A_77, %add3A_79 : vector<16xi32>
    %add3A_81 = arith.constant 128 : i32
    %add3A_82 = vector.broadcast %add3A_81 : i32 to vector<16xi32>
    %add3A_83 = arith.addi %mul3A_35, %add3A_82 : vector<16xi32>
    %add3A_84 = arith.constant 1 : i32
    %add3A_85 = vector.broadcast %add3A_84 : i32 to vector<16xi32>
    %add3A_86 = arith.addi %add3A_83, %add3A_85 : vector<16xi32>
    %add3A_87 = arith.constant 160 : i32
    %add3A_88 = vector.broadcast %add3A_87 : i32 to vector<16xi32>
    %add3A_89 = arith.addi %mul3A_35, %add3A_88 : vector<16xi32>
    %add3A_90 = arith.constant 1 : i32
    %add3A_91 = vector.broadcast %add3A_90 : i32 to vector<16xi32>
    %add3A_92 = arith.addi %add3A_89, %add3A_91 : vector<16xi32>
    %add3A_93 = arith.constant 192 : i32
    %add3A_94 = vector.broadcast %add3A_93 : i32 to vector<16xi32>
    %add3A_95 = arith.addi %mul3A_35, %add3A_94 : vector<16xi32>
    %add3A_96 = arith.constant 1 : i32
    %add3A_97 = vector.broadcast %add3A_96 : i32 to vector<16xi32>
    %add3A_98 = arith.addi %add3A_95, %add3A_97 : vector<16xi32>
    %add3A_99 = arith.constant 0 : i32
    %add3A_100 = arith.addi %mul3A_32, %add3A_99 : i32
    %dma_start3A = arith.constant 0 : i32
    %dma_start3A_101 = arith.constant 0 : i32
    %dma_start3A_102 = tpu.memref_slice %arg2[%select_n3A, %add3A_100, %dma_start3A, %dma_start3A_101] : memref<4x192x224x224xf32, #tpu.memory_space<hbm>> -> memref<1x1x112x224xf32, #tpu.memory_space<hbm>>
    %dma_start3A_103 = tpu.memref_squeeze %dma_start3A_102 : memref<1x1x112x224xf32, #tpu.memory_space<hbm>> -> memref<112x224xf32, #tpu.memory_space<hbm>>
    %dma_start3A_104 = arith.constant 0 : i32
    %dma_start3A_105 = arith.constant 0 : i32
    %dma_start3A_106 = tpu.memref_slice %arg2[%select_n3A, %add3A_100, %dma_start3A_104, %dma_start3A_105] : memref<4x192x224x224xf32, #tpu.memory_space<hbm>> -> memref<1x1x112x224xf32, #tpu.memory_space<hbm>>
    %dma_start3A_107 = tpu.memref_squeeze %dma_start3A_106 : memref<1x1x112x224xf32, #tpu.memory_space<hbm>> -> memref<112x224xf32, #tpu.memory_space<hbm>>
    tpu.enqueue_dma source(%dma_start3A_107 : memref<112x224xf32, #tpu.memory_space<hbm>>) target(%arg4 : memref<112x224xf32, #tpu.memory_space<vmem>>) target_semaphore(%arg8 : memref<!tpu.dma_semaphore, #tpu.memory_space<semaphore_mem>>)
    %scan3A = arith.constant 0 : i32
    %scan3A_108 = arith.constant 0 : i32
    %scan3A_109 = arith.constant 24 : i32
    %scan3A_110 = arith.addi %scan3A_108, %scan3A_109 : i32
    %scan3A_111 = arith.constant 1 : i32
    scf.for %scan3A_136 = %scan3A_108 to %scan3A_110 step %scan3A_111  : i32 {
      %mul3A_137 = arith.constant 2 : i32
      %mul3A_138 = arith.muli %scan3A_136, %mul3A_137 : i32
      %add3A_139 = arith.constant 0 : i32
      %add3A_140 = arith.addi %mul3A_138, %add3A_139 : i32
      %add3A_141 = arith.constant 1 : i32
      %add3A_142 = arith.addi %add3A_140, %add3A_141 : i32
      %lt3A_143 = arith.constant 48 : i32
      %lt3A_144 = arith.cmpi slt, %add3A_142, %lt3A_143 : i32
      %convert_element_type3A = arith.extui %lt3A_144 : i1 to i32
      %cond3A = arith.constant 0 : i32
      %cond3A_145 = arith.cmpi ne, %convert_element_type3A, %cond3A : i32
      scf.if %cond3A_145 {
        %add3A_369 = arith.constant 1 : i32
        %add3A_370 = arith.addi %add3A_140, %add3A_369 : i32
        %jit3A_371 = arith.constant 2 : i32
        %div3A_372 = arith.divsi %add3A_370, %jit3A_371 : i32
        %sign3A_373 = arith.constant 0 : i32
        %sign3A_374 = arith.cmpi sgt, %add3A_370, %sign3A_373 : i32
        %sign3A_375 = arith.extui %sign3A_374 : i1 to i32
        %sign3A_376 = arith.constant 0 : i32
        %sign3A_377 = arith.cmpi slt, %add3A_370, %sign3A_376 : i32
        %sign3A_378 = arith.extui %sign3A_377 : i1 to i32
        %sign3A_379 = arith.subi %sign3A_375, %sign3A_378 : i32
        %sign3A_380 = arith.constant 0 : i32
        %sign3A_381 = arith.cmpi sgt, %jit3A_371, %sign3A_380 : i32
        %sign3A_382 = arith.extui %sign3A_381 : i1 to i32
        %sign3A_383 = arith.constant 0 : i32
        %sign3A_384 = arith.cmpi slt, %jit3A_371, %sign3A_383 : i32
        %sign3A_385 = arith.extui %sign3A_384 : i1 to i32
        %sign3A_386 = arith.subi %sign3A_382, %sign3A_385 : i32
        %ne3A_387 = arith.cmpi ne, %sign3A_379, %sign3A_386 : i32
        %rem3A_388 = arith.remsi %add3A_370, %jit3A_371 : i32
        %ne3A_389 = arith.constant 0 : i32
        %ne3A_390 = arith.cmpi ne, %rem3A_388, %ne3A_389 : i32
        %and3A_391 = arith.andi %ne3A_387, %ne3A_390 : i1
        %sub3A_392 = arith.constant 1 : i32
        %sub3A_393 = arith.subi %div3A_372, %sub3A_392 : i32
        %select_n3A_394 = arith.select %and3A_391, %sub3A_393, %div3A_372 : i32
        %add3A_395 = arith.addi %mul3A_32, %select_n3A_394 : i32
        %jit3A_396 = arith.constant 2 : i32
        %eq3A_397 = arith.constant 0 : i32
        %eq3A_398 = arith.cmpi eq, %jit3A_396, %eq3A_397 : i32
        %jit3A_399 = arith.constant 1 : i32
        %select_n3A_400 = arith.select %eq3A_398, %jit3A_399, %jit3A_396 : i32
        %rem3A_401 = arith.remsi %add3A_370, %select_n3A_400 : i32
        %ne3A_402 = arith.constant 0 : i32
        %ne3A_403 = arith.cmpi ne, %rem3A_401, %ne3A_402 : i32
        %lt3A_404 = arith.constant 0 : i32
        %lt3A_405 = arith.cmpi slt, %rem3A_401, %lt3A_404 : i32
        %lt3A_406 = arith.constant 0 : i32
        %lt3A_407 = arith.cmpi slt, %select_n3A_400, %lt3A_406 : i32
        %ne3A_408 = arith.xori %lt3A_405, %lt3A_407 : i1
        %and3A_409 = arith.andi %ne3A_408, %ne3A_403 : i1
        %add3A_410 = arith.addi %rem3A_401, %select_n3A_400 : i32
        %select_n3A_411 = arith.select %and3A_409, %add3A_410, %rem3A_401 : i32
        %mul3A_412 = arith.constant 112 : i32
        %mul3A_413 = arith.muli %select_n3A_411, %mul3A_412 : i32
        %dma_start3A_414 = arith.constant 0 : i32
        %dma_start3A_415 = tpu.memref_slice %arg2[%select_n3A, %add3A_395, %mul3A_413, %dma_start3A_414] : memref<4x192x224x224xf32, #tpu.memory_space<hbm>> -> memref<1x1x112x224xf32, #tpu.memory_space<hbm>>
        %dma_start3A_416 = tpu.memref_squeeze %dma_start3A_415 : memref<1x1x112x224xf32, #tpu.memory_space<hbm>> -> memref<112x224xf32, #tpu.memory_space<hbm>>
        %dma_start3A_417 = arith.constant 0 : i32
        %dma_start3A_418 = tpu.memref_slice %arg2[%select_n3A, %add3A_395, %mul3A_413, %dma_start3A_417] : memref<4x192x224x224xf32, #tpu.memory_space<hbm>> -> memref<1x1x112x224xf32, #tpu.memory_space<hbm>>
        %dma_start3A_419 = tpu.memref_squeeze %dma_start3A_418 : memref<1x1x112x224xf32, #tpu.memory_space<hbm>> -> memref<112x224xf32, #tpu.memory_space<hbm>>
        tpu.enqueue_dma source(%dma_start3A_419 : memref<112x224xf32, #tpu.memory_space<hbm>>) target(%arg5 : memref<112x224xf32, #tpu.memory_space<vmem>>) target_semaphore(%arg9 : memref<!tpu.dma_semaphore, #tpu.memory_space<semaphore_mem>>)
      } else {
      }
      %jit3A_146 = arith.constant 2 : i32
      %div3A_147 = arith.divsi %add3A_140, %jit3A_146 : i32
      %sign3A_148 = arith.constant 0 : i32
      %sign3A_149 = arith.cmpi sgt, %add3A_140, %sign3A_148 : i32
      %sign3A_150 = arith.extui %sign3A_149 : i1 to i32
      %sign3A_151 = arith.constant 0 : i32
      %sign3A_152 = arith.cmpi slt, %add3A_140, %sign3A_151 : i32
      %sign3A_153 = arith.extui %sign3A_152 : i1 to i32
      %sign3A_154 = arith.subi %sign3A_150, %sign3A_153 : i32
      %sign3A_155 = arith.constant 0 : i32
      %sign3A_156 = arith.cmpi sgt, %jit3A_146, %sign3A_155 : i32
      %sign3A_157 = arith.extui %sign3A_156 : i1 to i32
      %sign3A_158 = arith.constant 0 : i32
      %sign3A_159 = arith.cmpi slt, %jit3A_146, %sign3A_158 : i32
      %sign3A_160 = arith.extui %sign3A_159 : i1 to i32
      %sign3A_161 = arith.subi %sign3A_157, %sign3A_160 : i32
      %ne3A_162 = arith.cmpi ne, %sign3A_154, %sign3A_161 : i32
      %rem3A_163 = arith.remsi %add3A_140, %jit3A_146 : i32
      %ne3A_164 = arith.constant 0 : i32
      %ne3A_165 = arith.cmpi ne, %rem3A_163, %ne3A_164 : i32
      %and3A_166 = arith.andi %ne3A_162, %ne3A_165 : i1
      %sub3A_167 = arith.constant 1 : i32
      %sub3A_168 = arith.subi %div3A_147, %sub3A_167 : i32
      %select_n3A_169 = arith.select %and3A_166, %sub3A_168, %div3A_147 : i32
      %add3A_170 = arith.addi %mul3A_32, %select_n3A_169 : i32
      %jit3A_171 = arith.constant 2 : i32
      %eq3A_172 = arith.constant 0 : i32
      %eq3A_173 = arith.cmpi eq, %jit3A_171, %eq3A_172 : i32
      %jit3A_174 = arith.constant 1 : i32
      %select_n3A_175 = arith.select %eq3A_173, %jit3A_174, %jit3A_171 : i32
      %rem3A_176 = arith.remsi %add3A_140, %select_n3A_175 : i32
      %ne3A_177 = arith.constant 0 : i32
      %ne3A_178 = arith.cmpi ne, %rem3A_176, %ne3A_177 : i32
      %lt3A_179 = arith.constant 0 : i32
      %lt3A_180 = arith.cmpi slt, %rem3A_176, %lt3A_179 : i32
      %lt3A_181 = arith.constant 0 : i32
      %lt3A_182 = arith.cmpi slt, %select_n3A_175, %lt3A_181 : i32
      %ne3A_183 = arith.xori %lt3A_180, %lt3A_182 : i1
      %and3A_184 = arith.andi %ne3A_183, %ne3A_178 : i1
      %add3A_185 = arith.addi %rem3A_176, %select_n3A_175 : i32
      %select_n3A_186 = arith.select %and3A_184, %add3A_185, %rem3A_176 : i32
      %mul3A_187 = arith.constant 112 : i32
      %mul3A_188 = arith.muli %select_n3A_186, %mul3A_187 : i32
      %dma_wait3A_189 = arith.constant 0 : i32
      %dma_wait3A_190 = tpu.memref_slice %arg2[%select_n3A, %add3A_170, %mul3A_188, %dma_wait3A_189] : memref<4x192x224x224xf32, #tpu.memory_space<hbm>> -> memref<1x1x112x224xf32, #tpu.memory_space<hbm>>
      %dma_wait3A_191 = tpu.memref_squeeze %dma_wait3A_190 : memref<1x1x112x224xf32, #tpu.memory_space<hbm>> -> memref<112x224xf32, #tpu.memory_space<hbm>>
      %dma_wait3A_192 = arith.constant 0 : i32
      %dma_wait3A_193 = tpu.memref_slice %arg2[%select_n3A, %add3A_170, %mul3A_188, %dma_wait3A_192] : memref<4x192x224x224xf32, #tpu.memory_space<hbm>> -> memref<1x1x112x224xf32, #tpu.memory_space<hbm>>
      %dma_wait3A_194 = tpu.memref_squeeze %dma_wait3A_193 : memref<1x1x112x224xf32, #tpu.memory_space<hbm>> -> memref<112x224xf32, #tpu.memory_space<hbm>>
      tpu.wait_dma2 semaphore(%arg8 : memref<!tpu.dma_semaphore, #tpu.memory_space<semaphore_mem>>) src(%dma_wait3A_194 : memref<112x224xf32, #tpu.memory_space<hbm>>) dst(%arg4 : memref<112x224xf32, #tpu.memory_space<vmem>>)
      %ge3A = arith.constant 2 : i32
      %ge3A_195 = arith.cmpi sge, %add3A_140, %ge3A : i32
      %convert_element_type3A_196 = arith.extui %ge3A_195 : i1 to i32
      %cond3A_197 = arith.constant 0 : i32
      %cond3A_198 = arith.cmpi ne, %convert_element_type3A_196, %cond3A_197 : i32
      scf.if %cond3A_198 {
        %sub3A_369 = arith.constant 2 : i32
        %sub3A_370 = arith.subi %add3A_140, %sub3A_369 : i32
        %jit3A_371 = arith.constant 2 : i32
        %div3A_372 = arith.divsi %sub3A_370, %jit3A_371 : i32
        %sign3A_373 = arith.constant 0 : i32
        %sign3A_374 = arith.cmpi sgt, %sub3A_370, %sign3A_373 : i32
        %sign3A_375 = arith.extui %sign3A_374 : i1 to i32
        %sign3A_376 = arith.constant 0 : i32
        %sign3A_377 = arith.cmpi slt, %sub3A_370, %sign3A_376 : i32
        %sign3A_378 = arith.extui %sign3A_377 : i1 to i32
        %sign3A_379 = arith.subi %sign3A_375, %sign3A_378 : i32
        %sign3A_380 = arith.constant 0 : i32
        %sign3A_381 = arith.cmpi sgt, %jit3A_371, %sign3A_380 : i32
        %sign3A_382 = arith.extui %sign3A_381 : i1 to i32
        %sign3A_383 = arith.constant 0 : i32
        %sign3A_384 = arith.cmpi slt, %jit3A_371, %sign3A_383 : i32
        %sign3A_385 = arith.extui %sign3A_384 : i1 to i32
        %sign3A_386 = arith.subi %sign3A_382, %sign3A_385 : i32
        %ne3A_387 = arith.cmpi ne, %sign3A_379, %sign3A_386 : i32
        %rem3A_388 = arith.remsi %sub3A_370, %jit3A_371 : i32
        %ne3A_389 = arith.constant 0 : i32
        %ne3A_390 = arith.cmpi ne, %rem3A_388, %ne3A_389 : i32
        %and3A_391 = arith.andi %ne3A_387, %ne3A_390 : i1
        %sub3A_392 = arith.constant 1 : i32
        %sub3A_393 = arith.subi %div3A_372, %sub3A_392 : i32
        %select_n3A_394 = arith.select %and3A_391, %sub3A_393, %div3A_372 : i32
        %add3A_395 = arith.addi %mul3A_32, %select_n3A_394 : i32
        %jit3A_396 = arith.constant 2 : i32
        %eq3A_397 = arith.constant 0 : i32
        %eq3A_398 = arith.cmpi eq, %jit3A_396, %eq3A_397 : i32
        %jit3A_399 = arith.constant 1 : i32
        %select_n3A_400 = arith.select %eq3A_398, %jit3A_399, %jit3A_396 : i32
        %rem3A_401 = arith.remsi %sub3A_370, %select_n3A_400 : i32
        %ne3A_402 = arith.constant 0 : i32
        %ne3A_403 = arith.cmpi ne, %rem3A_401, %ne3A_402 : i32
        %lt3A_404 = arith.constant 0 : i32
        %lt3A_405 = arith.cmpi slt, %rem3A_401, %lt3A_404 : i32
        %lt3A_406 = arith.constant 0 : i32
        %lt3A_407 = arith.cmpi slt, %select_n3A_400, %lt3A_406 : i32
        %ne3A_408 = arith.xori %lt3A_405, %lt3A_407 : i1
        %and3A_409 = arith.andi %ne3A_408, %ne3A_403 : i1
        %add3A_410 = arith.addi %rem3A_401, %select_n3A_400 : i32
        %select_n3A_411 = arith.select %and3A_409, %add3A_410, %rem3A_401 : i32
        %mul3A_412 = arith.constant 56 : i32
        %mul3A_413 = arith.muli %select_n3A_411, %mul3A_412 : i32
        %mul3A_414 = arith.constant 4 : i32
        %mul3A_415 = arith.muli %add3A_395, %mul3A_414 : i32
        %dma_wait3A_416 = arith.constant 0 : i32
        %dma_wait3A_417 = tpu.memref_slice %arg3[%select_n3A, %mul3A_415, %mul3A_413, %dma_wait3A_416] : memref<4x768x112x112xf32, #tpu.memory_space<hbm>> -> memref<1x4x56x112xf32, #tpu.memory_space<hbm>>
        %dma_wait3A_418 = tpu.memref_squeeze %dma_wait3A_417 : memref<1x4x56x112xf32, #tpu.memory_space<hbm>> -> memref<4x56x112xf32, #tpu.memory_space<hbm>>
        %dma_wait3A_419 = arith.constant 0 : i32
        %dma_wait3A_420 = tpu.memref_slice %arg3[%select_n3A, %mul3A_415, %mul3A_413, %dma_wait3A_419] : memref<4x768x112x112xf32, #tpu.memory_space<hbm>> -> memref<1x4x56x112xf32, #tpu.memory_space<hbm>>
        %dma_wait3A_421 = tpu.memref_squeeze %dma_wait3A_420 : memref<1x4x56x112xf32, #tpu.memory_space<hbm>> -> memref<4x56x112xf32, #tpu.memory_space<hbm>>
        tpu.wait_dma2 semaphore(%arg10 : memref<!tpu.dma_semaphore, #tpu.memory_space<semaphore_mem>>) src(%arg6 : memref<4x56x112xf32, #tpu.memory_space<vmem>>) dst(%dma_wait3A_421 : memref<4x56x112xf32, #tpu.memory_space<hbm>>)
      } else {
      }
      %parallel_loop3A = arith.constant 0 : i32
      %parallel_loop3A_199 = arith.constant 56 : i32
      %parallel_loop3A_200 = arith.constant 1 : i32
      scf.for %parallel_loop3A_369 = %parallel_loop3A to %parallel_loop3A_199 step %parallel_loop3A_200  : i32 {
        %parallel_loop3A_370 = arith.constant 2 : i32
        %parallel_loop3A_371 = arith.muli %parallel_loop3A_370, %parallel_loop3A_369 : i32
        %parallel_loop3A_372 = vector.broadcast %parallel_loop3A_371 : i32 to vector<16xi32>
        %parallel_loop3A_373 = arith.constant 1 : i32
        %parallel_loop3A_374 = vector.broadcast %parallel_loop3A_373 : i32 to vector<16xi32>
        %parallel_loop3A_375 = arith.addi %parallel_loop3A_372, %parallel_loop3A_374 : vector<16xi32>
        %parallel_loop3A_376 = tpu.vector_load_idx %arg4[%parallel_loop3A_372, %add3A_38] : memref<112x224xf32, #tpu.memory_space<vmem>>[vector<16xi32>, vector<16xi32>], vector<16xf32>,
        %parallel_loop3A_377 = tpu.vector_load_idx %arg4[%parallel_loop3A_372, %add3A_62] : memref<112x224xf32, #tpu.memory_space<vmem>>[vector<16xi32>, vector<16xi32>], vector<16xf32>,
        %parallel_loop3A_378 = tpu.vector_load_idx %arg4[%parallel_loop3A_375, %add3A_38] : memref<112x224xf32, #tpu.memory_space<vmem>>[vector<16xi32>, vector<16xi32>], vector<16xf32>,
        %parallel_loop3A_379 = tpu.vector_load_idx %arg4[%parallel_loop3A_375, %add3A_62] : memref<112x224xf32, #tpu.memory_space<vmem>>[vector<16xi32>, vector<16xi32>], vector<16xf32>,
        %parallel_loop3A_380 = arith.minimumf %parallel_loop3A_376, %parallel_loop3A_378 : vector<16xf32>
        %parallel_loop3A_381 = arith.maximumf %parallel_loop3A_376, %parallel_loop3A_378 : vector<16xf32>
        %parallel_loop3A_382 = arith.minimumf %parallel_loop3A_377, %parallel_loop3A_379 : vector<16xf32>
        %parallel_loop3A_383 = arith.maximumf %parallel_loop3A_377, %parallel_loop3A_379 : vector<16xf32>
        %parallel_loop3A_384 = arith.minimumf %parallel_loop3A_380, %parallel_loop3A_382 : vector<16xf32>
        %parallel_loop3A_385 = arith.maximumf %parallel_loop3A_381, %parallel_loop3A_383 : vector<16xf32>
        %parallel_loop3A_386 = arith.maximumf %parallel_loop3A_380, %parallel_loop3A_382 : vector<16xf32>
        %parallel_loop3A_387 = arith.minimumf %parallel_loop3A_381, %parallel_loop3A_383 : vector<16xf32>
        %parallel_loop3A_388 = arith.minimumf %parallel_loop3A_386, %parallel_loop3A_387 : vector<16xf32>
        %parallel_loop3A_389 = arith.maximumf %parallel_loop3A_386, %parallel_loop3A_387 : vector<16xf32>
        %parallel_loop3A_390 = arith.constant 0 : i32
        %parallel_loop3A_391 = arith.index_cast %parallel_loop3A_390 : i32 to index
        %parallel_loop3A_392 = arith.index_cast %parallel_loop3A_369 : i32 to index
        %parallel_loop3A_393 = arith.constant 0 : index
        %parallel_loop3A_394 = tpu.vector_load %arg6[%parallel_loop3A_391, %parallel_loop3A_392, %parallel_loop3A_393] {strides = array<i32>} : memref<4x56x112xf32, #tpu.memory_space<vmem>>, vector<16xf32>,
        tpu.vector_store %arg6[%parallel_loop3A_391, %parallel_loop3A_392, %parallel_loop3A_393], %parallel_loop3A_384 {strides = array<i32>} : memref<4x56x112xf32, #tpu.memory_space<vmem>>, vector<16xf32>,
        %parallel_loop3A_395 = arith.constant 1 : i32
        %parallel_loop3A_396 = arith.index_cast %parallel_loop3A_395 : i32 to index
        %parallel_loop3A_397 = arith.index_cast %parallel_loop3A_369 : i32 to index
        %parallel_loop3A_398 = arith.constant 0 : index
        %parallel_loop3A_399 = tpu.vector_load %arg6[%parallel_loop3A_396, %parallel_loop3A_397, %parallel_loop3A_398] {strides = array<i32>} : memref<4x56x112xf32, #tpu.memory_space<vmem>>, vector<16xf32>,
        tpu.vector_store %arg6[%parallel_loop3A_396, %parallel_loop3A_397, %parallel_loop3A_398], %parallel_loop3A_388 {strides = array<i32>} : memref<4x56x112xf32, #tpu.memory_space<vmem>>, vector<16xf32>,
        %parallel_loop3A_400 = arith.constant 2 : i32
        %parallel_loop3A_401 = arith.index_cast %parallel_loop3A_400 : i32 to index
        %parallel_loop3A_402 = arith.index_cast %parallel_loop3A_369 : i32 to index
        %parallel_loop3A_403 = arith.constant 0 : index
        %parallel_loop3A_404 = tpu.vector_load %arg6[%parallel_loop3A_401, %parallel_loop3A_402, %parallel_loop3A_403] {strides = array<i32>} : memref<4x56x112xf32, #tpu.memory_space<vmem>>, vector<16xf32>,
        tpu.vector_store %arg6[%parallel_loop3A_401, %parallel_loop3A_402, %parallel_loop3A_403], %parallel_loop3A_389 {strides = array<i32>} : memref<4x56x112xf32, #tpu.memory_space<vmem>>, vector<16xf32>,
        %parallel_loop3A_405 = arith.constant 3 : i32
        %parallel_loop3A_406 = arith.index_cast %parallel_loop3A_405 : i32 to index
        %parallel_loop3A_407 = arith.index_cast %parallel_loop3A_369 : i32 to index
        %parallel_loop3A_408 = arith.constant 0 : index
        %parallel_loop3A_409 = tpu.vector_load %arg6[%parallel_loop3A_406, %parallel_loop3A_407, %parallel_loop3A_408] {strides = array<i32>} : memref<4x56x112xf32, #tpu.memory_space<vmem>>, vector<16xf32>,
        tpu.vector_store %arg6[%parallel_loop3A_406, %parallel_loop3A_407, %parallel_loop3A_408], %parallel_loop3A_385 {strides = array<i32>} : memref<4x56x112xf32, #tpu.memory_space<vmem>>, vector<16xf32>,
        %parallel_loop3A_410 = tpu.vector_load_idx %arg4[%parallel_loop3A_372, %add3A_41] : memref<112x224xf32, #tpu.memory_space<vmem>>[vector<16xi32>, vector<16xi32>], vector<16xf32>,
        %parallel_loop3A_411 = tpu.vector_load_idx %arg4[%parallel_loop3A_372, %add3A_68] : memref<112x224xf32, #tpu.memory_space<vmem>>[vector<16xi32>, vector<16xi32>], vector<16xf32>,
        %parallel_loop3A_412 = tpu.vector_load_idx %arg4[%parallel_loop3A_375, %add3A_41] : memref<112x224xf32, #tpu.memory_space<vmem>>[vector<16xi32>, vector<16xi32>], vector<16xf32>,
        %parallel_loop3A_413 = tpu.vector_load_idx %arg4[%parallel_loop3A_375, %add3A_68] : memref<112x224xf32, #tpu.memory_space<vmem>>[vector<16xi32>, vector<16xi32>], vector<16xf32>,
        %parallel_loop3A_414 = arith.minimumf %parallel_loop3A_410, %parallel_loop3A_412 : vector<16xf32>
        %parallel_loop3A_415 = arith.maximumf %parallel_loop3A_410, %parallel_loop3A_412 : vector<16xf32>
        %parallel_loop3A_416 = arith.minimumf %parallel_loop3A_411, %parallel_loop3A_413 : vector<16xf32>
        %parallel_loop3A_417 = arith.maximumf %parallel_loop3A_411, %parallel_loop3A_413 : vector<16xf32>
        %parallel_loop3A_418 = arith.minimumf %parallel_loop3A_414, %parallel_loop3A_416 : vector<16xf32>
        %parallel_loop3A_419 = arith.maximumf %parallel_loop3A_415, %parallel_loop3A_417 : vector<16xf32>
        %parallel_loop3A_420 = arith.maximumf %parallel_loop3A_414, %parallel_loop3A_416 : vector<16xf32>
        %parallel_loop3A_421 = arith.minimumf %parallel_loop3A_415, %parallel_loop3A_417 : vector<16xf32>
        %parallel_loop3A_422 = arith.minimumf %parallel_loop3A_420, %parallel_loop3A_421 : vector<16xf32>
        %parallel_loop3A_423 = arith.maximumf %parallel_loop3A_420, %parallel_loop3A_421 : vector<16xf32>
        %parallel_loop3A_424 = arith.constant 0 : i32
        %parallel_loop3A_425 = arith.index_cast %parallel_loop3A_424 : i32 to index
        %parallel_loop3A_426 = arith.index_cast %parallel_loop3A_369 : i32 to index
        %parallel_loop3A_427 = arith.constant 16 : index
        %parallel_loop3A_428 = tpu.vector_load %arg6[%parallel_loop3A_425, %parallel_loop3A_426, %parallel_loop3A_427] {strides = array<i32>} : memref<4x56x112xf32, #tpu.memory_space<vmem>>, vector<16xf32>,
        tpu.vector_store %arg6[%parallel_loop3A_425, %parallel_loop3A_426, %parallel_loop3A_427], %parallel_loop3A_418 {strides = array<i32>} : memref<4x56x112xf32, #tpu.memory_space<vmem>>, vector<16xf32>,
        %parallel_loop3A_429 = arith.constant 1 : i32
        %parallel_loop3A_430 = arith.index_cast %parallel_loop3A_429 : i32 to index
        %parallel_loop3A_431 = arith.index_cast %parallel_loop3A_369 : i32 to index
        %parallel_loop3A_432 = arith.constant 16 : index
        %parallel_loop3A_433 = tpu.vector_load %arg6[%parallel_loop3A_430, %parallel_loop3A_431, %parallel_loop3A_432] {strides = array<i32>} : memref<4x56x112xf32, #tpu.memory_space<vmem>>, vector<16xf32>,
        tpu.vector_store %arg6[%parallel_loop3A_430, %parallel_loop3A_431, %parallel_loop3A_432], %parallel_loop3A_422 {strides = array<i32>} : memref<4x56x112xf32, #tpu.memory_space<vmem>>, vector<16xf32>,
        %parallel_loop3A_434 = arith.constant 2 : i32
        %parallel_loop3A_435 = arith.index_cast %parallel_loop3A_434 : i32 to index
        %parallel_loop3A_436 = arith.index_cast %parallel_loop3A_369 : i32 to index
        %parallel_loop3A_437 = arith.constant 16 : index
        %parallel_loop3A_438 = tpu.vector_load %arg6[%parallel_loop3A_435, %parallel_loop3A_436, %parallel_loop3A_437] {strides = array<i32>} : memref<4x56x112xf32, #tpu.memory_space<vmem>>, vector<16xf32>,
        tpu.vector_store %arg6[%parallel_loop3A_435, %parallel_loop3A_436, %parallel_loop3A_437], %parallel_loop3A_423 {strides = array<i32>} : memref<4x56x112xf32, #tpu.memory_space<vmem>>, vector<16xf32>,
        %parallel_loop3A_439 = arith.constant 3 : i32
        %parallel_loop3A_440 = arith.index_cast %parallel_loop3A_439 : i32 to index
        %parallel_loop3A_441 = arith.index_cast %parallel_loop3A_369 : i32 to index
        %parallel_loop3A_442 = arith.constant 16 : index
        %parallel_loop3A_443 = tpu.vector_load %arg6[%parallel_loop3A_440, %parallel_loop3A_441, %parallel_loop3A_442] {strides = array<i32>} : memref<4x56x112xf32, #tpu.memory_space<vmem>>, vector<16xf32>,
        tpu.vector_store %arg6[%parallel_loop3A_440, %parallel_loop3A_441, %parallel_loop3A_442], %parallel_loop3A_419 {strides = array<i32>} : memref<4x56x112xf32, #tpu.memory_space<vmem>>, vector<16xf32>,
        %parallel_loop3A_444 = tpu.vector_load_idx %arg4[%parallel_loop3A_372, %add3A_44] : memref<112x224xf32, #tpu.memory_space<vmem>>[vector<16xi32>, vector<16xi32>], vector<16xf32>,
        %parallel_loop3A_445 = tpu.vector_load_idx %arg4[%parallel_loop3A_372, %add3A_74] : memref<112x224xf32, #tpu.memory_space<vmem>>[vector<16xi32>, vector<16xi32>], vector<16xf32>,
        %parallel_loop3A_446 = tpu.vector_load_idx %arg4[%parallel_loop3A_375, %add3A_44] : memref<112x224xf32, #tpu.memory_space<vmem>>[vector<16xi32>, vector<16xi32>], vector<16xf32>,
        %parallel_loop3A_447 = tpu.vector_load_idx %arg4[%parallel_loop3A_375, %add3A_74] : memref<112x224xf32, #tpu.memory_space<vmem>>[vector<16xi32>, vector<16xi32>], vector<16xf32>,
        %parallel_loop3A_448 = arith.minimumf %parallel_loop3A_444, %parallel_loop3A_446 : vector<16xf32>
        %parallel_loop3A_449 = arith.maximumf %parallel_loop3A_444, %parallel_loop3A_446 : vector<16xf32>
        %parallel_loop3A_450 = arith.minimumf %parallel_loop3A_445, %parallel_loop3A_447 : vector<16xf32>
        %parallel_loop3A_451 = arith.maximumf %parallel_loop3A_445, %parallel_loop3A_447 : vector<16xf32>
        %parallel_loop3A_452 = arith.minimumf %parallel_loop3A_448, %parallel_loop3A_450 : vector<16xf32>
        %parallel_loop3A_453 = arith.maximumf %parallel_loop3A_449, %parallel_loop3A_451 : vector<16xf32>
        %parallel_loop3A_454 = arith.maximumf %parallel_loop3A_448, %parallel_loop3A_450 : vector<16xf32>
        %parallel_loop3A_455 = arith.minimumf %parallel_loop3A_449, %parallel_loop3A_451 : vector<16xf32>
        %parallel_loop3A_456 = arith.minimumf %parallel_loop3A_454, %parallel_loop3A_455 : vector<16xf32>
        %parallel_loop3A_457 = arith.maximumf %parallel_loop3A_454, %parallel_loop3A_455 : vector<16xf32>
        %parallel_loop3A_458 = arith.constant 0 : i32
        %parallel_loop3A_459 = arith.index_cast %parallel_loop3A_458 : i32 to index
        %parallel_loop3A_460 = arith.index_cast %parallel_loop3A_369 : i32 to index
        %parallel_loop3A_461 = arith.constant 32 : index
        %parallel_loop3A_462 = tpu.vector_load %arg6[%parallel_loop3A_459, %parallel_loop3A_460, %parallel_loop3A_461] {strides = array<i32>} : memref<4x56x112xf32, #tpu.memory_space<vmem>>, vector<16xf32>,
        tpu.vector_store %arg6[%parallel_loop3A_459, %parallel_loop3A_460, %parallel_loop3A_461], %parallel_loop3A_452 {strides = array<i32>} : memref<4x56x112xf32, #tpu.memory_space<vmem>>, vector<16xf32>,
        %parallel_loop3A_463 = arith.constant 1 : i32
        %parallel_loop3A_464 = arith.index_cast %parallel_loop3A_463 : i32 to index
        %parallel_loop3A_465 = arith.index_cast %parallel_loop3A_369 : i32 to index
        %parallel_loop3A_466 = arith.constant 32 : index
        %parallel_loop3A_467 = tpu.vector_load %arg6[%parallel_loop3A_464, %parallel_loop3A_465, %parallel_loop3A_466] {strides = array<i32>} : memref<4x56x112xf32, #tpu.memory_space<vmem>>, vector<16xf32>,
        tpu.vector_store %arg6[%parallel_loop3A_464, %parallel_loop3A_465, %parallel_loop3A_466], %parallel_loop3A_456 {strides = array<i32>} : memref<4x56x112xf32, #tpu.memory_space<vmem>>, vector<16xf32>,
        %parallel_loop3A_468 = arith.constant 2 : i32
        %parallel_loop3A_469 = arith.index_cast %parallel_loop3A_468 : i32 to index
        %parallel_loop3A_470 = arith.index_cast %parallel_loop3A_369 : i32 to index
        %parallel_loop3A_471 = arith.constant 32 : index
        %parallel_loop3A_472 = tpu.vector_load %arg6[%parallel_loop3A_469, %parallel_loop3A_470, %parallel_loop3A_471] {strides = array<i32>} : memref<4x56x112xf32, #tpu.memory_space<vmem>>, vector<16xf32>,
        tpu.vector_store %arg6[%parallel_loop3A_469, %parallel_loop3A_470, %parallel_loop3A_471], %parallel_loop3A_457 {strides = array<i32>} : memref<4x56x112xf32, #tpu.memory_space<vmem>>, vector<16xf32>,
        %parallel_loop3A_473 = arith.constant 3 : i32
        %parallel_loop3A_474 = arith.index_cast %parallel_loop3A_473 : i32 to index
        %parallel_loop3A_475 = arith.index_cast %parallel_loop3A_369 : i32 to index
        %parallel_loop3A_476 = arith.constant 32 : index
        %parallel_loop3A_477 = tpu.vector_load %arg6[%parallel_loop3A_474, %parallel_loop3A_475, %parallel_loop3A_476] {strides = array<i32>} : memref<4x56x112xf32, #tpu.memory_space<vmem>>, vector<16xf32>,
        tpu.vector_store %arg6[%parallel_loop3A_474, %parallel_loop3A_475, %parallel_loop3A_476], %parallel_loop3A_453 {strides = array<i32>} : memref<4x56x112xf32, #tpu.memory_space<vmem>>, vector<16xf32>,
        %parallel_loop3A_478 = tpu.vector_load_idx %arg4[%parallel_loop3A_372, %add3A_47] : memref<112x224xf32, #tpu.memory_space<vmem>>[vector<16xi32>, vector<16xi32>], vector<16xf32>,
        %parallel_loop3A_479 = tpu.vector_load_idx %arg4[%parallel_loop3A_372, %add3A_80] : memref<112x224xf32, #tpu.memory_space<vmem>>[vector<16xi32>, vector<16xi32>], vector<16xf32>,
        %parallel_loop3A_480 = tpu.vector_load_idx %arg4[%parallel_loop3A_375, %add3A_47] : memref<112x224xf32, #tpu.memory_space<vmem>>[vector<16xi32>, vector<16xi32>], vector<16xf32>,
        %parallel_loop3A_481 = tpu.vector_load_idx %arg4[%parallel_loop3A_375, %add3A_80] : memref<112x224xf32, #tpu.memory_space<vmem>>[vector<16xi32>, vector<16xi32>], vector<16xf32>,
        %parallel_loop3A_482 = arith.minimumf %parallel_loop3A_478, %parallel_loop3A_480 : vector<16xf32>
        %parallel_loop3A_483 = arith.maximumf %parallel_loop3A_478, %parallel_loop3A_480 : vector<16xf32>
        %parallel_loop3A_484 = arith.minimumf %parallel_loop3A_479, %parallel_loop3A_481 : vector<16xf32>
        %parallel_loop3A_485 = arith.maximumf %parallel_loop3A_479, %parallel_loop3A_481 : vector<16xf32>
        %parallel_loop3A_486 = arith.minimumf %parallel_loop3A_482, %parallel_loop3A_484 : vector<16xf32>
        %parallel_loop3A_487 = arith.maximumf %parallel_loop3A_483, %parallel_loop3A_485 : vector<16xf32>
        %parallel_loop3A_488 = arith.maximumf %parallel_loop3A_482, %parallel_loop3A_484 : vector<16xf32>
        %parallel_loop3A_489 = arith.minimumf %parallel_loop3A_483, %parallel_loop3A_485 : vector<16xf32>
        %parallel_loop3A_490 = arith.minimumf %parallel_loop3A_488, %parallel_loop3A_489 : vector<16xf32>
        %parallel_loop3A_491 = arith.maximumf %parallel_loop3A_488, %parallel_loop3A_489 : vector<16xf32>
        %parallel_loop3A_492 = arith.constant 0 : i32
        %parallel_loop3A_493 = arith.index_cast %parallel_loop3A_492 : i32 to index
        %parallel_loop3A_494 = arith.index_cast %parallel_loop3A_369 : i32 to index
        %parallel_loop3A_495 = arith.constant 48 : index
        %parallel_loop3A_496 = tpu.vector_load %arg6[%parallel_loop3A_493, %parallel_loop3A_494, %parallel_loop3A_495] {strides = array<i32>} : memref<4x56x112xf32, #tpu.memory_space<vmem>>, vector<16xf32>,
        tpu.vector_store %arg6[%parallel_loop3A_493, %parallel_loop3A_494, %parallel_loop3A_495], %parallel_loop3A_486 {strides = array<i32>} : memref<4x56x112xf32, #tpu.memory_space<vmem>>, vector<16xf32>,
        %parallel_loop3A_497 = arith.constant 1 : i32
        %parallel_loop3A_498 = arith.index_cast %parallel_loop3A_497 : i32 to index
        %parallel_loop3A_499 = arith.index_cast %parallel_loop3A_369 : i32 to index
        %parallel_loop3A_500 = arith.constant 48 : index
        %parallel_loop3A_501 = tpu.vector_load %arg6[%parallel_loop3A_498, %parallel_loop3A_499, %parallel_loop3A_500] {strides = array<i32>} : memref<4x56x112xf32, #tpu.memory_space<vmem>>, vector<16xf32>,
        tpu.vector_store %arg6[%parallel_loop3A_498, %parallel_loop3A_499, %parallel_loop3A_500], %parallel_loop3A_490 {strides = array<i32>} : memref<4x56x112xf32, #tpu.memory_space<vmem>>, vector<16xf32>,
        %parallel_loop3A_502 = arith.constant 2 : i32
        %parallel_loop3A_503 = arith.index_cast %parallel_loop3A_502 : i32 to index
        %parallel_loop3A_504 = arith.index_cast %parallel_loop3A_369 : i32 to index
        %parallel_loop3A_505 = arith.constant 48 : index
        %parallel_loop3A_506 = tpu.vector_load %arg6[%parallel_loop3A_503, %parallel_loop3A_504, %parallel_loop3A_505] {strides = array<i32>} : memref<4x56x112xf32, #tpu.memory_space<vmem>>, vector<16xf32>,
        tpu.vector_store %arg6[%parallel_loop3A_503, %parallel_loop3A_504, %parallel_loop3A_505], %parallel_loop3A_491 {strides = array<i32>} : memref<4x56x112xf32, #tpu.memory_space<vmem>>, vector<16xf32>,
        %parallel_loop3A_507 = arith.constant 3 : i32
        %parallel_loop3A_508 = arith.index_cast %parallel_loop3A_507 : i32 to index
        %parallel_loop3A_509 = arith.index_cast %parallel_loop3A_369 : i32 to index
        %parallel_loop3A_510 = arith.constant 48 : index
        %parallel_loop3A_511 = tpu.vector_load %arg6[%parallel_loop3A_508, %parallel_loop3A_509, %parallel_loop3A_510] {strides = array<i32>} : memref<4x56x112xf32, #tpu.memory_space<vmem>>, vector<16xf32>,
        tpu.vector_store %arg6[%parallel_loop3A_508, %parallel_loop3A_509, %parallel_loop3A_510], %parallel_loop3A_487 {strides = array<i32>} : memref<4x56x112xf32, #tpu.memory_space<vmem>>, vector<16xf32>,
        %parallel_loop3A_512 = tpu.vector_load_idx %arg4[%parallel_loop3A_372, %add3A_50] : memref<112x224xf32, #tpu.memory_space<vmem>>[vector<16xi32>, vector<16xi32>], vector<16xf32>,
        %parallel_loop3A_513 = tpu.vector_load_idx %arg4[%parallel_loop3A_372, %add3A_86] : memref<112x224xf32, #tpu.memory_space<vmem>>[vector<16xi32>, vector<16xi32>], vector<16xf32>,
        %parallel_loop3A_514 = tpu.vector_load_idx %arg4[%parallel_loop3A_375, %add3A_50] : memref<112x224xf32, #tpu.memory_space<vmem>>[vector<16xi32>, vector<16xi32>], vector<16xf32>,
        %parallel_loop3A_515 = tpu.vector_load_idx %arg4[%parallel_loop3A_375, %add3A_86] : memref<112x224xf32, #tpu.memory_space<vmem>>[vector<16xi32>, vector<16xi32>], vector<16xf32>,
        %parallel_loop3A_516 = arith.minimumf %parallel_loop3A_512, %parallel_loop3A_514 : vector<16xf32>
        %parallel_loop3A_517 = arith.maximumf %parallel_loop3A_512, %parallel_loop3A_514 : vector<16xf32>
        %parallel_loop3A_518 = arith.minimumf %parallel_loop3A_513, %parallel_loop3A_515 : vector<16xf32>
        %parallel_loop3A_519 = arith.maximumf %parallel_loop3A_513, %parallel_loop3A_515 : vector<16xf32>
        %parallel_loop3A_520 = arith.minimumf %parallel_loop3A_516, %parallel_loop3A_518 : vector<16xf32>
        %parallel_loop3A_521 = arith.maximumf %parallel_loop3A_517, %parallel_loop3A_519 : vector<16xf32>
        %parallel_loop3A_522 = arith.maximumf %parallel_loop3A_516, %parallel_loop3A_518 : vector<16xf32>
        %parallel_loop3A_523 = arith.minimumf %parallel_loop3A_517, %parallel_loop3A_519 : vector<16xf32>
        %parallel_loop3A_524 = arith.minimumf %parallel_loop3A_522, %parallel_loop3A_523 : vector<16xf32>
        %parallel_loop3A_525 = arith.maximumf %parallel_loop3A_522, %parallel_loop3A_523 : vector<16xf32>
        %parallel_loop3A_526 = arith.constant 0 : i32
        %parallel_loop3A_527 = arith.index_cast %parallel_loop3A_526 : i32 to index
        %parallel_loop3A_528 = arith.index_cast %parallel_loop3A_369 : i32 to index
        %parallel_loop3A_529 = arith.constant 64 : index
        %parallel_loop3A_530 = tpu.vector_load %arg6[%parallel_loop3A_527, %parallel_loop3A_528, %parallel_loop3A_529] {strides = array<i32>} : memref<4x56x112xf32, #tpu.memory_space<vmem>>, vector<16xf32>,
        tpu.vector_store %arg6[%parallel_loop3A_527, %parallel_loop3A_528, %parallel_loop3A_529], %parallel_loop3A_520 {strides = array<i32>} : memref<4x56x112xf32, #tpu.memory_space<vmem>>, vector<16xf32>,
        %parallel_loop3A_531 = arith.constant 1 : i32
        %parallel_loop3A_532 = arith.index_cast %parallel_loop3A_531 : i32 to index
        %parallel_loop3A_533 = arith.index_cast %parallel_loop3A_369 : i32 to index
        %parallel_loop3A_534 = arith.constant 64 : index
        %parallel_loop3A_535 = tpu.vector_load %arg6[%parallel_loop3A_532, %parallel_loop3A_533, %parallel_loop3A_534] {strides = array<i32>} : memref<4x56x112xf32, #tpu.memory_space<vmem>>, vector<16xf32>,
        tpu.vector_store %arg6[%parallel_loop3A_532, %parallel_loop3A_533, %parallel_loop3A_534], %parallel_loop3A_524 {strides = array<i32>} : memref<4x56x112xf32, #tpu.memory_space<vmem>>, vector<16xf32>,
        %parallel_loop3A_536 = arith.constant 2 : i32
        %parallel_loop3A_537 = arith.index_cast %parallel_loop3A_536 : i32 to index
        %parallel_loop3A_538 = arith.index_cast %parallel_loop3A_369 : i32 to index
        %parallel_loop3A_539 = arith.constant 64 : index
        %parallel_loop3A_540 = tpu.vector_load %arg6[%parallel_loop3A_537, %parallel_loop3A_538, %parallel_loop3A_539] {strides = array<i32>} : memref<4x56x112xf32, #tpu.memory_space<vmem>>, vector<16xf32>,
        tpu.vector_store %arg6[%parallel_loop3A_537, %parallel_loop3A_538, %parallel_loop3A_539], %parallel_loop3A_525 {strides = array<i32>} : memref<4x56x112xf32, #tpu.memory_space<vmem>>, vector<16xf32>,
        %parallel_loop3A_541 = arith.constant 3 : i32
        %parallel_loop3A_542 = arith.index_cast %parallel_loop3A_541 : i32 to index
        %parallel_loop3A_543 = arith.index_cast %parallel_loop3A_369 : i32 to index
        %parallel_loop3A_544 = arith.constant 64 : index
        %parallel_loop3A_545 = tpu.vector_load %arg6[%parallel_loop3A_542, %parallel_loop3A_543, %parallel_loop3A_544] {strides = array<i32>} : memref<4x56x112xf32, #tpu.memory_space<vmem>>, vector<16xf32>,
        tpu.vector_store %arg6[%parallel_loop3A_542, %parallel_loop3A_543, %parallel_loop3A_544], %parallel_loop3A_521 {strides = array<i32>} : memref<4x56x112xf32, #tpu.memory_space<vmem>>, vector<16xf32>,
        %parallel_loop3A_546 = tpu.vector_load_idx %arg4[%parallel_loop3A_372, %add3A_53] : memref<112x224xf32, #tpu.memory_space<vmem>>[vector<16xi32>, vector<16xi32>], vector<16xf32>,
        %parallel_loop3A_547 = tpu.vector_load_idx %arg4[%parallel_loop3A_372, %add3A_92] : memref<112x224xf32, #tpu.memory_space<vmem>>[vector<16xi32>, vector<16xi32>], vector<16xf32>,
        %parallel_loop3A_548 = tpu.vector_load_idx %arg4[%parallel_loop3A_375, %add3A_53] : memref<112x224xf32, #tpu.memory_space<vmem>>[vector<16xi32>, vector<16xi32>], vector<16xf32>,
        %parallel_loop3A_549 = tpu.vector_load_idx %arg4[%parallel_loop3A_375, %add3A_92] : memref<112x224xf32, #tpu.memory_space<vmem>>[vector<16xi32>, vector<16xi32>], vector<16xf32>,
        %parallel_loop3A_550 = arith.minimumf %parallel_loop3A_546, %parallel_loop3A_548 : vector<16xf32>
        %parallel_loop3A_551 = arith.maximumf %parallel_loop3A_546, %parallel_loop3A_548 : vector<16xf32>
        %parallel_loop3A_552 = arith.minimumf %parallel_loop3A_547, %parallel_loop3A_549 : vector<16xf32>
        %parallel_loop3A_553 = arith.maximumf %parallel_loop3A_547, %parallel_loop3A_549 : vector<16xf32>
        %parallel_loop3A_554 = arith.minimumf %parallel_loop3A_550, %parallel_loop3A_552 : vector<16xf32>
        %parallel_loop3A_555 = arith.maximumf %parallel_loop3A_551, %parallel_loop3A_553 : vector<16xf32>
        %parallel_loop3A_556 = arith.maximumf %parallel_loop3A_550, %parallel_loop3A_552 : vector<16xf32>
        %parallel_loop3A_557 = arith.minimumf %parallel_loop3A_551, %parallel_loop3A_553 : vector<16xf32>
        %parallel_loop3A_558 = arith.minimumf %parallel_loop3A_556, %parallel_loop3A_557 : vector<16xf32>
        %parallel_loop3A_559 = arith.maximumf %parallel_loop3A_556, %parallel_loop3A_557 : vector<16xf32>
        %parallel_loop3A_560 = arith.constant 0 : i32
        %parallel_loop3A_561 = arith.index_cast %parallel_loop3A_560 : i32 to index
        %parallel_loop3A_562 = arith.index_cast %parallel_loop3A_369 : i32 to index
        %parallel_loop3A_563 = arith.constant 80 : index
        %parallel_loop3A_564 = tpu.vector_load %arg6[%parallel_loop3A_561, %parallel_loop3A_562, %parallel_loop3A_563] {strides = array<i32>} : memref<4x56x112xf32, #tpu.memory_space<vmem>>, vector<16xf32>,
        tpu.vector_store %arg6[%parallel_loop3A_561, %parallel_loop3A_562, %parallel_loop3A_563], %parallel_loop3A_554 {strides = array<i32>} : memref<4x56x112xf32, #tpu.memory_space<vmem>>, vector<16xf32>,
        %parallel_loop3A_565 = arith.constant 1 : i32
        %parallel_loop3A_566 = arith.index_cast %parallel_loop3A_565 : i32 to index
        %parallel_loop3A_567 = arith.index_cast %parallel_loop3A_369 : i32 to index
        %parallel_loop3A_568 = arith.constant 80 : index
        %parallel_loop3A_569 = tpu.vector_load %arg6[%parallel_loop3A_566, %parallel_loop3A_567, %parallel_loop3A_568] {strides = array<i32>} : memref<4x56x112xf32, #tpu.memory_space<vmem>>, vector<16xf32>,
        tpu.vector_store %arg6[%parallel_loop3A_566, %parallel_loop3A_567, %parallel_loop3A_568], %parallel_loop3A_558 {strides = array<i32>} : memref<4x56x112xf32, #tpu.memory_space<vmem>>, vector<16xf32>,
        %parallel_loop3A_570 = arith.constant 2 : i32
        %parallel_loop3A_571 = arith.index_cast %parallel_loop3A_570 : i32 to index
        %parallel_loop3A_572 = arith.index_cast %parallel_loop3A_369 : i32 to index
        %parallel_loop3A_573 = arith.constant 80 : index
        %parallel_loop3A_574 = tpu.vector_load %arg6[%parallel_loop3A_571, %parallel_loop3A_572, %parallel_loop3A_573] {strides = array<i32>} : memref<4x56x112xf32, #tpu.memory_space<vmem>>, vector<16xf32>,
        tpu.vector_store %arg6[%parallel_loop3A_571, %parallel_loop3A_572, %parallel_loop3A_573], %parallel_loop3A_559 {strides = array<i32>} : memref<4x56x112xf32, #tpu.memory_space<vmem>>, vector<16xf32>,
        %parallel_loop3A_575 = arith.constant 3 : i32
        %parallel_loop3A_576 = arith.index_cast %parallel_loop3A_575 : i32 to index
        %parallel_loop3A_577 = arith.index_cast %parallel_loop3A_369 : i32 to index
        %parallel_loop3A_578 = arith.constant 80 : index
        %parallel_loop3A_579 = tpu.vector_load %arg6[%parallel_loop3A_576, %parallel_loop3A_577, %parallel_loop3A_578] {strides = array<i32>} : memref<4x56x112xf32, #tpu.memory_space<vmem>>, vector<16xf32>,
        tpu.vector_store %arg6[%parallel_loop3A_576, %parallel_loop3A_577, %parallel_loop3A_578], %parallel_loop3A_555 {strides = array<i32>} : memref<4x56x112xf32, #tpu.memory_space<vmem>>, vector<16xf32>,
        %parallel_loop3A_580 = tpu.vector_load_idx %arg4[%parallel_loop3A_372, %add3A_56] : memref<112x224xf32, #tpu.memory_space<vmem>>[vector<16xi32>, vector<16xi32>], vector<16xf32>,
        %parallel_loop3A_581 = tpu.vector_load_idx %arg4[%parallel_loop3A_372, %add3A_98] : memref<112x224xf32, #tpu.memory_space<vmem>>[vector<16xi32>, vector<16xi32>], vector<16xf32>,
        %parallel_loop3A_582 = tpu.vector_load_idx %arg4[%parallel_loop3A_375, %add3A_56] : memref<112x224xf32, #tpu.memory_space<vmem>>[vector<16xi32>, vector<16xi32>], vector<16xf32>,
        %parallel_loop3A_583 = tpu.vector_load_idx %arg4[%parallel_loop3A_375, %add3A_98] : memref<112x224xf32, #tpu.memory_space<vmem>>[vector<16xi32>, vector<16xi32>], vector<16xf32>,
        %parallel_loop3A_584 = arith.minimumf %parallel_loop3A_580, %parallel_loop3A_582 : vector<16xf32>
        %parallel_loop3A_585 = arith.maximumf %parallel_loop3A_580, %parallel_loop3A_582 : vector<16xf32>
        %parallel_loop3A_586 = arith.minimumf %parallel_loop3A_581, %parallel_loop3A_583 : vector<16xf32>
        %parallel_loop3A_587 = arith.maximumf %parallel_loop3A_581, %parallel_loop3A_583 : vector<16xf32>
        %parallel_loop3A_588 = arith.minimumf %parallel_loop3A_584, %parallel_loop3A_586 : vector<16xf32>
        %parallel_loop3A_589 = arith.maximumf %parallel_loop3A_585, %parallel_loop3A_587 : vector<16xf32>
        %parallel_loop3A_590 = arith.maximumf %parallel_loop3A_584, %parallel_loop3A_586 : vector<16xf32>
        %parallel_loop3A_591 = arith.minimumf %parallel_loop3A_585, %parallel_loop3A_587 : vector<16xf32>
        %parallel_loop3A_592 = arith.minimumf %parallel_loop3A_590, %parallel_loop3A_591 : vector<16xf32>
        %parallel_loop3A_593 = arith.maximumf %parallel_loop3A_590, %parallel_loop3A_591 : vector<16xf32>
        %parallel_loop3A_594 = arith.constant 0 : i32
        %parallel_loop3A_595 = arith.index_cast %parallel_loop3A_594 : i32 to index
        %parallel_loop3A_596 = arith.index_cast %parallel_loop3A_369 : i32 to index
        %parallel_loop3A_597 = arith.constant 96 : index
        %parallel_loop3A_598 = tpu.vector_load %arg6[%parallel_loop3A_595, %parallel_loop3A_596, %parallel_loop3A_597] {strides = array<i32>} : memref<4x56x112xf32, #tpu.memory_space<vmem>>, vector<16xf32>,
        tpu.vector_store %arg6[%parallel_loop3A_595, %parallel_loop3A_596, %parallel_loop3A_597], %parallel_loop3A_588 {strides = array<i32>} : memref<4x56x112xf32, #tpu.memory_space<vmem>>, vector<16xf32>,
        %parallel_loop3A_599 = arith.constant 1 : i32
        %parallel_loop3A_600 = arith.index_cast %parallel_loop3A_599 : i32 to index
        %parallel_loop3A_601 = arith.index_cast %parallel_loop3A_369 : i32 to index
        %parallel_loop3A_602 = arith.constant 96 : index
        %parallel_loop3A_603 = tpu.vector_load %arg6[%parallel_loop3A_600, %parallel_loop3A_601, %parallel_loop3A_602] {strides = array<i32>} : memref<4x56x112xf32, #tpu.memory_space<vmem>>, vector<16xf32>,
        tpu.vector_store %arg6[%parallel_loop3A_600, %parallel_loop3A_601, %parallel_loop3A_602], %parallel_loop3A_592 {strides = array<i32>} : memref<4x56x112xf32, #tpu.memory_space<vmem>>, vector<16xf32>,
        %parallel_loop3A_604 = arith.constant 2 : i32
        %parallel_loop3A_605 = arith.index_cast %parallel_loop3A_604 : i32 to index
        %parallel_loop3A_606 = arith.index_cast %parallel_loop3A_369 : i32 to index
        %parallel_loop3A_607 = arith.constant 96 : index
        %parallel_loop3A_608 = tpu.vector_load %arg6[%parallel_loop3A_605, %parallel_loop3A_606, %parallel_loop3A_607] {strides = array<i32>} : memref<4x56x112xf32, #tpu.memory_space<vmem>>, vector<16xf32>,
        tpu.vector_store %arg6[%parallel_loop3A_605, %parallel_loop3A_606, %parallel_loop3A_607], %parallel_loop3A_593 {strides = array<i32>} : memref<4x56x112xf32, #tpu.memory_space<vmem>>, vector<16xf32>,
        %parallel_loop3A_609 = arith.constant 3 : i32
        %parallel_loop3A_610 = arith.index_cast %parallel_loop3A_609 : i32 to index
        %parallel_loop3A_611 = arith.index_cast %parallel_loop3A_369 : i32 to index
        %parallel_loop3A_612 = arith.constant 96 : index
        %parallel_loop3A_613 = tpu.vector_load %arg6[%parallel_loop3A_610, %parallel_loop3A_611, %parallel_loop3A_612] {strides = array<i32>} : memref<4x56x112xf32, #tpu.memory_space<vmem>>, vector<16xf32>,
        tpu.vector_store %arg6[%parallel_loop3A_610, %parallel_loop3A_611, %parallel_loop3A_612], %parallel_loop3A_589 {strides = array<i32>} : memref<4x56x112xf32, #tpu.memory_space<vmem>>, vector<16xf32>,
      } {sc.loop_unroll_factor = 8 : i64, sc.parallel_access}
      %jit3A_201 = arith.constant 2 : i32
      %div3A_202 = arith.divsi %add3A_140, %jit3A_201 : i32
      %sign3A_203 = arith.constant 0 : i32
      %sign3A_204 = arith.cmpi sgt, %add3A_140, %sign3A_203 : i32
      %sign3A_205 = arith.extui %sign3A_204 : i1 to i32
      %sign3A_206 = arith.constant 0 : i32
      %sign3A_207 = arith.cmpi slt, %add3A_140, %sign3A_206 : i32
      %sign3A_208 = arith.extui %sign3A_207 : i1 to i32
      %sign3A_209 = arith.subi %sign3A_205, %sign3A_208 : i32
      %sign3A_210 = arith.constant 0 : i32
      %sign3A_211 = arith.cmpi sgt, %jit3A_201, %sign3A_210 : i32
      %sign3A_212 = arith.extui %sign3A_211 : i1 to i32
      %sign3A_213 = arith.constant 0 : i32
      %sign3A_214 = arith.cmpi slt, %jit3A_201, %sign3A_213 : i32
      %sign3A_215 = arith.extui %sign3A_214 : i1 to i32
      %sign3A_216 = arith.subi %sign3A_212, %sign3A_215 : i32
      %ne3A_217 = arith.cmpi ne, %sign3A_209, %sign3A_216 : i32
      %rem3A_218 = arith.remsi %add3A_140, %jit3A_201 : i32
      %ne3A_219 = arith.constant 0 : i32
      %ne3A_220 = arith.cmpi ne, %rem3A_218, %ne3A_219 : i32
      %and3A_221 = arith.andi %ne3A_217, %ne3A_220 : i1
      %sub3A_222 = arith.constant 1 : i32
      %sub3A_223 = arith.subi %div3A_202, %sub3A_222 : i32
      %select_n3A_224 = arith.select %and3A_221, %sub3A_223, %div3A_202 : i32
      %add3A_225 = arith.addi %mul3A_32, %select_n3A_224 : i32
      %jit3A_226 = arith.constant 2 : i32
      %eq3A_227 = arith.constant 0 : i32
      %eq3A_228 = arith.cmpi eq, %jit3A_226, %eq3A_227 : i32
      %jit3A_229 = arith.constant 1 : i32
      %select_n3A_230 = arith.select %eq3A_228, %jit3A_229, %jit3A_226 : i32
      %rem3A_231 = arith.remsi %add3A_140, %select_n3A_230 : i32
      %ne3A_232 = arith.constant 0 : i32
      %ne3A_233 = arith.cmpi ne, %rem3A_231, %ne3A_232 : i32
      %lt3A_234 = arith.constant 0 : i32
      %lt3A_235 = arith.cmpi slt, %rem3A_231, %lt3A_234 : i32
      %lt3A_236 = arith.constant 0 : i32
      %lt3A_237 = arith.cmpi slt, %select_n3A_230, %lt3A_236 : i32
      %ne3A_238 = arith.xori %lt3A_235, %lt3A_237 : i1
      %and3A_239 = arith.andi %ne3A_238, %ne3A_233 : i1
      %add3A_240 = arith.addi %rem3A_231, %select_n3A_230 : i32
      %select_n3A_241 = arith.select %and3A_239, %add3A_240, %rem3A_231 : i32
      %mul3A_242 = arith.constant 56 : i32
      %mul3A_243 = arith.muli %select_n3A_241, %mul3A_242 : i32
      %mul3A_244 = arith.constant 4 : i32
      %mul3A_245 = arith.muli %add3A_225, %mul3A_244 : i32
      %dma_start3A_246 = arith.constant 0 : i32
      %dma_start3A_247 = tpu.memref_slice %arg3[%select_n3A, %mul3A_245, %mul3A_243, %dma_start3A_246] : memref<4x768x112x112xf32, #tpu.memory_space<hbm>> -> memref<1x4x56x112xf32, #tpu.memory_space<hbm>>
      %dma_start3A_248 = tpu.memref_squeeze %dma_start3A_247 : memref<1x4x56x112xf32, #tpu.memory_space<hbm>> -> memref<4x56x112xf32, #tpu.memory_space<hbm>>
      %dma_start3A_249 = arith.constant 0 : i32
      %dma_start3A_250 = tpu.memref_slice %arg3[%select_n3A, %mul3A_245, %mul3A_243, %dma_start3A_249] : memref<4x768x112x112xf32, #tpu.memory_space<hbm>> -> memref<1x4x56x112xf32, #tpu.memory_space<hbm>>
      %dma_start3A_251 = tpu.memref_squeeze %dma_start3A_250 : memref<1x4x56x112xf32, #tpu.memory_space<hbm>> -> memref<4x56x112xf32, #tpu.memory_space<hbm>>
      tpu.enqueue_dma source(%arg6 : memref<4x56x112xf32, #tpu.memory_space<vmem>>) target(%dma_start3A_251 : memref<4x56x112xf32, #tpu.memory_space<hbm>>) target_semaphore(%arg10 : memref<!tpu.dma_semaphore, #tpu.memory_space<semaphore_mem>>)
      %add3A_252 = arith.constant 1 : i32
      %add3A_253 = arith.addi %mul3A_138, %add3A_252 : i32
      %add3A_254 = arith.constant 1 : i32
      %add3A_255 = arith.addi %add3A_253, %add3A_254 : i32
      %lt3A_256 = arith.constant 48 : i32
      %lt3A_257 = arith.cmpi slt, %add3A_255, %lt3A_256 : i32
      %convert_element_type3A_258 = arith.extui %lt3A_257 : i1 to i32
      %cond3A_259 = arith.constant 0 : i32
      %cond3A_260 = arith.cmpi ne, %convert_element_type3A_258, %cond3A_259 : i32
      scf.if %cond3A_260 {
        %add3A_369 = arith.constant 1 : i32
        %add3A_370 = arith.addi %add3A_253, %add3A_369 : i32
        %jit3A_371 = arith.constant 2 : i32
        %div3A_372 = arith.divsi %add3A_370, %jit3A_371 : i32
        %sign3A_373 = arith.constant 0 : i32
        %sign3A_374 = arith.cmpi sgt, %add3A_370, %sign3A_373 : i32
        %sign3A_375 = arith.extui %sign3A_374 : i1 to i32
        %sign3A_376 = arith.constant 0 : i32
        %sign3A_377 = arith.cmpi slt, %add3A_370, %sign3A_376 : i32
        %sign3A_378 = arith.extui %sign3A_377 : i1 to i32
        %sign3A_379 = arith.subi %sign3A_375, %sign3A_378 : i32
        %sign3A_380 = arith.constant 0 : i32
        %sign3A_381 = arith.cmpi sgt, %jit3A_371, %sign3A_380 : i32
        %sign3A_382 = arith.extui %sign3A_381 : i1 to i32
        %sign3A_383 = arith.constant 0 : i32
        %sign3A_384 = arith.cmpi slt, %jit3A_371, %sign3A_383 : i32
        %sign3A_385 = arith.extui %sign3A_384 : i1 to i32
        %sign3A_386 = arith.subi %sign3A_382, %sign3A_385 : i32
        %ne3A_387 = arith.cmpi ne, %sign3A_379, %sign3A_386 : i32
        %rem3A_388 = arith.remsi %add3A_370, %jit3A_371 : i32
        %ne3A_389 = arith.constant 0 : i32
        %ne3A_390 = arith.cmpi ne, %rem3A_388, %ne3A_389 : i32
        %and3A_391 = arith.andi %ne3A_387, %ne3A_390 : i1
        %sub3A_392 = arith.constant 1 : i32
        %sub3A_393 = arith.subi %div3A_372, %sub3A_392 : i32
        %select_n3A_394 = arith.select %and3A_391, %sub3A_393, %div3A_372 : i32
        %add3A_395 = arith.addi %mul3A_32, %select_n3A_394 : i32
        %jit3A_396 = arith.constant 2 : i32
        %eq3A_397 = arith.constant 0 : i32
        %eq3A_398 = arith.cmpi eq, %jit3A_396, %eq3A_397 : i32
        %jit3A_399 = arith.constant 1 : i32
        %select_n3A_400 = arith.select %eq3A_398, %jit3A_399, %jit3A_396 : i32
        %rem3A_401 = arith.remsi %add3A_370, %select_n3A_400 : i32
        %ne3A_402 = arith.constant 0 : i32
        %ne3A_403 = arith.cmpi ne, %rem3A_401, %ne3A_402 : i32
        %lt3A_404 = arith.constant 0 : i32
        %lt3A_405 = arith.cmpi slt, %rem3A_401, %lt3A_404 : i32
        %lt3A_406 = arith.constant 0 : i32
        %lt3A_407 = arith.cmpi slt, %select_n3A_400, %lt3A_406 : i32
        %ne3A_408 = arith.xori %lt3A_405, %lt3A_407 : i1
        %and3A_409 = arith.andi %ne3A_408, %ne3A_403 : i1
        %add3A_410 = arith.addi %rem3A_401, %select_n3A_400 : i32
        %select_n3A_411 = arith.select %and3A_409, %add3A_410, %rem3A_401 : i32
        %mul3A_412 = arith.constant 112 : i32
        %mul3A_413 = arith.muli %select_n3A_411, %mul3A_412 : i32
        %dma_start3A_414 = arith.constant 0 : i32
        %dma_start3A_415 = tpu.memref_slice %arg2[%select_n3A, %add3A_395, %mul3A_413, %dma_start3A_414] : memref<4x192x224x224xf32, #tpu.memory_space<hbm>> -> memref<1x1x112x224xf32, #tpu.memory_space<hbm>>
        %dma_start3A_416 = tpu.memref_squeeze %dma_start3A_415 : memref<1x1x112x224xf32, #tpu.memory_space<hbm>> -> memref<112x224xf32, #tpu.memory_space<hbm>>
        %dma_start3A_417 = arith.constant 0 : i32
        %dma_start3A_418 = tpu.memref_slice %arg2[%select_n3A, %add3A_395, %mul3A_413, %dma_start3A_417] : memref<4x192x224x224xf32, #tpu.memory_space<hbm>> -> memref<1x1x112x224xf32, #tpu.memory_space<hbm>>
        %dma_start3A_419 = tpu.memref_squeeze %dma_start3A_418 : memref<1x1x112x224xf32, #tpu.memory_space<hbm>> -> memref<112x224xf32, #tpu.memory_space<hbm>>
        tpu.enqueue_dma source(%dma_start3A_419 : memref<112x224xf32, #tpu.memory_space<hbm>>) target(%arg4 : memref<112x224xf32, #tpu.memory_space<vmem>>) target_semaphore(%arg8 : memref<!tpu.dma_semaphore, #tpu.memory_space<semaphore_mem>>)
      } else {
      }
      %jit3A_261 = arith.constant 2 : i32
      %div3A_262 = arith.divsi %add3A_253, %jit3A_261 : i32
      %sign3A_263 = arith.constant 0 : i32
      %sign3A_264 = arith.cmpi sgt, %add3A_253, %sign3A_263 : i32
      %sign3A_265 = arith.extui %sign3A_264 : i1 to i32
      %sign3A_266 = arith.constant 0 : i32
      %sign3A_267 = arith.cmpi slt, %add3A_253, %sign3A_266 : i32
      %sign3A_268 = arith.extui %sign3A_267 : i1 to i32
      %sign3A_269 = arith.subi %sign3A_265, %sign3A_268 : i32
      %sign3A_270 = arith.constant 0 : i32
      %sign3A_271 = arith.cmpi sgt, %jit3A_261, %sign3A_270 : i32
      %sign3A_272 = arith.extui %sign3A_271 : i1 to i32
      %sign3A_273 = arith.constant 0 : i32
      %sign3A_274 = arith.cmpi slt, %jit3A_261, %sign3A_273 : i32
      %sign3A_275 = arith.extui %sign3A_274 : i1 to i32
      %sign3A_276 = arith.subi %sign3A_272, %sign3A_275 : i32
      %ne3A_277 = arith.cmpi ne, %sign3A_269, %sign3A_276 : i32
      %rem3A_278 = arith.remsi %add3A_253, %jit3A_261 : i32
      %ne3A_279 = arith.constant 0 : i32
      %ne3A_280 = arith.cmpi ne, %rem3A_278, %ne3A_279 : i32
      %and3A_281 = arith.andi %ne3A_277, %ne3A_280 : i1
      %sub3A_282 = arith.constant 1 : i32
      %sub3A_283 = arith.subi %div3A_262, %sub3A_282 : i32
      %select_n3A_284 = arith.select %and3A_281, %sub3A_283, %div3A_262 : i32
      %add3A_285 = arith.addi %mul3A_32, %select_n3A_284 : i32
      %jit3A_286 = arith.constant 2 : i32
      %eq3A_287 = arith.constant 0 : i32
      %eq3A_288 = arith.cmpi eq, %jit3A_286, %eq3A_287 : i32
      %jit3A_289 = arith.constant 1 : i32
      %select_n3A_290 = arith.select %eq3A_288, %jit3A_289, %jit3A_286 : i32
      %rem3A_291 = arith.remsi %add3A_253, %select_n3A_290 : i32
      %ne3A_292 = arith.constant 0 : i32
      %ne3A_293 = arith.cmpi ne, %rem3A_291, %ne3A_292 : i32
      %lt3A_294 = arith.constant 0 : i32
      %lt3A_295 = arith.cmpi slt, %rem3A_291, %lt3A_294 : i32
      %lt3A_296 = arith.constant 0 : i32
      %lt3A_297 = arith.cmpi slt, %select_n3A_290, %lt3A_296 : i32
      %ne3A_298 = arith.xori %lt3A_295, %lt3A_297 : i1
      %and3A_299 = arith.andi %ne3A_298, %ne3A_293 : i1
      %add3A_300 = arith.addi %rem3A_291, %select_n3A_290 : i32
      %select_n3A_301 = arith.select %and3A_299, %add3A_300, %rem3A_291 : i32
      %mul3A_302 = arith.constant 112 : i32
      %mul3A_303 = arith.muli %select_n3A_301, %mul3A_302 : i32
      %dma_wait3A_304 = arith.constant 0 : i32
      %dma_wait3A_305 = tpu.memref_slice %arg2[%select_n3A, %add3A_285, %mul3A_303, %dma_wait3A_304] : memref<4x192x224x224xf32, #tpu.memory_space<hbm>> -> memref<1x1x112x224xf32, #tpu.memory_space<hbm>>
      %dma_wait3A_306 = tpu.memref_squeeze %dma_wait3A_305 : memref<1x1x112x224xf32, #tpu.memory_space<hbm>> -> memref<112x224xf32, #tpu.memory_space<hbm>>
      %dma_wait3A_307 = arith.constant 0 : i32
      %dma_wait3A_308 = tpu.memref_slice %arg2[%select_n3A, %add3A_285, %mul3A_303, %dma_wait3A_307] : memref<4x192x224x224xf32, #tpu.memory_space<hbm>> -> memref<1x1x112x224xf32, #tpu.memory_space<hbm>>
      %dma_wait3A_309 = tpu.memref_squeeze %dma_wait3A_308 : memref<1x1x112x224xf32, #tpu.memory_space<hbm>> -> memref<112x224xf32, #tpu.memory_space<hbm>>
      tpu.wait_dma2 semaphore(%arg9 : memref<!tpu.dma_semaphore, #tpu.memory_space<semaphore_mem>>) src(%dma_wait3A_309 : memref<112x224xf32, #tpu.memory_space<hbm>>) dst(%arg5 : memref<112x224xf32, #tpu.memory_space<vmem>>)
      %ge3A_310 = arith.constant 2 : i32
      %ge3A_311 = arith.cmpi sge, %add3A_253, %ge3A_310 : i32
      %convert_element_type3A_312 = arith.extui %ge3A_311 : i1 to i32
      %cond3A_313 = arith.constant 0 : i32
      %cond3A_314 = arith.cmpi ne, %convert_element_type3A_312, %cond3A_313 : i32
      scf.if %cond3A_314 {
        %sub3A_369 = arith.constant 2 : i32
        %sub3A_370 = arith.subi %add3A_253, %sub3A_369 : i32
        %jit3A_371 = arith.constant 2 : i32
        %div3A_372 = arith.divsi %sub3A_370, %jit3A_371 : i32
        %sign3A_373 = arith.constant 0 : i32
        %sign3A_374 = arith.cmpi sgt, %sub3A_370, %sign3A_373 : i32
        %sign3A_375 = arith.extui %sign3A_374 : i1 to i32
        %sign3A_376 = arith.constant 0 : i32
        %sign3A_377 = arith.cmpi slt, %sub3A_370, %sign3A_376 : i32
        %sign3A_378 = arith.extui %sign3A_377 : i1 to i32
        %sign3A_379 = arith.subi %sign3A_375, %sign3A_378 : i32
        %sign3A_380 = arith.constant 0 : i32
        %sign3A_381 = arith.cmpi sgt, %jit3A_371, %sign3A_380 : i32
        %sign3A_382 = arith.extui %sign3A_381 : i1 to i32
        %sign3A_383 = arith.constant 0 : i32
        %sign3A_384 = arith.cmpi slt, %jit3A_371, %sign3A_383 : i32
        %sign3A_385 = arith.extui %sign3A_384 : i1 to i32
        %sign3A_386 = arith.subi %sign3A_382, %sign3A_385 : i32
        %ne3A_387 = arith.cmpi ne, %sign3A_379, %sign3A_386 : i32
        %rem3A_388 = arith.remsi %sub3A_370, %jit3A_371 : i32
        %ne3A_389 = arith.constant 0 : i32
        %ne3A_390 = arith.cmpi ne, %rem3A_388, %ne3A_389 : i32
        %and3A_391 = arith.andi %ne3A_387, %ne3A_390 : i1
        %sub3A_392 = arith.constant 1 : i32
        %sub3A_393 = arith.subi %div3A_372, %sub3A_392 : i32
        %select_n3A_394 = arith.select %and3A_391, %sub3A_393, %div3A_372 : i32
        %add3A_395 = arith.addi %mul3A_32, %select_n3A_394 : i32
        %jit3A_396 = arith.constant 2 : i32
        %eq3A_397 = arith.constant 0 : i32
        %eq3A_398 = arith.cmpi eq, %jit3A_396, %eq3A_397 : i32
        %jit3A_399 = arith.constant 1 : i32
        %select_n3A_400 = arith.select %eq3A_398, %jit3A_399, %jit3A_396 : i32
        %rem3A_401 = arith.remsi %sub3A_370, %select_n3A_400 : i32
        %ne3A_402 = arith.constant 0 : i32
        %ne3A_403 = arith.cmpi ne, %rem3A_401, %ne3A_402 : i32
        %lt3A_404 = arith.constant 0 : i32
        %lt3A_405 = arith.cmpi slt, %rem3A_401, %lt3A_404 : i32
        %lt3A_406 = arith.constant 0 : i32
        %lt3A_407 = arith.cmpi slt, %select_n3A_400, %lt3A_406 : i32
        %ne3A_408 = arith.xori %lt3A_405, %lt3A_407 : i1
        %and3A_409 = arith.andi %ne3A_408, %ne3A_403 : i1
        %add3A_410 = arith.addi %rem3A_401, %select_n3A_400 : i32
        %select_n3A_411 = arith.select %and3A_409, %add3A_410, %rem3A_401 : i32
        %mul3A_412 = arith.constant 56 : i32
        %mul3A_413 = arith.muli %select_n3A_411, %mul3A_412 : i32
        %mul3A_414 = arith.constant 4 : i32
        %mul3A_415 = arith.muli %add3A_395, %mul3A_414 : i32
        %dma_wait3A_416 = arith.constant 0 : i32
        %dma_wait3A_417 = tpu.memref_slice %arg3[%select_n3A, %mul3A_415, %mul3A_413, %dma_wait3A_416] : memref<4x768x112x112xf32, #tpu.memory_space<hbm>> -> memref<1x4x56x112xf32, #tpu.memory_space<hbm>>
        %dma_wait3A_418 = tpu.memref_squeeze %dma_wait3A_417 : memref<1x4x56x112xf32, #tpu.memory_space<hbm>> -> memref<4x56x112xf32, #tpu.memory_space<hbm>>
        %dma_wait3A_419 = arith.constant 0 : i32
        %dma_wait3A_420 = tpu.memref_slice %arg3[%select_n3A, %mul3A_415, %mul3A_413, %dma_wait3A_419] : memref<4x768x112x112xf32, #tpu.memory_space<hbm>> -> memref<1x4x56x112xf32, #tpu.memory_space<hbm>>
        %dma_wait3A_421 = tpu.memref_squeeze %dma_wait3A_420 : memref<1x4x56x112xf32, #tpu.memory_space<hbm>> -> memref<4x56x112xf32, #tpu.memory_space<hbm>>
        tpu.wait_dma2 semaphore(%arg11 : memref<!tpu.dma_semaphore, #tpu.memory_space<semaphore_mem>>) src(%arg7 : memref<4x56x112xf32, #tpu.memory_space<vmem>>) dst(%dma_wait3A_421 : memref<4x56x112xf32, #tpu.memory_space<hbm>>)
      } else {
      }
      %parallel_loop3A_315 = arith.constant 0 : i32
      %parallel_loop3A_316 = arith.constant 56 : i32
      %parallel_loop3A_317 = arith.constant 1 : i32
      scf.for %parallel_loop3A_369 = %parallel_loop3A_315 to %parallel_loop3A_316 step %parallel_loop3A_317  : i32 {
        %parallel_loop3A_370 = arith.constant 2 : i32
        %parallel_loop3A_371 = arith.muli %parallel_loop3A_370, %parallel_loop3A_369 : i32
        %parallel_loop3A_372 = vector.broadcast %parallel_loop3A_371 : i32 to vector<16xi32>
        %parallel_loop3A_373 = arith.constant 1 : i32
        %parallel_loop3A_374 = vector.broadcast %parallel_loop3A_373 : i32 to vector<16xi32>
        %parallel_loop3A_375 = arith.addi %parallel_loop3A_372, %parallel_loop3A_374 : vector<16xi32>
        %parallel_loop3A_376 = tpu.vector_load_idx %arg5[%parallel_loop3A_372, %add3A_38] : memref<112x224xf32, #tpu.memory_space<vmem>>[vector<16xi32>, vector<16xi32>], vector<16xf32>,
        %parallel_loop3A_377 = tpu.vector_load_idx %arg5[%parallel_loop3A_372, %add3A_62] : memref<112x224xf32, #tpu.memory_space<vmem>>[vector<16xi32>, vector<16xi32>], vector<16xf32>,
        %parallel_loop3A_378 = tpu.vector_load_idx %arg5[%parallel_loop3A_375, %add3A_38] : memref<112x224xf32, #tpu.memory_space<vmem>>[vector<16xi32>, vector<16xi32>], vector<16xf32>,
        %parallel_loop3A_379 = tpu.vector_load_idx %arg5[%parallel_loop3A_375, %add3A_62] : memref<112x224xf32, #tpu.memory_space<vmem>>[vector<16xi32>, vector<16xi32>], vector<16xf32>,
        %parallel_loop3A_380 = arith.minimumf %parallel_loop3A_376, %parallel_loop3A_378 : vector<16xf32>
        %parallel_loop3A_381 = arith.maximumf %parallel_loop3A_376, %parallel_loop3A_378 : vector<16xf32>
        %parallel_loop3A_382 = arith.minimumf %parallel_loop3A_377, %parallel_loop3A_379 : vector<16xf32>
        %parallel_loop3A_383 = arith.maximumf %parallel_loop3A_377, %parallel_loop3A_379 : vector<16xf32>
        %parallel_loop3A_384 = arith.minimumf %parallel_loop3A_380, %parallel_loop3A_382 : vector<16xf32>
        %parallel_loop3A_385 = arith.maximumf %parallel_loop3A_381, %parallel_loop3A_383 : vector<16xf32>
        %parallel_loop3A_386 = arith.maximumf %parallel_loop3A_380, %parallel_loop3A_382 : vector<16xf32>
        %parallel_loop3A_387 = arith.minimumf %parallel_loop3A_381, %parallel_loop3A_383 : vector<16xf32>
        %parallel_loop3A_388 = arith.minimumf %parallel_loop3A_386, %parallel_loop3A_387 : vector<16xf32>
        %parallel_loop3A_389 = arith.maximumf %parallel_loop3A_386, %parallel_loop3A_387 : vector<16xf32>
        %parallel_loop3A_390 = arith.constant 0 : i32
        %parallel_loop3A_391 = arith.index_cast %parallel_loop3A_390 : i32 to index
        %parallel_loop3A_392 = arith.index_cast %parallel_loop3A_369 : i32 to index
        %parallel_loop3A_393 = arith.constant 0 : index
        %parallel_loop3A_394 = tpu.vector_load %arg7[%parallel_loop3A_391, %parallel_loop3A_392, %parallel_loop3A_393] {strides = array<i32>} : memref<4x56x112xf32, #tpu.memory_space<vmem>>, vector<16xf32>,
        tpu.vector_store %arg7[%parallel_loop3A_391, %parallel_loop3A_392, %parallel_loop3A_393], %parallel_loop3A_384 {strides = array<i32>} : memref<4x56x112xf32, #tpu.memory_space<vmem>>, vector<16xf32>,
        %parallel_loop3A_395 = arith.constant 1 : i32
        %parallel_loop3A_396 = arith.index_cast %parallel_loop3A_395 : i32 to index
        %parallel_loop3A_397 = arith.index_cast %parallel_loop3A_369 : i32 to index
        %parallel_loop3A_398 = arith.constant 0 : index
        %parallel_loop3A_399 = tpu.vector_load %arg7[%parallel_loop3A_396, %parallel_loop3A_397, %parallel_loop3A_398] {strides = array<i32>} : memref<4x56x112xf32, #tpu.memory_space<vmem>>, vector<16xf32>,
        tpu.vector_store %arg7[%parallel_loop3A_396, %parallel_loop3A_397, %parallel_loop3A_398], %parallel_loop3A_388 {strides = array<i32>} : memref<4x56x112xf32, #tpu.memory_space<vmem>>, vector<16xf32>,
        %parallel_loop3A_400 = arith.constant 2 : i32
        %parallel_loop3A_401 = arith.index_cast %parallel_loop3A_400 : i32 to index
        %parallel_loop3A_402 = arith.index_cast %parallel_loop3A_369 : i32 to index
        %parallel_loop3A_403 = arith.constant 0 : index
        %parallel_loop3A_404 = tpu.vector_load %arg7[%parallel_loop3A_401, %parallel_loop3A_402, %parallel_loop3A_403] {strides = array<i32>} : memref<4x56x112xf32, #tpu.memory_space<vmem>>, vector<16xf32>,
        tpu.vector_store %arg7[%parallel_loop3A_401, %parallel_loop3A_402, %parallel_loop3A_403], %parallel_loop3A_389 {strides = array<i32>} : memref<4x56x112xf32, #tpu.memory_space<vmem>>, vector<16xf32>,
        %parallel_loop3A_405 = arith.constant 3 : i32
        %parallel_loop3A_406 = arith.index_cast %parallel_loop3A_405 : i32 to index
        %parallel_loop3A_407 = arith.index_cast %parallel_loop3A_369 : i32 to index
        %parallel_loop3A_408 = arith.constant 0 : index
        %parallel_loop3A_409 = tpu.vector_load %arg7[%parallel_loop3A_406, %parallel_loop3A_407, %parallel_loop3A_408] {strides = array<i32>} : memref<4x56x112xf32, #tpu.memory_space<vmem>>, vector<16xf32>,
        tpu.vector_store %arg7[%parallel_loop3A_406, %parallel_loop3A_407, %parallel_loop3A_408], %parallel_loop3A_385 {strides = array<i32>} : memref<4x56x112xf32, #tpu.memory_space<vmem>>, vector<16xf32>,
        %parallel_loop3A_410 = tpu.vector_load_idx %arg5[%parallel_loop3A_372, %add3A_41] : memref<112x224xf32, #tpu.memory_space<vmem>>[vector<16xi32>, vector<16xi32>], vector<16xf32>,
        %parallel_loop3A_411 = tpu.vector_load_idx %arg5[%parallel_loop3A_372, %add3A_68] : memref<112x224xf32, #tpu.memory_space<vmem>>[vector<16xi32>, vector<16xi32>], vector<16xf32>,
        %parallel_loop3A_412 = tpu.vector_load_idx %arg5[%parallel_loop3A_375, %add3A_41] : memref<112x224xf32, #tpu.memory_space<vmem>>[vector<16xi32>, vector<16xi32>], vector<16xf32>,
        %parallel_loop3A_413 = tpu.vector_load_idx %arg5[%parallel_loop3A_375, %add3A_68] : memref<112x224xf32, #tpu.memory_space<vmem>>[vector<16xi32>, vector<16xi32>], vector<16xf32>,
        %parallel_loop3A_414 = arith.minimumf %parallel_loop3A_410, %parallel_loop3A_412 : vector<16xf32>
        %parallel_loop3A_415 = arith.maximumf %parallel_loop3A_410, %parallel_loop3A_412 : vector<16xf32>
        %parallel_loop3A_416 = arith.minimumf %parallel_loop3A_411, %parallel_loop3A_413 : vector<16xf32>
        %parallel_loop3A_417 = arith.maximumf %parallel_loop3A_411, %parallel_loop3A_413 : vector<16xf32>
        %parallel_loop3A_418 = arith.minimumf %parallel_loop3A_414, %parallel_loop3A_416 : vector<16xf32>
        %parallel_loop3A_419 = arith.maximumf %parallel_loop3A_415, %parallel_loop3A_417 : vector<16xf32>
        %parallel_loop3A_420 = arith.maximumf %parallel_loop3A_414, %parallel_loop3A_416 : vector<16xf32>
        %parallel_loop3A_421 = arith.minimumf %parallel_loop3A_415, %parallel_loop3A_417 : vector<16xf32>
        %parallel_loop3A_422 = arith.minimumf %parallel_loop3A_420, %parallel_loop3A_421 : vector<16xf32>
        %parallel_loop3A_423 = arith.maximumf %parallel_loop3A_420, %parallel_loop3A_421 : vector<16xf32>
        %parallel_loop3A_424 = arith.constant 0 : i32
        %parallel_loop3A_425 = arith.index_cast %parallel_loop3A_424 : i32 to index
        %parallel_loop3A_426 = arith.index_cast %parallel_loop3A_369 : i32 to index
        %parallel_loop3A_427 = arith.constant 16 : index
        %parallel_loop3A_428 = tpu.vector_load %arg7[%parallel_loop3A_425, %parallel_loop3A_426, %parallel_loop3A_427] {strides = array<i32>} : memref<4x56x112xf32, #tpu.memory_space<vmem>>, vector<16xf32>,
        tpu.vector_store %arg7[%parallel_loop3A_425, %parallel_loop3A_426, %parallel_loop3A_427], %parallel_loop3A_418 {strides = array<i32>} : memref<4x56x112xf32, #tpu.memory_space<vmem>>, vector<16xf32>,
        %parallel_loop3A_429 = arith.constant 1 : i32
        %parallel_loop3A_430 = arith.index_cast %parallel_loop3A_429 : i32 to index
        %parallel_loop3A_431 = arith.index_cast %parallel_loop3A_369 : i32 to index
        %parallel_loop3A_432 = arith.constant 16 : index
        %parallel_loop3A_433 = tpu.vector_load %arg7[%parallel_loop3A_430, %parallel_loop3A_431, %parallel_loop3A_432] {strides = array<i32>} : memref<4x56x112xf32, #tpu.memory_space<vmem>>, vector<16xf32>,
        tpu.vector_store %arg7[%parallel_loop3A_430, %parallel_loop3A_431, %parallel_loop3A_432], %parallel_loop3A_422 {strides = array<i32>} : memref<4x56x112xf32, #tpu.memory_space<vmem>>, vector<16xf32>,
        %parallel_loop3A_434 = arith.constant 2 : i32
        %parallel_loop3A_435 = arith.index_cast %parallel_loop3A_434 : i32 to index
        %parallel_loop3A_436 = arith.index_cast %parallel_loop3A_369 : i32 to index
        %parallel_loop3A_437 = arith.constant 16 : index
        %parallel_loop3A_438 = tpu.vector_load %arg7[%parallel_loop3A_435, %parallel_loop3A_436, %parallel_loop3A_437] {strides = array<i32>} : memref<4x56x112xf32, #tpu.memory_space<vmem>>, vector<16xf32>,
        tpu.vector_store %arg7[%parallel_loop3A_435, %parallel_loop3A_436, %parallel_loop3A_437], %parallel_loop3A_423 {strides = array<i32>} : memref<4x56x112xf32, #tpu.memory_space<vmem>>, vector<16xf32>,
        %parallel_loop3A_439 = arith.constant 3 : i32
        %parallel_loop3A_440 = arith.index_cast %parallel_loop3A_439 : i32 to index
        %parallel_loop3A_441 = arith.index_cast %parallel_loop3A_369 : i32 to index
        %parallel_loop3A_442 = arith.constant 16 : index
        %parallel_loop3A_443 = tpu.vector_load %arg7[%parallel_loop3A_440, %parallel_loop3A_441, %parallel_loop3A_442] {strides = array<i32>} : memref<4x56x112xf32, #tpu.memory_space<vmem>>, vector<16xf32>,
        tpu.vector_store %arg7[%parallel_loop3A_440, %parallel_loop3A_441, %parallel_loop3A_442], %parallel_loop3A_419 {strides = array<i32>} : memref<4x56x112xf32, #tpu.memory_space<vmem>>, vector<16xf32>,
        %parallel_loop3A_444 = tpu.vector_load_idx %arg5[%parallel_loop3A_372, %add3A_44] : memref<112x224xf32, #tpu.memory_space<vmem>>[vector<16xi32>, vector<16xi32>], vector<16xf32>,
        %parallel_loop3A_445 = tpu.vector_load_idx %arg5[%parallel_loop3A_372, %add3A_74] : memref<112x224xf32, #tpu.memory_space<vmem>>[vector<16xi32>, vector<16xi32>], vector<16xf32>,
        %parallel_loop3A_446 = tpu.vector_load_idx %arg5[%parallel_loop3A_375, %add3A_44] : memref<112x224xf32, #tpu.memory_space<vmem>>[vector<16xi32>, vector<16xi32>], vector<16xf32>,
        %parallel_loop3A_447 = tpu.vector_load_idx %arg5[%parallel_loop3A_375, %add3A_74] : memref<112x224xf32, #tpu.memory_space<vmem>>[vector<16xi32>, vector<16xi32>], vector<16xf32>,
        %parallel_loop3A_448 = arith.minimumf %parallel_loop3A_444, %parallel_loop3A_446 : vector<16xf32>
        %parallel_loop3A_449 = arith.maximumf %parallel_loop3A_444, %parallel_loop3A_446 : vector<16xf32>
        %parallel_loop3A_450 = arith.minimumf %parallel_loop3A_445, %parallel_loop3A_447 : vector<16xf32>
        %parallel_loop3A_451 = arith.maximumf %parallel_loop3A_445, %parallel_loop3A_447 : vector<16xf32>
        %parallel_loop3A_452 = arith.minimumf %parallel_loop3A_448, %parallel_loop3A_450 : vector<16xf32>
        %parallel_loop3A_453 = arith.maximumf %parallel_loop3A_449, %parallel_loop3A_451 : vector<16xf32>
        %parallel_loop3A_454 = arith.maximumf %parallel_loop3A_448, %parallel_loop3A_450 : vector<16xf32>
        %parallel_loop3A_455 = arith.minimumf %parallel_loop3A_449, %parallel_loop3A_451 : vector<16xf32>
        %parallel_loop3A_456 = arith.minimumf %parallel_loop3A_454, %parallel_loop3A_455 : vector<16xf32>
        %parallel_loop3A_457 = arith.maximumf %parallel_loop3A_454, %parallel_loop3A_455 : vector<16xf32>
        %parallel_loop3A_458 = arith.constant 0 : i32
        %parallel_loop3A_459 = arith.index_cast %parallel_loop3A_458 : i32 to index
        %parallel_loop3A_460 = arith.index_cast %parallel_loop3A_369 : i32 to index
        %parallel_loop3A_461 = arith.constant 32 : index
        %parallel_loop3A_462 = tpu.vector_load %arg7[%parallel_loop3A_459, %parallel_loop3A_460, %parallel_loop3A_461] {strides = array<i32>} : memref<4x56x112xf32, #tpu.memory_space<vmem>>, vector<16xf32>,
        tpu.vector_store %arg7[%parallel_loop3A_459, %parallel_loop3A_460, %parallel_loop3A_461], %parallel_loop3A_452 {strides = array<i32>} : memref<4x56x112xf32, #tpu.memory_space<vmem>>, vector<16xf32>,
        %parallel_loop3A_463 = arith.constant 1 : i32
        %parallel_loop3A_464 = arith.index_cast %parallel_loop3A_463 : i32 to index
        %parallel_loop3A_465 = arith.index_cast %parallel_loop3A_369 : i32 to index
        %parallel_loop3A_466 = arith.constant 32 : index
        %parallel_loop3A_467 = tpu.vector_load %arg7[%parallel_loop3A_464, %parallel_loop3A_465, %parallel_loop3A_466] {strides = array<i32>} : memref<4x56x112xf32, #tpu.memory_space<vmem>>, vector<16xf32>,
        tpu.vector_store %arg7[%parallel_loop3A_464, %parallel_loop3A_465, %parallel_loop3A_466], %parallel_loop3A_456 {strides = array<i32>} : memref<4x56x112xf32, #tpu.memory_space<vmem>>, vector<16xf32>,
        %parallel_loop3A_468 = arith.constant 2 : i32
        %parallel_loop3A_469 = arith.index_cast %parallel_loop3A_468 : i32 to index
        %parallel_loop3A_470 = arith.index_cast %parallel_loop3A_369 : i32 to index
        %parallel_loop3A_471 = arith.constant 32 : index
        %parallel_loop3A_472 = tpu.vector_load %arg7[%parallel_loop3A_469, %parallel_loop3A_470, %parallel_loop3A_471] {strides = array<i32>} : memref<4x56x112xf32, #tpu.memory_space<vmem>>, vector<16xf32>,
        tpu.vector_store %arg7[%parallel_loop3A_469, %parallel_loop3A_470, %parallel_loop3A_471], %parallel_loop3A_457 {strides = array<i32>} : memref<4x56x112xf32, #tpu.memory_space<vmem>>, vector<16xf32>,
        %parallel_loop3A_473 = arith.constant 3 : i32
        %parallel_loop3A_474 = arith.index_cast %parallel_loop3A_473 : i32 to index
        %parallel_loop3A_475 = arith.index_cast %parallel_loop3A_369 : i32 to index
        %parallel_loop3A_476 = arith.constant 32 : index
        %parallel_loop3A_477 = tpu.vector_load %arg7[%parallel_loop3A_474, %parallel_loop3A_475, %parallel_loop3A_476] {strides = array<i32>} : memref<4x56x112xf32, #tpu.memory_space<vmem>>, vector<16xf32>,
        tpu.vector_store %arg7[%parallel_loop3A_474, %parallel_loop3A_475, %parallel_loop3A_476], %parallel_loop3A_453 {strides = array<i32>} : memref<4x56x112xf32, #tpu.memory_space<vmem>>, vector<16xf32>,
        %parallel_loop3A_478 = tpu.vector_load_idx %arg5[%parallel_loop3A_372, %add3A_47] : memref<112x224xf32, #tpu.memory_space<vmem>>[vector<16xi32>, vector<16xi32>], vector<16xf32>,
        %parallel_loop3A_479 = tpu.vector_load_idx %arg5[%parallel_loop3A_372, %add3A_80] : memref<112x224xf32, #tpu.memory_space<vmem>>[vector<16xi32>, vector<16xi32>], vector<16xf32>,
        %parallel_loop3A_480 = tpu.vector_load_idx %arg5[%parallel_loop3A_375, %add3A_47] : memref<112x224xf32, #tpu.memory_space<vmem>>[vector<16xi32>, vector<16xi32>], vector<16xf32>,
        %parallel_loop3A_481 = tpu.vector_load_idx %arg5[%parallel_loop3A_375, %add3A_80] : memref<112x224xf32, #tpu.memory_space<vmem>>[vector<16xi32>, vector<16xi32>], vector<16xf32>,
        %parallel_loop3A_482 = arith.minimumf %parallel_loop3A_478, %parallel_loop3A_480 : vector<16xf32>
        %parallel_loop3A_483 = arith.maximumf %parallel_loop3A_478, %parallel_loop3A_480 : vector<16xf32>
        %parallel_loop3A_484 = arith.minimumf %parallel_loop3A_479, %parallel_loop3A_481 : vector<16xf32>
        %parallel_loop3A_485 = arith.maximumf %parallel_loop3A_479, %parallel_loop3A_481 : vector<16xf32>
        %parallel_loop3A_486 = arith.minimumf %parallel_loop3A_482, %parallel_loop3A_484 : vector<16xf32>
        %parallel_loop3A_487 = arith.maximumf %parallel_loop3A_483, %parallel_loop3A_485 : vector<16xf32>
        %parallel_loop3A_488 = arith.maximumf %parallel_loop3A_482, %parallel_loop3A_484 : vector<16xf32>
        %parallel_loop3A_489 = arith.minimumf %parallel_loop3A_483, %parallel_loop3A_485 : vector<16xf32>
        %parallel_loop3A_490 = arith.minimumf %parallel_loop3A_488, %parallel_loop3A_489 : vector<16xf32>
        %parallel_loop3A_491 = arith.maximumf %parallel_loop3A_488, %parallel_loop3A_489 : vector<16xf32>
        %parallel_loop3A_492 = arith.constant 0 : i32
        %parallel_loop3A_493 = arith.index_cast %parallel_loop3A_492 : i32 to index
        %parallel_loop3A_494 = arith.index_cast %parallel_loop3A_369 : i32 to index
        %parallel_loop3A_495 = arith.constant 48 : index
        %parallel_loop3A_496 = tpu.vector_load %arg7[%parallel_loop3A_493, %parallel_loop3A_494, %parallel_loop3A_495] {strides = array<i32>} : memref<4x56x112xf32, #tpu.memory_space<vmem>>, vector<16xf32>,
        tpu.vector_store %arg7[%parallel_loop3A_493, %parallel_loop3A_494, %parallel_loop3A_495], %parallel_loop3A_486 {strides = array<i32>} : memref<4x56x112xf32, #tpu.memory_space<vmem>>, vector<16xf32>,
        %parallel_loop3A_497 = arith.constant 1 : i32
        %parallel_loop3A_498 = arith.index_cast %parallel_loop3A_497 : i32 to index
        %parallel_loop3A_499 = arith.index_cast %parallel_loop3A_369 : i32 to index
        %parallel_loop3A_500 = arith.constant 48 : index
        %parallel_loop3A_501 = tpu.vector_load %arg7[%parallel_loop3A_498, %parallel_loop3A_499, %parallel_loop3A_500] {strides = array<i32>} : memref<4x56x112xf32, #tpu.memory_space<vmem>>, vector<16xf32>,
        tpu.vector_store %arg7[%parallel_loop3A_498, %parallel_loop3A_499, %parallel_loop3A_500], %parallel_loop3A_490 {strides = array<i32>} : memref<4x56x112xf32, #tpu.memory_space<vmem>>, vector<16xf32>,
        %parallel_loop3A_502 = arith.constant 2 : i32
        %parallel_loop3A_503 = arith.index_cast %parallel_loop3A_502 : i32 to index
        %parallel_loop3A_504 = arith.index_cast %parallel_loop3A_369 : i32 to index
        %parallel_loop3A_505 = arith.constant 48 : index
        %parallel_loop3A_506 = tpu.vector_load %arg7[%parallel_loop3A_503, %parallel_loop3A_504, %parallel_loop3A_505] {strides = array<i32>} : memref<4x56x112xf32, #tpu.memory_space<vmem>>, vector<16xf32>,
        tpu.vector_store %arg7[%parallel_loop3A_503, %parallel_loop3A_504, %parallel_loop3A_505], %parallel_loop3A_491 {strides = array<i32>} : memref<4x56x112xf32, #tpu.memory_space<vmem>>, vector<16xf32>,
        %parallel_loop3A_507 = arith.constant 3 : i32
        %parallel_loop3A_508 = arith.index_cast %parallel_loop3A_507 : i32 to index
        %parallel_loop3A_509 = arith.index_cast %parallel_loop3A_369 : i32 to index
        %parallel_loop3A_510 = arith.constant 48 : index
        %parallel_loop3A_511 = tpu.vector_load %arg7[%parallel_loop3A_508, %parallel_loop3A_509, %parallel_loop3A_510] {strides = array<i32>} : memref<4x56x112xf32, #tpu.memory_space<vmem>>, vector<16xf32>,
        tpu.vector_store %arg7[%parallel_loop3A_508, %parallel_loop3A_509, %parallel_loop3A_510], %parallel_loop3A_487 {strides = array<i32>} : memref<4x56x112xf32, #tpu.memory_space<vmem>>, vector<16xf32>,
        %parallel_loop3A_512 = tpu.vector_load_idx %arg5[%parallel_loop3A_372, %add3A_50] : memref<112x224xf32, #tpu.memory_space<vmem>>[vector<16xi32>, vector<16xi32>], vector<16xf32>,
        %parallel_loop3A_513 = tpu.vector_load_idx %arg5[%parallel_loop3A_372, %add3A_86] : memref<112x224xf32, #tpu.memory_space<vmem>>[vector<16xi32>, vector<16xi32>], vector<16xf32>,
        %parallel_loop3A_514 = tpu.vector_load_idx %arg5[%parallel_loop3A_375, %add3A_50] : memref<112x224xf32, #tpu.memory_space<vmem>>[vector<16xi32>, vector<16xi32>], vector<16xf32>,
        %parallel_loop3A_515 = tpu.vector_load_idx %arg5[%parallel_loop3A_375, %add3A_86] : memref<112x224xf32, #tpu.memory_space<vmem>>[vector<16xi32>, vector<16xi32>], vector<16xf32>,
        %parallel_loop3A_516 = arith.minimumf %parallel_loop3A_512, %parallel_loop3A_514 : vector<16xf32>
        %parallel_loop3A_517 = arith.maximumf %parallel_loop3A_512, %parallel_loop3A_514 : vector<16xf32>
        %parallel_loop3A_518 = arith.minimumf %parallel_loop3A_513, %parallel_loop3A_515 : vector<16xf32>
        %parallel_loop3A_519 = arith.maximumf %parallel_loop3A_513, %parallel_loop3A_515 : vector<16xf32>
        %parallel_loop3A_520 = arith.minimumf %parallel_loop3A_516, %parallel_loop3A_518 : vector<16xf32>
        %parallel_loop3A_521 = arith.maximumf %parallel_loop3A_517, %parallel_loop3A_519 : vector<16xf32>
        %parallel_loop3A_522 = arith.maximumf %parallel_loop3A_516, %parallel_loop3A_518 : vector<16xf32>
        %parallel_loop3A_523 = arith.minimumf %parallel_loop3A_517, %parallel_loop3A_519 : vector<16xf32>
        %parallel_loop3A_524 = arith.minimumf %parallel_loop3A_522, %parallel_loop3A_523 : vector<16xf32>
        %parallel_loop3A_525 = arith.maximumf %parallel_loop3A_522, %parallel_loop3A_523 : vector<16xf32>
        %parallel_loop3A_526 = arith.constant 0 : i32
        %parallel_loop3A_527 = arith.index_cast %parallel_loop3A_526 : i32 to index
        %parallel_loop3A_528 = arith.index_cast %parallel_loop3A_369 : i32 to index
        %parallel_loop3A_529 = arith.constant 64 : index
        %parallel_loop3A_530 = tpu.vector_load %arg7[%parallel_loop3A_527, %parallel_loop3A_528, %parallel_loop3A_529] {strides = array<i32>} : memref<4x56x112xf32, #tpu.memory_space<vmem>>, vector<16xf32>,
        tpu.vector_store %arg7[%parallel_loop3A_527, %parallel_loop3A_528, %parallel_loop3A_529], %parallel_loop3A_520 {strides = array<i32>} : memref<4x56x112xf32, #tpu.memory_space<vmem>>, vector<16xf32>,
        %parallel_loop3A_531 = arith.constant 1 : i32
        %parallel_loop3A_532 = arith.index_cast %parallel_loop3A_531 : i32 to index
        %parallel_loop3A_533 = arith.index_cast %parallel_loop3A_369 : i32 to index
        %parallel_loop3A_534 = arith.constant 64 : index
        %parallel_loop3A_535 = tpu.vector_load %arg7[%parallel_loop3A_532, %parallel_loop3A_533, %parallel_loop3A_534] {strides = array<i32>} : memref<4x56x112xf32, #tpu.memory_space<vmem>>, vector<16xf32>,
        tpu.vector_store %arg7[%parallel_loop3A_532, %parallel_loop3A_533, %parallel_loop3A_534], %parallel_loop3A_524 {strides = array<i32>} : memref<4x56x112xf32, #tpu.memory_space<vmem>>, vector<16xf32>,
        %parallel_loop3A_536 = arith.constant 2 : i32
        %parallel_loop3A_537 = arith.index_cast %parallel_loop3A_536 : i32 to index
        %parallel_loop3A_538 = arith.index_cast %parallel_loop3A_369 : i32 to index
        %parallel_loop3A_539 = arith.constant 64 : index
        %parallel_loop3A_540 = tpu.vector_load %arg7[%parallel_loop3A_537, %parallel_loop3A_538, %parallel_loop3A_539] {strides = array<i32>} : memref<4x56x112xf32, #tpu.memory_space<vmem>>, vector<16xf32>,
        tpu.vector_store %arg7[%parallel_loop3A_537, %parallel_loop3A_538, %parallel_loop3A_539], %parallel_loop3A_525 {strides = array<i32>} : memref<4x56x112xf32, #tpu.memory_space<vmem>>, vector<16xf32>,
        %parallel_loop3A_541 = arith.constant 3 : i32
        %parallel_loop3A_542 = arith.index_cast %parallel_loop3A_541 : i32 to index
        %parallel_loop3A_543 = arith.index_cast %parallel_loop3A_369 : i32 to index
        %parallel_loop3A_544 = arith.constant 64 : index
        %parallel_loop3A_545 = tpu.vector_load %arg7[%parallel_loop3A_542, %parallel_loop3A_543, %parallel_loop3A_544] {strides = array<i32>} : memref<4x56x112xf32, #tpu.memory_space<vmem>>, vector<16xf32>,
        tpu.vector_store %arg7[%parallel_loop3A_542, %parallel_loop3A_543, %parallel_loop3A_544], %parallel_loop3A_521 {strides = array<i32>} : memref<4x56x112xf32, #tpu.memory_space<vmem>>, vector<16xf32>,
        %parallel_loop3A_546 = tpu.vector_load_idx %arg5[%parallel_loop3A_372, %add3A_53] : memref<112x224xf32, #tpu.memory_space<vmem>>[vector<16xi32>, vector<16xi32>], vector<16xf32>,
        %parallel_loop3A_547 = tpu.vector_load_idx %arg5[%parallel_loop3A_372, %add3A_92] : memref<112x224xf32, #tpu.memory_space<vmem>>[vector<16xi32>, vector<16xi32>], vector<16xf32>,
        %parallel_loop3A_548 = tpu.vector_load_idx %arg5[%parallel_loop3A_375, %add3A_53] : memref<112x224xf32, #tpu.memory_space<vmem>>[vector<16xi32>, vector<16xi32>], vector<16xf32>,
        %parallel_loop3A_549 = tpu.vector_load_idx %arg5[%parallel_loop3A_375, %add3A_92] : memref<112x224xf32, #tpu.memory_space<vmem>>[vector<16xi32>, vector<16xi32>], vector<16xf32>,
        %parallel_loop3A_550 = arith.minimumf %parallel_loop3A_546, %parallel_loop3A_548 : vector<16xf32>
        %parallel_loop3A_551 = arith.maximumf %parallel_loop3A_546, %parallel_loop3A_548 : vector<16xf32>
        %parallel_loop3A_552 = arith.minimumf %parallel_loop3A_547, %parallel_loop3A_549 : vector<16xf32>
        %parallel_loop3A_553 = arith.maximumf %parallel_loop3A_547, %parallel_loop3A_549 : vector<16xf32>
        %parallel_loop3A_554 = arith.minimumf %parallel_loop3A_550, %parallel_loop3A_552 : vector<16xf32>
        %parallel_loop3A_555 = arith.maximumf %parallel_loop3A_551, %parallel_loop3A_553 : vector<16xf32>
        %parallel_loop3A_556 = arith.maximumf %parallel_loop3A_550, %parallel_loop3A_552 : vector<16xf32>
        %parallel_loop3A_557 = arith.minimumf %parallel_loop3A_551, %parallel_loop3A_553 : vector<16xf32>
        %parallel_loop3A_558 = arith.minimumf %parallel_loop3A_556, %parallel_loop3A_557 : vector<16xf32>
        %parallel_loop3A_559 = arith.maximumf %parallel_loop3A_556, %parallel_loop3A_557 : vector<16xf32>
        %parallel_loop3A_560 = arith.constant 0 : i32
        %parallel_loop3A_561 = arith.index_cast %parallel_loop3A_560 : i32 to index
        %parallel_loop3A_562 = arith.index_cast %parallel_loop3A_369 : i32 to index
        %parallel_loop3A_563 = arith.constant 80 : index
        %parallel_loop3A_564 = tpu.vector_load %arg7[%parallel_loop3A_561, %parallel_loop3A_562, %parallel_loop3A_563] {strides = array<i32>} : memref<4x56x112xf32, #tpu.memory_space<vmem>>, vector<16xf32>,
        tpu.vector_store %arg7[%parallel_loop3A_561, %parallel_loop3A_562, %parallel_loop3A_563], %parallel_loop3A_554 {strides = array<i32>} : memref<4x56x112xf32, #tpu.memory_space<vmem>>, vector<16xf32>,
        %parallel_loop3A_565 = arith.constant 1 : i32
        %parallel_loop3A_566 = arith.index_cast %parallel_loop3A_565 : i32 to index
        %parallel_loop3A_567 = arith.index_cast %parallel_loop3A_369 : i32 to index
        %parallel_loop3A_568 = arith.constant 80 : index
        %parallel_loop3A_569 = tpu.vector_load %arg7[%parallel_loop3A_566, %parallel_loop3A_567, %parallel_loop3A_568] {strides = array<i32>} : memref<4x56x112xf32, #tpu.memory_space<vmem>>, vector<16xf32>,
        tpu.vector_store %arg7[%parallel_loop3A_566, %parallel_loop3A_567, %parallel_loop3A_568], %parallel_loop3A_558 {strides = array<i32>} : memref<4x56x112xf32, #tpu.memory_space<vmem>>, vector<16xf32>,
        %parallel_loop3A_570 = arith.constant 2 : i32
        %parallel_loop3A_571 = arith.index_cast %parallel_loop3A_570 : i32 to index
        %parallel_loop3A_572 = arith.index_cast %parallel_loop3A_369 : i32 to index
        %parallel_loop3A_573 = arith.constant 80 : index
        %parallel_loop3A_574 = tpu.vector_load %arg7[%parallel_loop3A_571, %parallel_loop3A_572, %parallel_loop3A_573] {strides = array<i32>} : memref<4x56x112xf32, #tpu.memory_space<vmem>>, vector<16xf32>,
        tpu.vector_store %arg7[%parallel_loop3A_571, %parallel_loop3A_572, %parallel_loop3A_573], %parallel_loop3A_559 {strides = array<i32>} : memref<4x56x112xf32, #tpu.memory_space<vmem>>, vector<16xf32>,
        %parallel_loop3A_575 = arith.constant 3 : i32
        %parallel_loop3A_576 = arith.index_cast %parallel_loop3A_575 : i32 to index
        %parallel_loop3A_577 = arith.index_cast %parallel_loop3A_369 : i32 to index
        %parallel_loop3A_578 = arith.constant 80 : index
        %parallel_loop3A_579 = tpu.vector_load %arg7[%parallel_loop3A_576, %parallel_loop3A_577, %parallel_loop3A_578] {strides = array<i32>} : memref<4x56x112xf32, #tpu.memory_space<vmem>>, vector<16xf32>,
        tpu.vector_store %arg7[%parallel_loop3A_576, %parallel_loop3A_577, %parallel_loop3A_578], %parallel_loop3A_555 {strides = array<i32>} : memref<4x56x112xf32, #tpu.memory_space<vmem>>, vector<16xf32>,
        %parallel_loop3A_580 = tpu.vector_load_idx %arg5[%parallel_loop3A_372, %add3A_56] : memref<112x224xf32, #tpu.memory_space<vmem>>[vector<16xi32>, vector<16xi32>], vector<16xf32>,
        %parallel_loop3A_581 = tpu.vector_load_idx %arg5[%parallel_loop3A_372, %add3A_98] : memref<112x224xf32, #tpu.memory_space<vmem>>[vector<16xi32>, vector<16xi32>], vector<16xf32>,
        %parallel_loop3A_582 = tpu.vector_load_idx %arg5[%parallel_loop3A_375, %add3A_56] : memref<112x224xf32, #tpu.memory_space<vmem>>[vector<16xi32>, vector<16xi32>], vector<16xf32>,
        %parallel_loop3A_583 = tpu.vector_load_idx %arg5[%parallel_loop3A_375, %add3A_98] : memref<112x224xf32, #tpu.memory_space<vmem>>[vector<16xi32>, vector<16xi32>], vector<16xf32>,
        %parallel_loop3A_584 = arith.minimumf %parallel_loop3A_580, %parallel_loop3A_582 : vector<16xf32>
        %parallel_loop3A_585 = arith.maximumf %parallel_loop3A_580, %parallel_loop3A_582 : vector<16xf32>
        %parallel_loop3A_586 = arith.minimumf %parallel_loop3A_581, %parallel_loop3A_583 : vector<16xf32>
        %parallel_loop3A_587 = arith.maximumf %parallel_loop3A_581, %parallel_loop3A_583 : vector<16xf32>
        %parallel_loop3A_588 = arith.minimumf %parallel_loop3A_584, %parallel_loop3A_586 : vector<16xf32>
        %parallel_loop3A_589 = arith.maximumf %parallel_loop3A_585, %parallel_loop3A_587 : vector<16xf32>
        %parallel_loop3A_590 = arith.maximumf %parallel_loop3A_584, %parallel_loop3A_586 : vector<16xf32>
        %parallel_loop3A_591 = arith.minimumf %parallel_loop3A_585, %parallel_loop3A_587 : vector<16xf32>
        %parallel_loop3A_592 = arith.minimumf %parallel_loop3A_590, %parallel_loop3A_591 : vector<16xf32>
        %parallel_loop3A_593 = arith.maximumf %parallel_loop3A_590, %parallel_loop3A_591 : vector<16xf32>
        %parallel_loop3A_594 = arith.constant 0 : i32
        %parallel_loop3A_595 = arith.index_cast %parallel_loop3A_594 : i32 to index
        %parallel_loop3A_596 = arith.index_cast %parallel_loop3A_369 : i32 to index
        %parallel_loop3A_597 = arith.constant 96 : index
        %parallel_loop3A_598 = tpu.vector_load %arg7[%parallel_loop3A_595, %parallel_loop3A_596, %parallel_loop3A_597] {strides = array<i32>} : memref<4x56x112xf32, #tpu.memory_space<vmem>>, vector<16xf32>,
        tpu.vector_store %arg7[%parallel_loop3A_595, %parallel_loop3A_596, %parallel_loop3A_597], %parallel_loop3A_588 {strides = array<i32>} : memref<4x56x112xf32, #tpu.memory_space<vmem>>, vector<16xf32>,
        %parallel_loop3A_599 = arith.constant 1 : i32
        %parallel_loop3A_600 = arith.index_cast %parallel_loop3A_599 : i32 to index
        %parallel_loop3A_601 = arith.index_cast %parallel_loop3A_369 : i32 to index
        %parallel_loop3A_602 = arith.constant 96 : index
        %parallel_loop3A_603 = tpu.vector_load %arg7[%parallel_loop3A_600, %parallel_loop3A_601, %parallel_loop3A_602] {strides = array<i32>} : memref<4x56x112xf32, #tpu.memory_space<vmem>>, vector<16xf32>,
        tpu.vector_store %arg7[%parallel_loop3A_600, %parallel_loop3A_601, %parallel_loop3A_602], %parallel_loop3A_592 {strides = array<i32>} : memref<4x56x112xf32, #tpu.memory_space<vmem>>, vector<16xf32>,
        %parallel_loop3A_604 = arith.constant 2 : i32
        %parallel_loop3A_605 = arith.index_cast %parallel_loop3A_604 : i32 to index
        %parallel_loop3A_606 = arith.index_cast %parallel_loop3A_369 : i32 to index
        %parallel_loop3A_607 = arith.constant 96 : index
        %parallel_loop3A_608 = tpu.vector_load %arg7[%parallel_loop3A_605, %parallel_loop3A_606, %parallel_loop3A_607] {strides = array<i32>} : memref<4x56x112xf32, #tpu.memory_space<vmem>>, vector<16xf32>,
        tpu.vector_store %arg7[%parallel_loop3A_605, %parallel_loop3A_606, %parallel_loop3A_607], %parallel_loop3A_593 {strides = array<i32>} : memref<4x56x112xf32, #tpu.memory_space<vmem>>, vector<16xf32>,
        %parallel_loop3A_609 = arith.constant 3 : i32
        %parallel_loop3A_610 = arith.index_cast %parallel_loop3A_609 : i32 to index
        %parallel_loop3A_611 = arith.index_cast %parallel_loop3A_369 : i32 to index
        %parallel_loop3A_612 = arith.constant 96 : index
        %parallel_loop3A_613 = tpu.vector_load %arg7[%parallel_loop3A_610, %parallel_loop3A_611, %parallel_loop3A_612] {strides = array<i32>} : memref<4x56x112xf32, #tpu.memory_space<vmem>>, vector<16xf32>,
        tpu.vector_store %arg7[%parallel_loop3A_610, %parallel_loop3A_611, %parallel_loop3A_612], %parallel_loop3A_589 {strides = array<i32>} : memref<4x56x112xf32, #tpu.memory_space<vmem>>, vector<16xf32>,
      } {sc.loop_unroll_factor = 8 : i64, sc.parallel_access}
      %jit3A_318 = arith.constant 2 : i32
      %div3A_319 = arith.divsi %add3A_253, %jit3A_318 : i32
      %sign3A_320 = arith.constant 0 : i32
      %sign3A_321 = arith.cmpi sgt, %add3A_253, %sign3A_320 : i32
      %sign3A_322 = arith.extui %sign3A_321 : i1 to i32
      %sign3A_323 = arith.constant 0 : i32
      %sign3A_324 = arith.cmpi slt, %add3A_253, %sign3A_323 : i32
      %sign3A_325 = arith.extui %sign3A_324 : i1 to i32
      %sign3A_326 = arith.subi %sign3A_322, %sign3A_325 : i32
      %sign3A_327 = arith.constant 0 : i32
      %sign3A_328 = arith.cmpi sgt, %jit3A_318, %sign3A_327 : i32
      %sign3A_329 = arith.extui %sign3A_328 : i1 to i32
      %sign3A_330 = arith.constant 0 : i32
      %sign3A_331 = arith.cmpi slt, %jit3A_318, %sign3A_330 : i32
      %sign3A_332 = arith.extui %sign3A_331 : i1 to i32
      %sign3A_333 = arith.subi %sign3A_329, %sign3A_332 : i32
      %ne3A_334 = arith.cmpi ne, %sign3A_326, %sign3A_333 : i32
      %rem3A_335 = arith.remsi %add3A_253, %jit3A_318 : i32
      %ne3A_336 = arith.constant 0 : i32
      %ne3A_337 = arith.cmpi ne, %rem3A_335, %ne3A_336 : i32
      %and3A_338 = arith.andi %ne3A_334, %ne3A_337 : i1
      %sub3A_339 = arith.constant 1 : i32
      %sub3A_340 = arith.subi %div3A_319, %sub3A_339 : i32
      %select_n3A_341 = arith.select %and3A_338, %sub3A_340, %div3A_319 : i32
      %add3A_342 = arith.addi %mul3A_32, %select_n3A_341 : i32
      %jit3A_343 = arith.constant 2 : i32
      %eq3A_344 = arith.constant 0 : i32
      %eq3A_345 = arith.cmpi eq, %jit3A_343, %eq3A_344 : i32
      %jit3A_346 = arith.constant 1 : i32
      %select_n3A_347 = arith.select %eq3A_345, %jit3A_346, %jit3A_343 : i32
      %rem3A_348 = arith.remsi %add3A_253, %select_n3A_347 : i32
      %ne3A_349 = arith.constant 0 : i32
      %ne3A_350 = arith.cmpi ne, %rem3A_348, %ne3A_349 : i32
      %lt3A_351 = arith.constant 0 : i32
      %lt3A_352 = arith.cmpi slt, %rem3A_348, %lt3A_351 : i32
      %lt3A_353 = arith.constant 0 : i32
      %lt3A_354 = arith.cmpi slt, %select_n3A_347, %lt3A_353 : i32
      %ne3A_355 = arith.xori %lt3A_352, %lt3A_354 : i1
      %and3A_356 = arith.andi %ne3A_355, %ne3A_350 : i1
      %add3A_357 = arith.addi %rem3A_348, %select_n3A_347 : i32
      %select_n3A_358 = arith.select %and3A_356, %add3A_357, %rem3A_348 : i32
      %mul3A_359 = arith.constant 56 : i32
      %mul3A_360 = arith.muli %select_n3A_358, %mul3A_359 : i32
      %mul3A_361 = arith.constant 4 : i32
      %mul3A_362 = arith.muli %add3A_342, %mul3A_361 : i32
      %dma_start3A_363 = arith.constant 0 : i32
      %dma_start3A_364 = tpu.memref_slice %arg3[%select_n3A, %mul3A_362, %mul3A_360, %dma_start3A_363] : memref<4x768x112x112xf32, #tpu.memory_space<hbm>> -> memref<1x4x56x112xf32, #tpu.memory_space<hbm>>
      %dma_start3A_365 = tpu.memref_squeeze %dma_start3A_364 : memref<1x4x56x112xf32, #tpu.memory_space<hbm>> -> memref<4x56x112xf32, #tpu.memory_space<hbm>>
      %dma_start3A_366 = arith.constant 0 : i32
      %dma_start3A_367 = tpu.memref_slice %arg3[%select_n3A, %mul3A_362, %mul3A_360, %dma_start3A_366] : memref<4x768x112x112xf32, #tpu.memory_space<hbm>> -> memref<1x4x56x112xf32, #tpu.memory_space<hbm>>
      %dma_start3A_368 = tpu.memref_squeeze %dma_start3A_367 : memref<1x4x56x112xf32, #tpu.memory_space<hbm>> -> memref<4x56x112xf32, #tpu.memory_space<hbm>>
      tpu.enqueue_dma source(%arg7 : memref<4x56x112xf32, #tpu.memory_space<vmem>>) target(%dma_start3A_368 : memref<4x56x112xf32, #tpu.memory_space<hbm>>) target_semaphore(%arg11 : memref<!tpu.dma_semaphore, #tpu.memory_space<semaphore_mem>>)
    }
    %scan3A_112 = arith.constant 24 : i32
    %add3A_113 = arith.constant 23 : i32
    %add3A_114 = arith.addi %mul3A_32, %add3A_113 : i32
    %mul3A_115 = arith.constant 4 : i32
    %mul3A_116 = arith.muli %add3A_114, %mul3A_115 : i32
    %dma_wait3A = arith.constant 0 : i32
    %dma_wait3A_117 = arith.constant 0 : i32
    %dma_wait3A_118 = tpu.memref_slice %arg3[%select_n3A, %mul3A_116, %dma_wait3A, %dma_wait3A_117] : memref<4x768x112x112xf32, #tpu.memory_space<hbm>> -> memref<1x4x56x112xf32, #tpu.memory_space<hbm>>
    %dma_wait3A_119 = tpu.memref_squeeze %dma_wait3A_118 : memref<1x4x56x112xf32, #tpu.memory_space<hbm>> -> memref<4x56x112xf32, #tpu.memory_space<hbm>>
    %dma_wait3A_120 = arith.constant 0 : i32
    %dma_wait3A_121 = arith.constant 0 : i32
    %dma_wait3A_122 = tpu.memref_slice %arg3[%select_n3A, %mul3A_116, %dma_wait3A_120, %dma_wait3A_121] : memref<4x768x112x112xf32, #tpu.memory_space<hbm>> -> memref<1x4x56x112xf32, #tpu.memory_space<hbm>>
    %dma_wait3A_123 = tpu.memref_squeeze %dma_wait3A_122 : memref<1x4x56x112xf32, #tpu.memory_space<hbm>> -> memref<4x56x112xf32, #tpu.memory_space<hbm>>
    tpu.wait_dma2 semaphore(%arg10 : memref<!tpu.dma_semaphore, #tpu.memory_space<semaphore_mem>>) src(%arg6 : memref<4x56x112xf32, #tpu.memory_space<vmem>>) dst(%dma_wait3A_123 : memref<4x56x112xf32, #tpu.memory_space<hbm>>)
    %add3A_124 = arith.constant 23 : i32
    %add3A_125 = arith.addi %mul3A_32, %add3A_124 : i32
    %mul3A_126 = arith.constant 4 : i32
    %mul3A_127 = arith.muli %add3A_125, %mul3A_126 : i32
    %dma_wait3A_128 = arith.constant 56 : i32
    %dma_wait3A_129 = arith.constant 0 : i32
    %dma_wait3A_130 = tpu.memref_slice %arg3[%select_n3A, %mul3A_127, %dma_wait3A_128, %dma_wait3A_129] : memref<4x768x112x112xf32, #tpu.memory_space<hbm>> -> memref<1x4x56x112xf32, #tpu.memory_space<hbm>>
    %dma_wait3A_131 = tpu.memref_squeeze %dma_wait3A_130 : memref<1x4x56x112xf32, #tpu.memory_space<hbm>> -> memref<4x56x112xf32, #tpu.memory_space<hbm>>
    %dma_wait3A_132 = arith.constant 56 : i32
    %dma_wait3A_133 = arith.constant 0 : i32
    %dma_wait3A_134 = tpu.memref_slice %arg3[%select_n3A, %mul3A_127, %dma_wait3A_132, %dma_wait3A_133] : memref<4x768x112x112xf32, #tpu.memory_space<hbm>> -> memref<1x4x56x112xf32, #tpu.memory_space<hbm>>
    %dma_wait3A_135 = tpu.memref_squeeze %dma_wait3A_134 : memref<1x4x56x112xf32, #tpu.memory_space<hbm>> -> memref<4x56x112xf32, #tpu.memory_space<hbm>>
    tpu.wait_dma2 semaphore(%arg11 : memref<!tpu.dma_semaphore, #tpu.memory_space<semaphore_mem>>) src(%arg7 : memref<4x56x112xf32, #tpu.memory_space<vmem>>) dst(%dma_wait3A_135 : memref<4x56x112xf32, #tpu.memory_space<hbm>>)
    return
  }
}

</mosaic_0001>

<sc_bundles>
// kernel: kernel.3.cloned.1.call-start
scs
__scs_entry_jumppad:
0x0: {  	(pc) =	sbr.rel $0x88, $3  }
0x1: {  	(tag) =	ssettag $0x0;
	lr =	simm.s32 $0x1  }
0x2: {  	[smem:$0x3FA0] =	sst lr;
	_ =	strace $0xD0000000  }
0x3: {  	_ = 	snop  }
0x4: {  	_ = 	snop  }
0x5: {  	_ = 	snop  }
0x6: {  	_ = 	snop  }
0x7: {  	_ = 	snop  }
__scs_overlays_trampoline_lowered:
0x8: {  	[smem:$0x3FAF] =	sst s0  }
0x9: {  	[smem:$0x3FB0] =	sst s1  }
0xa: {  	[smem:$0x3FB1] =	sst s2  }
0xb: {  	[smem:$0x3FB2] =	sst s3  }
0xc: {  	[smem:$0x3FB3] =	sst s4  }
0xd: {  	[smem:$0x3FB4] =	sst s5  }
0xe: {  	[smem:$0x3FB5] =	sst s6  }
0xf: {  	[smem:$0x3FB6] =	sst s7  }
0x10: {  	[smem:$0x3FB7] =	sst s8  }
0x11: {  	[smem:$0x3FB8] =	sst s9;
	s0 =	simm.s32 @!p0 $0x0  }
0x12: {  	s1 =	sld [smem:$0x3F9E];
	s0 =	simm.s32 @p0 $0x1  }
0x13: {  	[smem:$0x3FB9] =	sst s0;
	s0 =	simm.s32 @!p1 $0x0  }
0x14: {  	s2 =	sld [smem:$0x3F9D];
	s0 =	simm.s32 @p1 $0x1  }
0x15: {  	[smem:$0x3FBA] =	sst s0;
	s0 =	simm.s32 @!p2 $0x0  }
0x16: {  	s3 =	sld [smem:$0x3FDB];
	s0 =	simm.s32 @p2 $0x1  }
0x17: {  	s4 =	simm.s32 $0x1BF5;
	[smem:$0x3FBC] =	sst s0  }
0x18: {  	s0 =	sld [smem:$0x3F9F];
	_ =	swait.ge [sflag:s4], $0x0  }
0x19: {  	s7 =	sld [smem:$0x3FA0]  }
0x1a: {  	s8 =	sadd.s32 $0xFFFFE003, lr  }
0x1b: {  	s9 =	sadd.s32 $0xFFFFFEF7, lr;
	s5 =	simm.s32 $0xFFFFFFFF;
	p2 =	slt.u32 s8, $0xFFFFF086  }
0x1c: {  	p1 =	slt.u32 s9, $0xF7A;
	s5 =	simm.s32 @!p2 $0x0  }
0x1d: {  	s5 =	simm.s32 @p1 $0x1;
	p0 =	seq.s32 s7, s2  }
0x1e: {  	s7 =	smul.u32 @!p0 $0xF7A, s2;
	p2 =	seq.s32 @!p0 s5, $0x0  }
0x1f: {  	s9 =	smul.u32 $0xF7A, s1;
	s8 =	simm.s32 @!p0 $0x1BF5;
	p2 =	por !p2, p0  }
0x20: {  	[sflag:s8] =	ssyncset.s32 @!p0 $0xFFFFF086;
	s6 =	sadd.s32 @!p0 s3, s7;
	s7 =	simm.s32 @!p0 $0x108  }
0x21: {  	s3 =	sadd.s32 s3, s9;
	s6 =	sadd.s32 @!p0 $0x88, s6;
	s7 =	simm.s32 @p2 $0x1082  }
0x22: {  	[simem:s7], [sflag:s8] =	dma.local @!p0 [hbm:s6], $0xF7A  }
0x23: {  	s9 =	sor.u32 $0xD0000000, s2;
	s6 =	simm.s32 $0x108;
	_ =	swait.ge @!p0 [sflag:s8], $0x0  }
0x24: {  	s3 =	sadd.s32 $0x88, s3;
	s6 =	simm.s32 @!p1 $0x1082;
	[sflag:s4] =	ssyncset.s32 $0xFFFFF086  }
0x25: {  	[simem:s6], [sflag:s4] =	dma.local [hbm:s3], $0xF7A  }
0x26: {  	[smem:$0x3FA0] =	sst s1;
	(tag) =	ssettag s2;
	_ =	strace s9  }
0x27: {  	s1 =	sld [smem:$0x3FB0]  }
0x28: {  	s2 =	sld [smem:$0x3FB1]  }
0x29: {  	s4 =	sld [smem:$0x3FB3]  }
0x2a: {  	p0 =	seq.s32 s5, $0x0;
	s5 =	sld [smem:$0x3FB4]  }
0x2b: {  	s6 =	sld [smem:$0x3FB5]  }
0x2c: {  	s7 =	sld [smem:$0x3FB6]  }
0x2d: {  	s3 =	simm.s32 $0x108;
	s8 =	sld [smem:$0x3FB7]  }
0x2e: {  	s3 =	simm.s32 @!p0 $0x1082;
	s9 =	sld [smem:$0x3FB8]  }
0x2f: {  	lr =	sadd.s32 s0, s3;
	s0 =	sld [smem:$0x3FAF]  }
0x30: {  	s3 =	sld [smem:$0x3FB2]  }
0x31: {  	[smem:$0x3FBB] =	sst s10  }
0x32: {  	s10 =	sld [smem:$0x3FB9];
	_ =	sdelay $0x3  }
0x33: {  	p0 =	seq.s32 s10, $0x1;
	s10 =	sld [smem:$0x3FBB];
	_ =	sdelay $0x3  }
0x34: {  	[smem:$0x3FBB] =	sst s10  }
0x35: {  	s10 =	sld [smem:$0x3FBA];
	_ =	sdelay $0x3  }
0x36: {  	p1 =	seq.s32 s10, $0x1;
	s10 =	sld [smem:$0x3FBB];
	_ =	sdelay $0x3  }
0x37: {  	[smem:$0x3FBB] =	sst s10  }
0x38: {  	s10 =	sld [smem:$0x3FBC]  }
0x39: {  	_ = 	snop;
	(pc) =	sbr.ind lr, $3  }
0x3a: {  	_ = 	snop  }
0x3b: {  	_ = 	snop  }
0x3c: {  	p2 =	seq.s32 s10, $0x1;
	s10 =	sld [smem:$0x3FBB]  }
0x3d: {  	_ =	shalt  }
0x3e: {  	_ =	shalt  }
0x3f: {  	_ =	shalt  }
0x40: {  	_ =	shalt  }
0x41: {  	_ =	shalt  }
0x42: {  	_ =	shalt  }
0x43: {  	_ =	shalt  }
0x44: {  	_ =	shalt  }
0x45: {  	_ =	shalt  }
0x46: {  	_ =	shalt  }
0x47: {  	_ =	shalt  }
0x48: {  	_ =	shalt  }
0x49: {  	_ =	shalt  }
0x4a: {  	_ =	shalt  }
0x4b: {  	_ =	shalt  }
0x4c: {  	_ =	shalt  }
0x4d: {  	_ =	shalt  }
0x4e: {  	_ =	shalt  }
0x4f: {  	_ =	shalt  }
0x50: {  	_ =	shalt  }
0x51: {  	_ =	shalt  }
0x52: {  	_ =	shalt  }
0x53: {  	_ =	shalt  }
0x54: {  	_ =	shalt  }
0x55: {  	_ =	shalt  }
0x56: {  	_ =	shalt  }
0x57: {  	_ =	shalt  }
0x58: {  	_ =	shalt  }
0x59: {  	_ =	shalt  }
0x5a: {  	_ =	shalt  }
0x5b: {  	_ =	shalt  }
0x5c: {  	_ =	shalt  }
0x5d: {  	_ =	shalt  }
0x5e: {  	_ =	shalt  }
0x5f: {  	_ =	shalt  }
0x60: {  	_ =	shalt  }
0x61: {  	_ =	shalt  }
0x62: {  	_ =	shalt  }
0x63: {  	_ =	shalt  }
0x64: {  	_ =	shalt  }
0x65: {  	_ =	shalt  }
0x66: {  	_ =	shalt  }
0x67: {  	_ =	shalt  }
0x68: {  	_ =	shalt  }
0x69: {  	_ =	shalt  }
0x6a: {  	_ =	shalt  }
0x6b: {  	_ =	shalt  }
0x6c: {  	_ =	shalt  }
0x6d: {  	_ =	shalt  }
0x6e: {  	_ =	shalt  }
0x6f: {  	_ =	shalt  }
0x70: {  	_ =	shalt  }
0x71: {  	_ =	shalt  }
0x72: {  	_ =	shalt  }
0x73: {  	_ =	shalt  }
0x74: {  	_ =	shalt  }
0x75: {  	_ =	shalt  }
0x76: {  	_ =	shalt  }
0x77: {  	_ =	shalt  }
0x78: {  	_ =	shalt  }
0x79: {  	_ =	shalt  }
0x7a: {  	_ =	shalt  }
0x7b: {  	_ =	shalt  }
0x7c: {  	_ =	shalt  }
0x7d: {  	_ =	shalt  }
0x7e: {  	_ =	shalt  }
0x7f: {  	_ =	shalt  }
0x80: {  	_ =	shalt  }
0x81: {  	_ =	shalt  }
0x82: {  	_ =	shalt  }
0x83: {  	_ =	shalt  }
0x84: {  	_ =	shalt  }
0x85: {  	_ =	shalt  }
0x86: {  	_ =	shalt  }
0x87: {  	_ =	shalt  }
.Lfunc_end0:
.L_simem_size_0:
called_computation_lowered:
.L_overlay_start_0:
0x88: {  	s2 =	sld [smem:$0x3FD9]  }
0x89: {  	s3 =	sld [smem:$0x3FFE];
	_ =	sdelay $0x1  }
0x8a: {  	s1 =	srdreg.scid  }
0x8b: {  	s0 =	sand.u32 $0x1, s1  }
0x8c: {  	s17 =	sshll.u32 s0, $0xA;
	s2 =	sadd.s32 s3, s2  }
0x8d: {  	s2 =	sadd.s32 s2, s17  }
0x8e: {  	[smem:$0x3FC7] =	sst s2  }
0x8f: {  	_ = 	snop  }
0x90: {  	s2 =	sld [smem:$0x3FC9];
	(tm) =	ssettm $0x1  }
0x91: {  	s18 =	sld [smem:$0x3FFB];
	_ =	sdelay $0x3  }
0x92: {  	_ =	strace s18  }
0x93: {  	s3 =	sld [smem:$0x3FFC];
	_ =	sdelay $0x3  }
0x94: {  	_ =	strace s3  }
0x95: {  	s3 =	sld [smem:$0x3FFD];
	_ =	sdelay $0x3  }
0x96: {  	_ =	strace s3  }
0x97: {  	_ =	strace $0x8FFFFFFF  }
0x98: {  	s19 =	sld [smem:$0x3FDB];
	_ =	sdelay $0x1  }
0x99: {  	s4 =	simm.s32 $_scs_section_size  }
0x9a: {  	s5 =	simm.s32 $_size__tile_overlayer_lowered;
	s6 =	simm.s32 $_tile_overlayer_lowered  }
0x9b: {  	s22 =	simm.s32 $0x1BFF;
	s21 =	sshll.u32 s6, $0x1;
	s3 =	sadd.s32 s4, s19  }
0x9c: {  	s7 =	simm.s32 $0x0;
	s20 =	sshll.u32 s5, $0x1;
	s5 =	sadd.s32 s21, s3  }
0x9d: {  	[timem:s7], [sflag:s22] =	dma.local [hbm:s5], s20  }
0x9e: {  	_ =	swait.ge [sflag:s22], s20  }
0x9f: {  	s4 =	ssub.s32 $0x0, s20;
	[sflag:s22] =	ssyncset.done $0x0  }
0xa0: {  	[sflag:s22] =	ssyncadd.s32 s4;
	_ =	sdelay $0x1  }
0xa1: {  	s23 =	simm.s32 $0x1B8B  }
0xa2: {  	_ =	swait.ge [sflag:s23], $0x1  }
0xa3: {  	[sflag:s23] =	ssyncset.done $0x0  }
0xa4: {  	s25 =	simm.s32 $0x1B8E;
	s24 =	sld [smem:$0x3FFE];
	[sflag:s23] =	ssyncadd.s32 $0xFFFFFFFF  }
0xa5: {  	s26 =	simm.s32 $execute0_lowered;
	[smem:$0x3FD2] =	sst s25  }
0xa6: {  	s5 =	sshll.u32 s26, $0x1;
	_ =	strace $0x80000046;
	[dreg:$0x1] =	wrdreg $0xFFFFFFFF  }
0xa7: {  	s28 =	simm.s32 $_size_execute0_lowered;
	s3 =	sadd.s32 s3, s5;
	[dreg:$0x0] =	wrdreg $0x0  }
0xa8: {  	s5 =	sshll.u32 s28, $0x1;
	[dreg:$0x2] =	wrdreg s3  }
0xa9: {  	[dreg:$0x3] =	wrdreg s5  }
0xaa: {  	[dreg:$0x4] =	wrdreg $0xC0  }
0xab: {  	_ =	task [dreg:s7], $0x5FFFF  }
0xac: {  	[dreg:$0x1] =	wrdreg $0xFFFFFFFF  }
0xad: {  	[dreg:$0x0] =	wrdreg $0x60  }
0xae: {  	[dreg:$0x2] =	wrdreg s2  }
0xaf: {  	[dreg:$0x3] =	wrdreg s24  }
0xb0: {  	[dreg:$0x4] =	wrdreg $0x9  }
0xb1: {  	_ =	task.clear_ibuf [dreg:s7], $0x5FFFF;
	_ =	strace $0x90000046  }
0xb2: {  	s29 =	simm.s32 $0x9;
	_ =	strace $0x80000048  }
0xb3: {  	_ =	swait.ge [sflag:s29], $0x1  }
0xb4: {  	[sflag:s29] =	ssyncadd.s32 $0xFFFFFFFF  }
0xb5: {  	_ =	strace $0x90000048  }
0xb6: {  	_ =	sfence  }
0xb7: {  	s30 =	sld [smem:$0x0];
	_ =	sdelay $0x2  }
0xb8: {  	s31 =	sshll.u32 s1, $0xD;
	s1 =	sshrl.u32 s1, $0x2  }
0xb9: {  	s3 =	sand.u32 $0x4000, s31;
	s1 =	sadd.s32 s1, s30  }
0xba: {  	s0 =	sor.u32 s3, s0;
	s1 =	sshll.u32 s1, $0x11  }
0xbb: {  	s0 =	sor.u32 s1, s0  }
0xbc: {  	s0 =	sadd.s32 $0x8F2B, s0  }
0xbd: {  	[sflag:s0] =	ssyncadd.remote.s32 $0x1  }
0xbe: {  	_ =	sfence.sel $0xFFFF  }
0xbf: {  	[dreg:$0x0] =	wrdreg $0xFFFFFFFF;
	(pc) =	sbr.abs _section_cstart, $3  }
0xc0: {  	[dreg:$0x1] =	wrdreg $0xFFFFFFFF  }
0xc1: {  	_ =	task.clear_ibuf [dreg:s7], $0x2FFFF;
	_ =	strace $0x9FFFFFFF  }
0xc2: {  	(tm) =	ssettm $0x7FFFFFFF  }
0xc3: {  	_ =	shalt  }
tec
execute0_lowered:
.L_overlay_start_1:
0x0: {  	(tag) =	ssettag $0x1  }
0x1: {  	v0 =	vlaneseq.u32  }
0x2: {  	v0 =	vmul.u32 $0x2, v0;
	_ =	sdelay $0x1  }
0x3: {  	v1 =	vor.u32 $0x1, v0  }
0x4: {  	[tilespmem:$0x1FC10] =	vst v1;
	v1 =	vor.u32 $0x80, v0  }
0x5: {  	[tilespmem:$0x1FC20] =	vst v1;
	v1 =	vor.u32 $0x81, v0  }
0x6: {  	[tilespmem:$0x1FC30] =	vst v1;
	v1 =	vor.u32 $0xA1, v0  }
0x7: {  	[tilespmem:$0x1FC40] =	vst v1;
	v1 =	vor.u32 $0x420, v0  }
0x8: {  	[tilespmem:$0x1FC50] =	vst v1;
	v1 =	vor.u32 $0x421, v0  }
0x9: {  	[tilespmem:$0x1FC60] =	vst v1;
	v1 =	vor.u32 $0x4A0, v0  }
0xa: {  	[tilespmem:$0x1FC70] =	vst v1;
	v1 =	vor.u32 $0x4A1, v0  }
0xb: {  	[tilespmem:$0x1FC80] =	vst v1;
	v1 =	vor.u32 $0x440, v0  }
0xc: {  	[tilespmem:$0x1FC90] =	vst v1;
	v1 =	vor.u32 $0x441, v0  }
0xd: {  	[tilespmem:$0x1FCA0] =	vst v1;
	v1 =	vor.u32 $0x4C0, v0  }
0xe: {  	[tilespmem:$0x1FCB0] =	vst v1;
	v1 =	vor.u32 $0x4C1, v0  }
0xf: {  	[tilespmem:$0x1FCC0] =	vst v1;
	v1 =	vor.u32 $0x100, v0  }
0x10: {  	[tilespmem:$0x1FCD0] =	vst v1;
	v1 =	vor.u32 $0x101, v0  }
0x11: {  	[tilespmem:$0x1FCE0] =	vst v1;
	v1 =	vor.u32 $0x180, v0  }
0x12: {  	[tilespmem:$0x1FCF0] =	vst v1;
	v1 =	vor.u32 $0x181, v0  }
0x13: {  	[tilespmem:$0x1FD00] =	vst v1;
	v1 =	vor.u32 $0x120, v0  }
0x14: {  	[tilespmem:$0x1FD10] =	vst v1;
	v1 =	vor.u32 $0x121, v0  }
0x15: {  	[tilespmem:$0x1FD20] =	vst v1;
	v1 =	vor.u32 $0x1A0, v0  }
0x16: {  	[tilespmem:$0x1FD30] =	vst v1;
	v1 =	vor.u32 $0x1A1, v0  }
0x17: {  	[tilespmem:$0x1FD40] =	vst v1;
	v1 =	vor.u32 $0x140, v0  }
0x18: {  	[tilespmem:$0x1FD50] =	vst v1;
	v1 =	vor.u32 $0x141, v0  }
0x19: {  	s0 =	rddreg [dreg:$0x0];
	s3 =	srdreg.scid;
	[tilespmem:$0x1FD60] =	vst v1;
	v1 =	vor.u32 $0x1C0, v0  }
0x1a: {  	s9 =	rddreg [dreg:$0x1];
	s5 =	sand.u32 $0x1, s3;
	s3 =	simm.s32 $0x0;
	[tilespmem:$0x1FD70] =	vst v1;
	v1 =	vor.u32 $0x1C1, v0  }
0x1b: {  	[smem:$0x7FF] =	sst s3;
	[tilespmem:$0x1FD80] =	vst v1;
	v1 =	vor.u32 $0x160, v0  }
0x1c: {  	s2 =	rddreg [dreg:$0x2];
	v7 =	vor.u32 $0x20, v0;
	_ =	strace $0x80000047;
	[tilespmem:$0x1FD90] =	vst v1  }
0x1d: {  	v8 =	vor.u32 $0x21, v0;
	[tilespmem:$0x1FF10] =	vst v7  }
0x1e: {  	v9 =	vor.u32 $0x40, v0;
	[tilespmem:$0x1FF20] =	vst v8  }
0x1f: {  	v10 =	vor.u32 $0x41, v0;
	[tilespmem:$0x1FF30] =	vst v9  }
0x20: {  	v51 =	vor.u32 $0xC1, v0;
	[tilespmem:$0x1FF40] =	vst v10  }
0x21: {  	v50 =	vor.u32 $0xC0, v0;
	[tilespmem:$0x1FF50] =	vst v51  }
0x22: {  	v52 =	vor.u32 $0x60, v0;
	[tilespmem:$0x1FF60] =	vst v50  }
0x23: {  	v53 =	vor.u32 $0x61, v0;
	[tilespmem:$0x1FF70] =	vst v52  }
0x24: {  	v54 =	vor.u32 $0xE0, v0;
	[tilespmem:$0x1FF80] =	vst v53  }
0x25: {  	v55 =	vor.u32 $0xE1, v0;
	[tilespmem:$0x1FF90] =	vst v54  }
0x26: {  	v56 =	vor.u32 $0x400, v0;
	[tilespmem:$0x1FFA0] =	vst v55  }
0x27: {  	v57 =	vor.u32 $0x401, v0;
	[tilespmem:$0x1FFB0] =	vst v56  }
0x28: {  	v37 =	vor.u32 $0x480, v0;
	[tilespmem:$0x1FFC0] =	vst v57  }
0x29: {  	v39 =	vor.u32 $0x481, v0;
	[tilespmem:$0x1FFD0] =	vst v37  }
0x2a: {  	v49 =	vor.u32 $0xA0, v0;
	[tilespmem:$0x1FFE0] =	vst v39  }
0x2b: {  	v1 =	vor.u32 $0x161, v0;
	[tilespmem:$0x1FFF0] =	vst v49  }
0x2c: {  	[tilespmem:$0x1FDA0] =	vst v1;
	v1 =	vor.u32 $0x1E0, v0  }
0x2d: {  	[tilespmem:$0x1FDB0] =	vst v1;
	v1 =	vor.u32 $0x1E1, v0  }
0x2e: {  	[tilespmem:$0x1FDC0] =	vst v1;
	v1 =	vor.u32 $0x500, v0  }
0x2f: {  	[tilespmem:$0x1FDD0] =	vst v1;
	v1 =	vor.u32 $0x501, v0  }
0x30: {  	[tilespmem:$0x1FDE0] =	vst v1;
	v1 =	vor.u32 $0x580, v0  }
0x31: {  	[tilespmem:$0x1FDF0] =	vst v1;
	v1 =	vor.u32 $0x581, v0  }
0x32: {  	[tilespmem:$0x1FE00] =	vst v1;
	v1 =	vor.u32 $0x520, v0  }
0x33: {  	[tilespmem:$0x1FE10] =	vst v1;
	v1 =	vor.u32 $0x521, v0  }
0x34: {  	[tilespmem:$0x1FE20] =	vst v1;
	v1 =	vor.u32 $0x5A0, v0  }
0x35: {  	[tilespmem:$0x1FE30] =	vst v1;
	v1 =	vor.u32 $0x5A1, v0  }
0x36: {  	[tilespmem:$0x1FE40] =	vst v1;
	v1 =	vor.u32 $0x540, v0  }
0x37: {  	[tilespmem:$0x1FE50] =	vst v1;
	v1 =	vor.u32 $0x541, v0  }
0x38: {  	[tilespmem:$0x1FE60] =	vst v1;
	v1 =	vor.u32 $0x5C0, v0  }
0x39: {  	s1 =	stileid.u32;
	[tilespmem:$0x1FE70] =	vst v1;
	v1 =	vor.u32 $0x5C1, v0  }
0x3a: {  	s11 =	simm.s32 $0x7000;
	s12 =	simm.s32 $0x1;
	s13 =	simm.s32 $0x1C00;
	[tilespmem:$0x1FE80] =	vst v1;
	v1 =	vor.u32 $0x200, v0  }
0x3b: {  	s14 =	simm.s32 $0x3800;
	s15 =	simm.s32 $0xE000;
	s4 =	sshll.u32 s1, $0x1;
	[tilespmem:$0x1FE90] =	vst v1;
	v1 =	vor.u32 $0x201, v0  }
0x3c: {  	s16 =	simm.s32 $0x2;
	s6 =	sshrl.u32 s1, $0x2;
	s4 =	sand.u32 $0x6, s4;
	[tilespmem:$0x1FEA0] =	vst v1;
	v1 =	vor.u32 $0x280, v0  }
0x3d: {  	s17 =	simm.s32 $0x4;
	s7 =	sor.u32 s5, s4;
	s4 =	smul.u32 $0xA80000, s6;
	[tilespmem:$0x1FEB0] =	vst v1;
	v1 =	vor.u32 $0x281, v0  }
0x3e: {  	s18 =	simm.s32 $0x15000;
	s19 =	simm.s32 $0x3;
	s30 =	smul.u32 $0x150000, s7;
	[tilespmem:$0x1FEC0] =	vst v1;
	v1 =	vor.u32 $0x220, v0  }
0x3f: {  	s20 =	simm.s32 $0x0;
	s8 =	ssub.s32 $0x2, s5;
	s6 =	sadd.s32 $0x400, s9;
	[tilespmem:$0x1FED0] =	vst v1;
	v1 =	vor.u32 $0x221, v0  }
0x40: {  	s10 =	sshrl.u32 s8, $0x1;
	s5 =	smul.u32 $0x18, s7;
	s31 =	sadd.s32 s4, s30;
	[tilespmem:$0x1FEE0] =	vst v1;
	v1 =	vor.u32 $0x2A0, v0  }
0x41: {  	s9 =	sadd.s32 $0x780, s9;
	s10 =	ssub.s32 s8, s10;
	s7 =	sshrl.u32 s31, $0x3;
	[tilespmem:$0x1FEF0] =	vst v1;
	v1 =	vor.u32 $0x2A1, v0  }
0x42: {  	s10 =	smax.u32 s10, $0x1;
	s8 =	sor.u32 $0x1, s5;
	s7 =	sadd.s32 s0, s7;
	[tilespmem:$0x1FF00] =	vst v1  }
.LBB2_1:
0x43: {  	[tilespmem:s3], [sflag:$0x1] =	stream.linear.gather [hbm4b:s7+s3], $0x7000, $0x38;
	[tilespmem:$0x1C000] =	vst v63  }
0x44: {  	s21 =	simm.s32 $0x0  }
.LBB2_2:
0x45: {  	s22 =	sadd.s32 s5, s21  }
0x46: {  	s22 =	smul.u32 $0xE000, s22;
	_ =	sdelay $0x1  }
0x47: {  	s22 =	sadd.s32 s4, s22  }
0x48: {  	s22 =	sshrl.u32 s22, $0x3  }
0x49: {  	s23 =	sadd.s32 s0, s22  }
0x4a: {  	s23 =	sadd.s32 $0xE00, s23  }
0x4b: {  	[tilespmem:s11], [sflag:$0x2] =	stream.linear.gather [hbm4b:s23+s3], $0x7000, $0x38;
	[tilespmem:$0x1C000] =	vst v63  }
0x4c: {  	_ =	swait.ge [sflag:s12], $0x7000  }
0x4d: {  	p0 =	seq.s32 s21, $0x0;
	[sflag:s12] =	ssyncset.done $0x0  }
0x4e: {  	s23 =	simm.s32 @!p0 $0x3;
	[sflag:s12] =	ssyncadd.s32 $0xFFFF9000  }
0x4f: {  	_ =	swait.ge @!p0 [sflag:s23], $0x7000  }
0x50: {  	[sflag:s23] =	ssyncset.done @!p0 $0x0  }
0x51: {  	[sflag:s23] =	ssyncadd.s32 @!p0 $0xFFFF9000;
	s23 =	simm.s32 $0x0  }
.LBB2_3:
0x52: {  	s24 =	sshll.u32 s23, $0x1  }
0x53: {  	v12 =	vld [tilespmem:$0x1FC10];
	v1 =	vmov s24  }
0x54: {  	v13 =	vld [tilespmem:$0x1FC20];
	v1 =	vshll.u32 v1, $0x8  }
0x55: {  	v25 =	vld [tilespmem:$0x1FC30];
	v1 =	vbroadcast v1, $0x0;
	_ =	sdelay $0x1  }
0x56: {  	v2 =	vor.u32 v0, v1  }
0x57: {  	v3 =	vor.u32 v12, v1  }
0x58: {  	v4 =	vor.u32 v13, v1  }
0x59: {  	v5 =	vor.u32 v25, v1;
	_ =	sdelay $0x1  }
0x5a: {  	v2 =	vld.idx.msk [tilespmem:v2+s3+$0x0], $0xffff  }
0x5b: {  	v3 =	vld.idx.msk [tilespmem:v3+s3+$0x0], $0xffff  }
0x5c: {  	v4 =	vld.idx.msk [tilespmem:v4+s3+$0x0], $0xffff  }
0x5d: {  	v5 =	vld.idx.msk [tilespmem:v5+s3+$0x0], $0xffff;
	_ =	sdelay $0x3  }
0x5e: {  	v38 =	vld [tilespmem:$0x1FF20];
	v6 =	vmin.f32 v2, v4  }
0x5f: {  	v36 =	vld [tilespmem:$0x1FF10];
	v7 =	vmin.f32 v3, v5;
	v2 =	vmax.f32 v2, v4;
	v3 =	vmax.f32 v3, v5  }
0x60: {  	v35 =	vmin.f32 v2, v3;
	v2 =	vmax.f32 v2, v3;
	v3 =	vld [tilespmem:$0x1FC40]  }
0x61: {  	s26 =	sshll.u32 s23, $0x7  }
0x62: {  	s26 =	sand.u32 $0x3FFFFF80, s26;
	v40 =	vor.u32 v49, v1;
	v33 =	vmin.f32 v6, v7  }
0x63: {  	v4 =	vor.u32 v38, v1;
	v34 =	vmax.f32 v6, v7;
	[tilespmem:s26+$0xE000] =	vst v33  }
0x64: {  	v7 =	vor.u32 v36, v1;
	v8 =	vmin.f32 v34, v35;
	[tilespmem:s26+$0x13400] =	vst v2  }
0x65: {  	v5 =	vmax.f32 v34, v35;
	[tilespmem:s26+$0xFC00] =	vst v8;
	v3 =	vor.u32 v3, v1  }
0x66: {  	[tilespmem:s26+$0x11800] =	vst v5  }
0x67: {  	v5 =	vld.idx.msk [tilespmem:v40+s3+$0x0], $0xffff  }
0x68: {  	v4 =	vld.idx.msk [tilespmem:v4+s3+$0x0], $0xffff  }
0x69: {  	v2 =	vld.idx.msk [tilespmem:v7+s3+$0x0], $0xffff  }
0x6a: {  	v3 =	vld.idx.msk [tilespmem:v3+s3+$0x0], $0xffff;
	_ =	sdelay $0x3  }
0x6b: {  	v45 =	vor.u32 v9, v1  }
0x6c: {  	v46 =	vor.u32 v10, v1;
	v6 =	vmin.f32 v2, v5;
	v41 =	vmin.f32 v4, v3  }
0x6d: {  	v2 =	vmax.f32 v2, v5;
	v3 =	vmax.f32 v4, v3;
	v42 =	vmin.f32 v6, v41  }
0x6e: {  	v43 =	vmax.f32 v6, v41;
	v44 =	vmin.f32 v2, v3;
	v2 =	vmax.f32 v2, v3;
	[tilespmem:s26+$0xE010] =	vst v42  }
0x6f: {  	v47 =	vor.u32 v50, v1;
	v8 =	vmin.f32 v43, v44;
	[tilespmem:s26+$0x13410] =	vst v2  }
0x70: {  	v3 =	vor.u32 v51, v1;
	v5 =	vmax.f32 v43, v44;
	[tilespmem:s26+$0xFC10] =	vst v8  }
0x71: {  	[tilespmem:s26+$0x11810] =	vst v5  }
0x72: {  	v2 =	vld.idx.msk [tilespmem:v45+s3+$0x0], $0xffff  }
0x73: {  	v4 =	vld.idx.msk [tilespmem:v46+s3+$0x0], $0xffff  }
0x74: {  	v5 =	vld.idx.msk [tilespmem:v47+s3+$0x0], $0xffff  }
0x75: {  	v3 =	vld.idx.msk [tilespmem:v3+s3+$0x0], $0xffff;
	_ =	sdelay $0x4  }
0x76: {  	v8 =	vor.u32 v52, v1;
	v6 =	vmin.f32 v2, v5;
	v48 =	vmin.f32 v4, v3  }
0x77: {  	v2 =	vmax.f32 v2, v5;
	v3 =	vmax.f32 v4, v3;
	v49 =	vmin.f32 v6, v48  }
0x78: {  	s28 =	sor.u32 $0x1, s23;
	v5 =	vmax.f32 v6, v48;
	v51 =	vmin.f32 v2, v3;
	v2 =	vmax.f32 v2, v3;
	[tilespmem:s26+$0xE020] =	vst v49  }
0x79: {  	v60 =	vld [tilespmem:$0x1FCE0];
	s25 =	sshll.u32 s28, $0x1;
	v9 =	vmin.f32 v5, v51;
	[tilespmem:s26+$0x13420] =	vst v2  }
0x7a: {  	v50 =	vmov s25;
	v5 =	vmax.f32 v5, v51;
	v2 =	vld [tilespmem:$0x1FCD0];
	[tilespmem:s26+$0xFC20] =	vst v9  }
0x7b: {  	v6 =	vshll.u32 v50, $0x8;
	[tilespmem:s26+$0x11820] =	vst v5;
	v9 =	vld [tilespmem:$0x1FD00]  }
0x7c: {  	v58 =	vor.u32 v53, v1;
	v6 =	vand.u32 $0x7000, v6;
	v5 =	vld.idx.msk [tilespmem:v8+s3+$0x0], $0xffff  }
0x7d: {  	v59 =	vor.u32 v54, v1;
	v33 =	vbroadcast v6, $0x0;
	v8 =	vld [tilespmem:$0x1FCF0]  }
0x7e: {  	v3 =	vor.u32 v55, v1  }
0x7f: {  	v6 =	vor.u32 v60, v33  }
0x80: {  	v2 =	vor.u32 v2, v33  }
0x81: {  	v4 =	vld.idx.msk [tilespmem:v58+s3+$0x0], $0xffff;
	v9 =	vor.u32 v9, v33  }
0x82: {  	v7 =	vld.idx.msk [tilespmem:v59+s3+$0x0], $0xffff;
	v8 =	vor.u32 v8, v33  }
0x83: {  	v3 =	vld.idx.msk [tilespmem:v3+s3+$0x0], $0xffff  }
0x84: {  	v6 =	vld.idx.msk [tilespmem:v6+s3+$0x0], $0xffff  }
0x85: {  	v2 =	vld.idx.msk [tilespmem:v2+s3+$0x0], $0xffff  }
0x86: {  	v9 =	vld.idx.msk [tilespmem:v9+s3+$0x0], $0xffff  }
0x87: {  	v11 =	vor.u32 v56, v1;
	v32 =	vor.u32 v57, v1;
	v8 =	vld.idx.msk [tilespmem:v8+s3+$0x0], $0xffff  }
0x88: {  	v34 =	vor.u32 v39, v1;
	v10 =	vmin.f32 v5, v7;
	v61 =	vmin.f32 v4, v3  }
0x89: {  	v5 =	vmax.f32 v5, v7;
	v3 =	vmax.f32 v4, v3;
	v62 =	vmin.f32 v10, v61  }
0x8a: {  	v7 =	vmax.f32 v10, v61;
	v10 =	vmin.f32 v5, v3;
	v3 =	vmax.f32 v5, v3  }
0x8b: {  	v14 =	vld [tilespmem:$0x1FC80];
	v63 =	vmin.f32 v7, v10;
	v7 =	vmax.f32 v7, v10;
	[tilespmem:s26+$0xE030] =	vst v62;
	v13 =	vmin.f32 v6, v9  }
0x8c: {  	v36 =	vld [tilespmem:$0x1FD20];
	[tilespmem:s26+$0x13430] =	vst v3;
	v6 =	vmax.f32 v6, v9;
	v12 =	vmin.f32 v2, v8;
	v2 =	vmax.f32 v2, v8  }
0x8d: {  	s24 =	sshll.u32 s28, $0x7;
	v10 =	vor.u32 v37, v1;
	[tilespmem:s26+$0xFC30] =	vst v63;
	v9 =	vld [tilespmem:$0x1FD10];
	v3 =	vmax.f32 v12, v13;
	v8 =	vmin.f32 v2, v6  }
0x8e: {  	s24 =	sand.u32 $0x3FFFFF80, s24;
	[tilespmem:s26+$0x11830] =	vst v7;
	v35 =	vmin.f32 v12, v13;
	v12 =	vmin.f32 v3, v8;
	v3 =	vmax.f32 v3, v8;
	v8 =	vld [tilespmem:$0x1FD30]  }
0x8f: {  	[tilespmem:s24+$0x11800] =	vst v3;
	v3 =	vld [tilespmem:$0x1FD40]  }
0x90: {  	v11 =	vld.idx.msk [tilespmem:v11+s3+$0x0], $0xffff  }
0x91: {  	v7 =	vor.u32 v36, v33;
	v4 =	vld.idx.msk [tilespmem:v32+s3+$0x0], $0xffff  }
0x92: {  	v10 =	vld.idx.msk [tilespmem:v10+s3+$0x0], $0xffff;
	v9 =	vor.u32 v9, v33  }
0x93: {  	v5 =	vld.idx.msk [tilespmem:v34+s3+$0x0], $0xffff;
	v2 =	vmax.f32 v2, v6;
	[tilespmem:s24+$0xE000] =	vst v35;
	v8 =	vor.u32 v8, v33  }
0x94: {  	v17 =	vld [tilespmem:$0x1FC70];
	[tilespmem:s24+$0x13400] =	vst v2;
	v3 =	vor.u32 v3, v33  }
0x95: {  	v15 =	vld [tilespmem:$0x1FC50];
	[tilespmem:s24+$0xFC00] =	vst v12  }
0x96: {  	v37 =	vld.idx.msk [tilespmem:v7+s3+$0x0], $0xffff  }
0x97: {  	v2 =	vld.idx.msk [tilespmem:v9+s3+$0x0], $0xffff;
	v9 =	vmax.f32 v11, v10  }
0x98: {  	v38 =	vld.idx.msk [tilespmem:v8+s3+$0x0], $0xffff;
	v8 =	vmin.f32 v11, v10;
	v10 =	vmin.f32 v4, v5;
	v4 =	vmax.f32 v4, v5  }
0x99: {  	v3 =	vld.idx.msk [tilespmem:v3+s3+$0x0], $0xffff;
	v39 =	vmax.f32 v8, v10;
	v11 =	vmin.f32 v9, v4  }
0x9a: {  	v26 =	vld [tilespmem:$0x1FC60];
	v4 =	vmax.f32 v9, v4;
	v9 =	vmin.f32 v39, v11  }
0x9b: {  	v8 =	vmin.f32 v8, v10;
	[tilespmem:s26+$0xFC40] =	vst v9;
	v9 =	vld [tilespmem:$0x1FD50]  }
0x9c: {  	v52 =	vld [tilespmem:$0x1FDC0];
	[tilespmem:s26+$0xE040] =	vst v8;
	v8 =	vor.u32 v15, v1  }
0x9d: {  	v45 =	vld [tilespmem:$0x1FD60]  }
0x9e: {  	v46 =	vld [tilespmem:$0x1FD70];
	v5 =	vmax.f32 v39, v11;
	v10 =	vmin.f32 v2, v38;
	v40 =	vmin.f32 v37, v3  }
0x9f: {  	[tilespmem:s26+$0x13440] =	vst v4;
	v15 =	vld [tilespmem:$0x1FD90];
	v2 =	vmax.f32 v2, v38;
	v3 =	vmax.f32 v37, v3;
	v41 =	vmin.f32 v10, v40  }
0xa0: {  	[tilespmem:s26+$0x11840] =	vst v5;
	v44 =	vmin.f32 v2, v3;
	v2 =	vmax.f32 v2, v3;
	v3 =	vld [tilespmem:$0x1FD80];
	v9 =	vor.u32 v9, v33  }
0xa1: {  	s29 =	sor.u32 $0x2, s23;
	v42 =	vmax.f32 v10, v40;
	v47 =	vld.idx.msk [tilespmem:v8+s3+$0x0], $0xffff;
	[tilespmem:s24+$0xE010] =	vst v41  }
0xa2: {  	s28 =	sshll.u32 s29, $0x1;
	v12 =	vor.u32 v17, v1;
	v8 =	vld [tilespmem:$0x1FEA0];
	v10 =	vmin.f32 v42, v44;
	[tilespmem:s24+$0x13410] =	vst v2  }
0xa3: {  	v43 =	vmov s28;
	v5 =	vor.u32 v45, v33;
	v4 =	vmax.f32 v42, v44;
	v2 =	vld [tilespmem:$0x1FE90];
	[tilespmem:s24+$0xFC10] =	vst v10  }
0xa4: {  	v6 =	vor.u32 v46, v33;
	v7 =	vshll.u32 v43, $0x8;
	[tilespmem:s24+$0x11810] =	vst v4;
	v10 =	vld [tilespmem:$0x1FEC0]  }
0xa5: {  	v7 =	vand.u32 $0x7000, v7;
	v3 =	vor.u32 v3, v33;
	v48 =	vld.idx.msk [tilespmem:v9+s3+$0x0], $0xffff  }
0xa6: {  	v13 =	vor.u32 v14, v1;
	v41 =	vbroadcast v7, $0x0;
	v9 =	vld [tilespmem:$0x1FEB0]  }
0xa7: {  	v11 =	vor.u32 v26, v1;
	v50 =	vld.idx.msk [tilespmem:v12+s3+$0x0], $0xffff  }
0xa8: {  	v5 =	vld.idx.msk [tilespmem:v5+s3+$0x0], $0xffff;
	v8 =	vor.u32 v8, v41  }
0xa9: {  	v6 =	vld.idx.msk [tilespmem:v6+s3+$0x0], $0xffff;
	v10 =	vor.u32 v10, v41  }
0xaa: {  	v2 =	vor.u32 v2, v41;
	v3 =	vld.idx.msk [tilespmem:v3+s3+$0x0], $0xffff  }
0xab: {  	v13 =	vld.idx.msk [tilespmem:v13+s3+$0x0], $0xffff;
	v9 =	vor.u32 v9, v41  }
0xac: {  	v11 =	vld.idx.msk [tilespmem:v11+s3+$0x0], $0xffff  }
0xad: {  	v8 =	vld.idx.msk [tilespmem:v8+s3+$0x0], $0xffff  }
0xae: {  	v15 =	vor.u32 v15, v33;
	v10 =	vld.idx.msk [tilespmem:v10+s3+$0x0], $0xffff  }
0xaf: {  	v2 =	vld.idx.msk [tilespmem:v2+s3+$0x0], $0xffff;
	v14 =	vmin.f32 v48, v6;
	v6 =	vmax.f32 v48, v6;
	v49 =	vmin.f32 v5, v3  }
0xb0: {  	v3 =	vmax.f32 v5, v3;
	v9 =	vld.idx.msk [tilespmem:v9+s3+$0x0], $0xffff;
	v12 =	vmin.f32 v14, v49;
	v7 =	vmax.f32 v14, v49  }
0xb1: {  	v14 =	vmin.f32 v6, v3;
	v3 =	vmax.f32 v6, v3;
	v6 =	vor.u32 v52, v33;
	[tilespmem:s24+$0xE020] =	vst v12  }
0xb2: {  	v51 =	vmin.f32 v7, v14;
	v12 =	vld [tilespmem:$0x1FDA0];
	[tilespmem:s24+$0x13420] =	vst v3  }
0xb3: {  	v7 =	vmax.f32 v7, v14;
	v17 =	vmin.f32 v8, v10;
	v53 =	vmax.f32 v8, v10;
	v10 =	vld [tilespmem:$0x1FED0];
	[tilespmem:s24+$0xFC20] =	vst v51  }
0xb4: {  	v14 =	vld [tilespmem:$0x1FDB0];
	[tilespmem:s24+$0x11820] =	vst v7  }
0xb5: {  	s25 =	sshll.u32 s29, $0x7;
	v15 =	vld.idx.msk [tilespmem:v15+s3+$0x0], $0xffff;
	v16 =	vmin.f32 v2, v9  }
0xb6: {  	s25 =	sand.u32 $0x3FFFFF80, s25;
	v2 =	vmax.f32 v2, v9;
	v6 =	vld.idx.msk [tilespmem:v6+s3+$0x0], $0xffff;
	v8 =	vmin.f32 v16, v17  }
0xb7: {  	v12 =	vor.u32 v12, v33;
	v3 =	vmax.f32 v16, v17;
	v9 =	vmin.f32 v2, v53;
	[tilespmem:s25+$0xE000] =	vst v8;
	v8 =	vld [tilespmem:$0x1FEE0]  }
0xb8: {  	v10 =	vor.u32 v10, v41;
	v16 =	vmin.f32 v3, v9;
	v3 =	vmax.f32 v3, v9;
	v9 =	vld [tilespmem:$0x1FEF0]  }
0xb9: {  	v14 =	vor.u32 v14, v33;
	[tilespmem:s25+$0x11800] =	vst v3;
	v3 =	vld [tilespmem:$0x1FF00]  }
0xba: {  	v17 =	vld [tilespmem:$0x1FCC0]  }
0xbb: {  	v54 =	vmin.f32 v47, v50;
	v2 =	vmax.f32 v2, v53;
	[tilespmem:s25+$0xFC00] =	vst v16;
	v16 =	vld [tilespmem:$0x1FCB0]  }
0xbc: {  	v4 =	vmax.f32 v47, v50;
	[tilespmem:s25+$0x13400] =	vst v2;
	v12 =	vld.idx.msk [tilespmem:v12+s3+$0x0], $0xffff;
	v8 =	vor.u32 v8, v41  }
0xbd: {  	v55 =	vmin.f32 v11, v13;
	v2 =	vld.idx.msk [tilespmem:v10+s3+$0x0], $0xffff;
	v10 =	vmax.f32 v11, v13;
	v9 =	vor.u32 v9, v41  }
0xbe: {  	v14 =	vld.idx.msk [tilespmem:v14+s3+$0x0], $0xffff;
	v11 =	vmax.f32 v54, v55;
	v13 =	vmin.f32 v4, v10;
	v3 =	vor.u32 v3, v41  }
0xbf: {  	v4 =	vmax.f32 v4, v10;
	v56 =	vmin.f32 v11, v13;
	v10 =	vmax.f32 v11, v13;
	v11 =	vld [tilespmem:$0x1FC90]  }
0xc0: {  	v13 =	vld [tilespmem:$0x1FCA0]  }
0xc1: {  	v8 =	vld.idx.msk [tilespmem:v8+s3+$0x0], $0xffff  }
0xc2: {  	v9 =	vld.idx.msk [tilespmem:v9+s3+$0x0], $0xffff  }
0xc3: {  	v3 =	vld.idx.msk [tilespmem:v3+s3+$0x0], $0xffff  }
0xc4: {  	v5 =	vmin.f32 v54, v55  }
0xc5: {  	v17 =	vor.u32 v17, v1;
	v16 =	vor.u32 v16, v1;
	v18 =	vmin.f32 v15, v14  }
0xc6: {  	v14 =	vmax.f32 v15, v14;
	v15 =	vmin.f32 v12, v6;
	v11 =	vor.u32 v11, v1  }
0xc7: {  	[tilespmem:s26+$0xE050] =	vst v5;
	v13 =	vor.u32 v13, v1;
	v1 =	vmin.f32 v2, v9;
	v57 =	vmax.f32 v2, v9  }
0xc8: {  	[tilespmem:s26+$0xFC50] =	vst v56;
	v9 =	vmax.f32 v12, v6;
	v2 =	vmin.f32 v8, v3;
	v8 =	vmax.f32 v8, v3  }
0xc9: {  	[tilespmem:s26+$0x11850] =	vst v10;
	v3 =	vmax.f32 v1, v2;
	v59 =	vmin.f32 v1, v2;
	v1 =	vor.u32 $0x240, v0  }
0xca: {  	v58 =	vmin.f32 v57, v8;
	[tilespmem:$0x1FAD0] =	vst v1;
	v12 =	vor.u32 v1, v41;
	v1 =	vor.u32 $0x241, v0  }
0xcb: {  	v10 =	vmin.f32 v3, v58;
	[tilespmem:$0x1FAE0] =	vst v1  }
0xcc: {  	v60 =	vor.u32 v1, v41;
	v1 =	vor.u32 $0x2C0, v0;
	[tilespmem:s25+$0xFC10] =	vst v10  }
0xcd: {  	s30 =	sor.u32 $0x3, s23;
	[tilespmem:$0x1FAF0] =	vst v1;
	v10 =	vor.u32 v1, v41;
	v1 =	vor.u32 $0x2C1, v0  }
0xce: {  	s29 =	sshll.u32 s30, $0x1;
	v5 =	vmax.f32 v57, v8;
	[tilespmem:$0x1FB00] =	vst v1;
	v8 =	vor.u32 v1, v41;
	v1 =	vld [tilespmem:$0x1FDD0]  }
0xcf: {  	v19 =	vmov s29;
	[tilespmem:s26+$0x13450] =	vst v4  }
0xd0: {  	v20 =	vld.idx.msk [tilespmem:v11+s3+$0x0], $0xffff;
	v11 =	vshll.u32 v19, $0x8;
	[tilespmem:s25+$0xE010] =	vst v59  }
0xd1: {  	v61 =	vand.u32 $0x7000, v11;
	v11 =	vmin.f32 v18, v15;
	[tilespmem:s25+$0x13410] =	vst v5  }
0xd2: {  	v19 =	vld.idx.msk [tilespmem:v13+s3+$0x0], $0xffff;
	v13 =	vmax.f32 v18, v15;
	v6 =	vmax.f32 v3, v58;
	v51 =	vbroadcast v61, $0x0;
	[tilespmem:s24+$0xE030] =	vst v11  }
0xd3: {  	v21 =	vld.idx.msk [tilespmem:v16+s3+$0x0], $0xffff;
	v15 =	vmin.f32 v14, v9;
	[tilespmem:s25+$0x11810] =	vst v6;
	v16 =	vor.u32 v1, v33;
	v1 =	vor.u32 $0x300, v0  }
0xd4: {  	v9 =	vmax.f32 v14, v9;
	[tilespmem:$0x1FA70] =	vst v1;
	v22 =	vor.u32 v1, v51;
	v1 =	vor.u32 $0x301, v0  }
0xd5: {  	v18 =	vmin.f32 v13, v15;
	v13 =	vmax.f32 v13, v15;
	[tilespmem:$0x1FA80] =	vst v1;
	v15 =	vor.u32 v1, v51;
	v1 =	vld [tilespmem:$0x1FDE0]  }
0xd6: {  	[tilespmem:s24+$0x13430] =	vst v9;
	v12 =	vld.idx.msk [tilespmem:v12+s3+$0x0], $0xffff  }
0xd7: {  	[tilespmem:s24+$0xFC30] =	vst v18;
	v11 =	vld.idx.msk [tilespmem:v60+s3+$0x0], $0xffff  }
0xd8: {  	v7 =	vor.u32 $0x380, v0;
	[tilespmem:s24+$0x11830] =	vst v13;
	v10 =	vld.idx.msk [tilespmem:v10+s3+$0x0], $0xffff  }
0xd9: {  	v14 =	vor.u32 v7, v51;
	v23 =	vld.idx.msk [tilespmem:v16+s3+$0x0], $0xffff  }
0xda: {  	v16 =	vor.u32 v1, v33;
	v1 =	vld [tilespmem:$0x1FDF0]  }
0xdb: {  	v62 =	vor.u32 $0x320, v0;
	v13 =	vld.idx.msk [tilespmem:v8+s3+$0x0], $0xffff  }
0xdc: {  	v63 =	vor.u32 $0x321, v0;
	[tilespmem:$0x1FAB0] =	vst v62;
	v8 =	vor.u32 $0x381, v0  }
0xdd: {  	v43 =	vor.u32 $0x601, v0;
	v40 =	vor.u32 $0x600, v0;
	[tilespmem:$0x1FAC0] =	vst v63;
	v18 =	vor.u32 v8, v51  }
0xde: {  	v42 =	vor.u32 v40, v41;
	v47 =	vor.u32 v43, v41;
	v48 =	vor.u32 $0x680, v0;
	[tilespmem:$0x1FB50] =	vst v40;
	v14 =	vld.idx.msk [tilespmem:v14+s3+$0x0], $0xffff  }
0xdf: {  	[tilespmem:$0x1FB70] =	vst v48;
	v3 =	vor.u32 $0x2E0, v0;
	v9 =	vmin.f32 v12, v10;
	v24 =	vor.u32 v1, v33;
	v1 =	vld [tilespmem:$0x1FE00]  }
0xe0: {  	v26 =	vmax.f32 v12, v10;
	v10 =	vmin.f32 v11, v13;
	v13 =	vmax.f32 v11, v13;
	v22 =	vld.idx.msk [tilespmem:v22+s3+$0x0], $0xffff  }
0xe1: {  	[tilespmem:$0x1FB30] =	vst v3;
	v12 =	vmax.f32 v9, v10;
	v27 =	vld.idx.msk [tilespmem:v16+s3+$0x0], $0xffff;
	v16 =	vmin.f32 v26, v13  }
0xe2: {  	v32 =	vor.u32 v62, v51;
	v36 =	vor.u32 v63, v51;
	v18 =	vld.idx.msk [tilespmem:v18+s3+$0x0], $0xffff;
	v29 =	vmin.f32 v12, v16  }
0xe3: {  	v11 =	vmin.f32 v9, v10;
	v15 =	vld.idx.msk [tilespmem:v15+s3+$0x0], $0xffff;
	[tilespmem:s25+$0xFC20] =	vst v29;
	v29 =	vor.u32 v3, v41  }
0xe4: {  	[tilespmem:s25+$0xE020] =	vst v11;
	v16 =	vmax.f32 v12, v16;
	v3 =	vor.u32 $0x2E1, v0;
	v25 =	vor.u32 v1, v33  }
0xe5: {  	v34 =	vmin.f32 v20, v21;
	[tilespmem:s25+$0x11820] =	vst v16;
	v16 =	vor.u32 v3, v41;
	v1 =	vor.u32 $0x260, v0  }
0xe6: {  	v17 =	vld.idx.msk [tilespmem:v17+s3+$0x0], $0xffff;
	v13 =	vmax.f32 v26, v13;
	[tilespmem:$0x1FB10] =	vst v1;
	v28 =	vor.u32 v1, v41;
	v1 =	vor.u32 $0x261, v0  }
0xe7: {  	v26 =	vmin.f32 v22, v14;
	[tilespmem:s25+$0x13420] =	vst v13;
	v24 =	vld.idx.msk [tilespmem:v24+s3+$0x0], $0xffff;
	v30 =	vor.u32 v1, v41  }
0xe8: {  	s28 =	sshll.u32 s30, $0x7;
	v22 =	vmax.f32 v22, v14;
	v13 =	vmin.f32 v15, v18;
	v18 =	vmax.f32 v15, v18;
	v29 =	vld.idx.msk [tilespmem:v29+s3+$0x0], $0xffff  }
0xe9: {  	s29 =	sand.u32 $0x3FFFFF80, s28;
	v15 =	vmin.f32 v26, v13;
	v26 =	vmax.f32 v26, v13;
	v31 =	vmin.f32 v22, v18;
	v25 =	vld.idx.msk [tilespmem:v25+s3+$0x0], $0xffff  }
0xea: {  	v18 =	vmax.f32 v22, v18;
	v35 =	vmin.f32 v26, v31;
	[tilespmem:s29+$0xE000] =	vst v15;
	v15 =	vor.u32 $0x3A0, v0;
	v6 =	vld.idx.msk [tilespmem:v16+s3+$0x0], $0xffff  }
0xeb: {  	v12 =	vor.u32 $0x3A1, v0;
	v26 =	vmax.f32 v26, v31;
	[tilespmem:s29+$0x13400] =	vst v18;
	v31 =	vor.u32 v15, v51;
	v28 =	vld.idx.msk [tilespmem:v28+s3+$0x0], $0xffff  }
0xec: {  	v45 =	vmax.f32 v20, v21;
	v20 =	vor.u32 v12, v51;
	[tilespmem:s29+$0xFC00] =	vst v35;
	v30 =	vld.idx.msk [tilespmem:v30+s3+$0x0], $0xffff  }
0xed: {  	v50 =	vor.u32 $0x681, v0;
	v49 =	vor.u32 v48, v41;
	v46 =	vmax.f32 v19, v17;
	[tilespmem:s29+$0x11800] =	vst v26  }
0xee: {  	v35 =	vmin.f32 v19, v17;
	v21 =	vld.idx.msk [tilespmem:v32+s3+$0x0], $0xffff;
	v17 =	vmin.f32 v23, v24;
	v18 =	vmin.f32 v27, v25  }
0xef: {  	v26 =	vmax.f32 v23, v24;
	v23 =	vld.idx.msk [tilespmem:v36+s3+$0x0], $0xffff;
	v25 =	vmax.f32 v27, v25;
	v22 =	vmin.f32 v17, v18  }
0xf0: {  	v27 =	vmax.f32 v17, v18;
	v17 =	vmin.f32 v28, v29;
	v24 =	vmax.f32 v28, v29;
	v29 =	vld.idx.msk [tilespmem:v31+s3+$0x0], $0xffff  }
0xf1: {  	[tilespmem:$0x1FB80] =	vst v50;
	v31 =	vld.idx.msk [tilespmem:v20+s3+$0x0], $0xffff;
	v18 =	vmin.f32 v30, v6;
	v28 =	vmax.f32 v30, v6  }
0xf2: {  	[tilespmem:$0x1FB40] =	vst v3;
	v19 =	vmin.f32 v17, v18;
	v30 =	vmax.f32 v17, v18;
	v20 =	vmin.f32 v24, v28  }
0xf3: {  	[tilespmem:$0x1FB20] =	vst v1;
	v24 =	vmax.f32 v24, v28;
	v28 =	vor.u32 v50, v41;
	v17 =	vor.u32 $0x341, v0  }
0xf4: {  	v55 =	vld [tilespmem:$0x1FE10];
	v44 =	vmin.f32 v30, v20;
	[tilespmem:s25+$0xE030] =	vst v19;
	v30 =	vmax.f32 v30, v20;
	v19 =	vor.u32 $0x340, v0  }
0xf5: {  	v56 =	vld [tilespmem:$0x1FE20];
	v40 =	vor.u32 v17, v51;
	[tilespmem:s25+$0x11830] =	vst v30;
	v38 =	vor.u32 v19, v51;
	v30 =	vmin.f32 v21, v29  }
0xf6: {  	v58 =	vld [tilespmem:$0x1FE30];
	[tilespmem:s25+$0x13430] =	vst v24;
	v29 =	vmax.f32 v21, v29;
	v21 =	vmin.f32 v23, v31;
	v31 =	vmax.f32 v23, v31  }
0xf7: {  	v60 =	vld [tilespmem:$0x1FE40];
	[tilespmem:s25+$0xFC30] =	vst v44;
	v23 =	vmin.f32 v30, v21;
	v24 =	vmax.f32 v30, v21;
	v52 =	vmin.f32 v29, v31  }
0xf8: {  	v32 =	vld.idx.msk [tilespmem:v42+s3+$0x0], $0xffff;
	v29 =	vmax.f32 v29, v31;
	v53 =	vmin.f32 v24, v52;
	[tilespmem:s29+$0xE010] =	vst v23;
	v23 =	vor.u32 $0x3C0, v0  }
0xf9: {  	v36 =	vld.idx.msk [tilespmem:v49+s3+$0x0], $0xffff;
	v37 =	vmax.f32 v24, v52;
	v24 =	vor.u32 $0x3C1, v0;
	[tilespmem:s29+$0x13410] =	vst v29;
	v54 =	vor.u32 v23, v51  }
0xfa: {  	v30 =	vld.idx.msk [tilespmem:v47+s3+$0x0], $0xffff;
	[tilespmem:s29+$0xFC10] =	vst v53;
	v31 =	vor.u32 v24, v51  }
0xfb: {  	v57 =	vor.u32 v56, v33;
	v59 =	vor.u32 v58, v33;
	v28 =	vld.idx.msk [tilespmem:v28+s3+$0x0], $0xffff;
	[tilespmem:s29+$0x11810] =	vst v37  }
0xfc: {  	s31 =	sor.u32 $0x4, s23;
	v56 =	vor.u32 $0x6A0, v0;
	[tilespmem:s24+$0xE040] =	vst v22;
	v42 =	vmin.f32 v26, v25;
	v25 =	vmax.f32 v26, v25;
	v29 =	vld.idx.msk [tilespmem:v38+s3+$0x0], $0xffff  }
0xfd: {  	s30 =	sshll.u32 s31, $0x1;
	v62 =	vor.u32 $0x620, v0;
	v61 =	vor.u32 v60, v33;
	v44 =	vmin.f32 v27, v42;
	[tilespmem:s24+$0x13440] =	vst v25;
	v40 =	vld.idx.msk [tilespmem:v40+s3+$0x0], $0xffff  }
0xfe: {  	v5 =	vmov s30;
	v63 =	vor.u32 v62, v41;
	v26 =	vmax.f32 v27, v42;
	[tilespmem:s24+$0xFC40] =	vst v44;
	v39 =	vld.idx.msk [tilespmem:v54+s3+$0x0], $0xffff  }
0xff: {  	v49 =	vshll.u32 v5, $0x8;
	v27 =	vor.u32 v55, v33;
	v55 =	vor.u32 $0x621, v0;
	[tilespmem:s24+$0x11840] =	vst v26;
	v31 =	vld.idx.msk [tilespmem:v31+s3+$0x0], $0xffff  }
0x100: {  	v1 =	vld [tilespmem:$0x1FC20];
	v49 =	vbroadcast v49, $0x0;
	[tilespmem:$0x1FBA0] =	vst v55;
	v50 =	vor.u32 v55, v41;
	v47 =	vmin.f32 v32, v36  }
0x101: {  	v42 =	vld.idx.msk [tilespmem:v59+s3+$0x0], $0xffff;
	v32 =	vmax.f32 v32, v36;
	v48 =	vmin.f32 v30, v28;
	v28 =	vmax.f32 v30, v28  }
0x102: {  	v44 =	vld.idx.msk [tilespmem:v61+s3+$0x0], $0xffff;
	v36 =	vmax.f32 v32, v28;
	v26 =	vmax.f32 v47, v48;
	v28 =	vmin.f32 v32, v28  }
0x103: {  	v38 =	vld.idx.msk [tilespmem:v57+s3+$0x0], $0xffff;
	v30 =	vmin.f32 v47, v48;
	v32 =	vmin.f32 v26, v28;
	v47 =	vmax.f32 v26, v28  }
0x104: {  	[tilespmem:s25+$0xE040] =	vst v30;
	v30 =	vmin.f32 v29, v39;
	v58 =	vmin.f32 v40, v31;
	v39 =	vmax.f32 v29, v39  }
0x105: {  	[tilespmem:s25+$0x13440] =	vst v36;
	v40 =	vmax.f32 v40, v31;
	v31 =	vmin.f32 v30, v58;
	v59 =	vmax.f32 v30, v58  }
0x106: {  	v2 =	vld [tilespmem:$0x1FC10];
	v60 =	vmin.f32 v39, v40;
	v39 =	vmax.f32 v39, v40;
	[tilespmem:s29+$0xE020] =	vst v31;
	v31 =	vor.u32 $0x3E1, v0  }
0x107: {  	v3 =	vld [tilespmem:$0x1FC30];
	[tilespmem:s25+$0x11840] =	vst v47;
	v61 =	vmin.f32 v59, v60;
	v47 =	vmax.f32 v59, v60;
	v6 =	vor.u32 v31, v51  }
0x108: {  	[tilespmem:s25+$0xFC40] =	vst v32;
	v60 =	vmin.f32 v38, v44;
	v38 =	vmax.f32 v38, v44;
	v44 =	vor.u32 v1, v49;
	v1 =	vld [tilespmem:$0x1FE50]  }
0x109: {  	v52 =	vor.u32 v56, v41;
	v57 =	vor.u32 $0x6A1, v0;
	v48 =	vld.idx.msk [tilespmem:v27+s3+$0x0], $0xffff;
	[tilespmem:s29+$0x13420] =	vst v39  }
0x10a: {  	v53 =	vor.u32 v57, v41;
	v55 =	vld.idx.msk [tilespmem:v63+s3+$0x0], $0xffff;
	[tilespmem:s29+$0xFC20] =	vst v61  }
0x10b: {  	v14 =	vor.u32 $0x361, v0;
	v50 =	vld.idx.msk [tilespmem:v50+s3+$0x0], $0xffff;
	[tilespmem:s29+$0x11820] =	vst v47  }
0x10c: {  	[tilespmem:$0x1FB60] =	vst v43;
	v63 =	vor.u32 v14, v51;
	v40 =	vld.idx.msk [tilespmem:v6+s3+$0x0], $0xffff  }
0x10d: {  	[tilespmem:$0x1FBB0] =	vst v56;
	v13 =	vor.u32 $0x360, v0;
	v6 =	vor.u32 v1, v33;
	v1 =	vld [tilespmem:$0x1FE60]  }
0x10e: {  	[tilespmem:$0x1FB90] =	vst v62;
	v62 =	vor.u32 v13, v51;
	v32 =	vor.u32 $0x3E0, v0;
	v52 =	vld.idx.msk [tilespmem:v52+s3+$0x0], $0xffff  }
0x10f: {  	v37 =	vmax.f32 v34, v35;
	v34 =	vmin.f32 v34, v35;
	v4 =	vor.u32 v32, v51;
	v35 =	vld.idx.msk [tilespmem:v53+s3+$0x0], $0xffff  }
0x110: {  	v43 =	vmin.f32 v45, v46;
	v5 =	vor.u32 v3, v49;
	[tilespmem:$0x1FBC0] =	vst v57;
	v58 =	vor.u32 v2, v49;
	v2 =	vld [tilespmem:$0x1FF10]  }
0x111: {  	v57 =	vmin.f32 v37, v43;
	v59 =	vmin.f32 v48, v42;
	v42 =	vmax.f32 v48, v42;
	v53 =	vld.idx.msk [tilespmem:v63+s3+$0x0], $0xffff  }
0x112: {  	[tilespmem:s26+$0xE060] =	vst v34;
	v63 =	vmin.f32 v42, v38;
	v38 =	vmax.f32 v42, v38;
	v42 =	vor.u32 v1, v33;
	v1 =	vld [tilespmem:$0x1FE70]  }
0x113: {  	[tilespmem:s26+$0xFC60] =	vst v57;
	v61 =	vmin.f32 v59, v60;
	v48 =	vld.idx.msk [tilespmem:v62+s3+$0x0], $0xffff  }
0x114: {  	v39 =	vmax.f32 v59, v60;
	v62 =	vor.u32 v0, v49;
	v36 =	vld.idx.msk [tilespmem:v4+s3+$0x0], $0xffff;
	[tilespmem:s24+$0xE050] =	vst v61  }
0x115: {  	v59 =	vmin.f32 v39, v63;
	v4 =	vmax.f32 v39, v63;
	v39 =	vld.idx.msk [tilespmem:v5+s3+$0x0], $0xffff;
	[tilespmem:s24+$0x13450] =	vst v38  }
0x116: {  	v21 =	vor.u32 $0x701, v0;
	v27 =	vor.u32 $0x780, v0;
	[tilespmem:s24+$0xFC50] =	vst v59;
	v58 =	vld.idx.msk [tilespmem:v58+s3+$0x0], $0xffff  }
0x117: {  	v26 =	vor.u32 $0x700, v0;
	v47 =	vmax.f32 v37, v43;
	[tilespmem:s24+$0x11850] =	vst v4;
	v43 =	vor.u32 v1, v33;
	v1 =	vld [tilespmem:$0x1FE80]  }
0x118: {  	v59 =	vmin.f32 v55, v52;
	v52 =	vmax.f32 v55, v52;
	v55 =	vmin.f32 v50, v35;
	v44 =	vld.idx.msk [tilespmem:v44+s3+$0x0], $0xffff  }
0x119: {  	v50 =	vmax.f32 v50, v35;
	v54 =	vld.idx.msk [tilespmem:v62+s3+$0x0], $0xffff;
	v62 =	vmin.f32 v48, v36;
	v63 =	vmin.f32 v53, v40  }
0x11a: {  	v36 =	vmax.f32 v48, v36;
	v40 =	vmax.f32 v53, v40;
	v53 =	vld.idx.msk [tilespmem:v6+s3+$0x0], $0xffff;
	v4 =	vmin.f32 v62, v63  }
0x11b: {  	v38 =	vmax.f32 v36, v40;
	v5 =	vmin.f32 v36, v40;
	v61 =	vld.idx.msk [tilespmem:v42+s3+$0x0], $0xffff;
	v42 =	vor.u32 v26, v51  }
0x11c: {  	[tilespmem:s29+$0xE030] =	vst v4;
	v4 =	vor.u32 v27, v51;
	v56 =	vor.u32 v1, v33;
	v33 =	vmax.f32 v62, v63  }
0x11d: {  	[tilespmem:s29+$0x13430] =	vst v38;
	v62 =	vld.idx.msk [tilespmem:v43+s3+$0x0], $0xffff;
	v43 =	vor.u32 v21, v51;
	v6 =	vmin.f32 v33, v5  }
0x11e: {  	v3 =	vld [tilespmem:$0x1FF30];
	v60 =	vmin.f32 v59, v55;
	v40 =	vmax.f32 v33, v5;
	v33 =	vor.u32 $0x781, v0;
	[tilespmem:s29+$0xFC30] =	vst v6  }
0x11f: {  	v5 =	vmin.f32 v54, v44;
	[tilespmem:s29+$0x11830] =	vst v40;
	v6 =	vmax.f32 v54, v44;
	v54 =	vor.u32 v2, v49;
	v2 =	vld [tilespmem:$0x1FF20]  }
0x120: {  	v1 =	vmin.f32 v58, v39;
	v39 =	vmax.f32 v58, v39;
	v63 =	vor.u32 v33, v51;
	v42 =	vld.idx.msk [tilespmem:v42+s3+$0x0], $0xffff  }
0x121: {  	s28 =	sshll.u32 s31, $0x7;
	v34 =	vmin.f32 v5, v1;
	v1 =	vmax.f32 v5, v1;
	v35 =	vmin.f32 v6, v39;
	v48 =	vld.idx.msk [tilespmem:v4+s3+$0x0], $0xffff  }
0x122: {  	s28 =	sand.u32 $0x3FFFFF80, s28;
	[tilespmem:s25+$0xE050] =	vst v60;
	v58 =	vmin.f32 v1, v35;
	v1 =	vmax.f32 v1, v35;
	v43 =	vld.idx.msk [tilespmem:v43+s3+$0x0], $0xffff  }
0x123: {  	[tilespmem:s28+$0x11800] =	vst v1;
	v1 =	vld [tilespmem:$0x1FC40]  }
0x124: {  	[tilespmem:s28+$0xE000] =	vst v34;
	v4 =	vmax.f32 v6, v39;
	v44 =	vor.u32 v2, v49;
	v2 =	vld [tilespmem:$0x1FFF0]  }
0x125: {  	v6 =	vmin.f32 v52, v50;
	v50 =	vmax.f32 v52, v50;
	[tilespmem:s28+$0x13400] =	vst v4;
	v34 =	vld.idx.msk [tilespmem:v63+s3+$0x0], $0xffff  }
0x126: {  	v5 =	vmax.f32 v59, v55;
	[tilespmem:s25+$0x13450] =	vst v50  }
0x127: {  	v59 =	vmin.f32 v5, v6;
	[tilespmem:s28+$0xFC00] =	vst v58  }
0x128: {  	v40 =	vmax.f32 v5, v6;
	[tilespmem:s25+$0xFC50] =	vst v59;
	v59 =	vor.u32 v3, v49;
	v38 =	vmin.f32 v42, v48  }
0x129: {  	[tilespmem:s25+$0x11850] =	vst v40;
	v56 =	vld.idx.msk [tilespmem:v56+s3+$0x0], $0xffff;
	v1 =	vor.u32 v1, v49;
	v58 =	vor.u32 v2, v49;
	v2 =	vor.u32 $0x640, v0  }
0x12a: {  	v3 =	vld [tilespmem:$0x1FF40];
	v39 =	vmin.f32 v43, v34;
	[tilespmem:$0x1FBD0] =	vst v2;
	v35 =	vor.u32 v2, v41;
	v2 =	vor.u32 $0x641, v0  }
0x12b: {  	v45 =	vmax.f32 v45, v46;
	v16 =	vor.u32 $0x7A1, v0;
	v40 =	vld [tilespmem:$0x1FF60];
	v4 =	vmin.f32 v38, v39;
	[tilespmem:$0x1FBE0] =	vst v2  }
0x12c: {  	v46 =	vor.u32 v16, v51;
	v54 =	vld.idx.msk [tilespmem:v54+s3+$0x0], $0xffff;
	v36 =	vor.u32 v2, v41;
	v2 =	vor.u32 $0x6C0, v0;
	[tilespmem:s29+$0xE040] =	vst v4  }
0x12d: {  	v42 =	vmax.f32 v42, v48;
	v44 =	vld.idx.msk [tilespmem:v44+s3+$0x0], $0xffff;
	[tilespmem:$0x1FBF0] =	vst v2;
	v37 =	vor.u32 v2, v41;
	v2 =	vor.u32 $0x6C1, v0  }
0x12e: {  	v43 =	vmax.f32 v43, v34;
	v48 =	vmax.f32 v38, v39;
	v1 =	vld.idx.msk [tilespmem:v1+s3+$0x0], $0xffff;
	[tilespmem:$0x1FC00] =	vst v2  }
0x12f: {  	v50 =	vor.u32 v2, v41;
	v2 =	vmin.f32 v42, v43;
	v43 =	vmax.f32 v42, v43;
	v58 =	vld.idx.msk [tilespmem:v58+s3+$0x0], $0xffff  }
0x130: {  	v42 =	vld [tilespmem:$0x1FCE0];
	v5 =	vmin.f32 v48, v2;
	[tilespmem:s29+$0x13440] =	vst v43  }
0x131: {  	v20 =	vor.u32 $0x720, v0;
	v2 =	vmax.f32 v48, v2;
	v55 =	vld.idx.msk [tilespmem:v35+s3+$0x0], $0xffff;
	[tilespmem:s29+$0xFC40] =	vst v5  }
0x132: {  	v22 =	vor.u32 $0x721, v0;
	v48 =	vor.u32 v20, v51;
	[tilespmem:s29+$0x11840] =	vst v2;
	v57 =	vld.idx.msk [tilespmem:v36+s3+$0x0], $0xffff  }
0x133: {  	v2 =	vor.u32 v22, v51;
	v46 =	vld.idx.msk [tilespmem:v46+s3+$0x0], $0xffff  }
0x134: {  	v52 =	vld.idx.msk [tilespmem:v37+s3+$0x0], $0xffff;
	v34 =	vmin.f32 v44, v1;
	v6 =	vmin.f32 v54, v58  }
0x135: {  	s30 =	sor.u32 $0x5, s23;
	v60 =	vor.u32 v3, v49;
	v3 =	vld.idx.msk [tilespmem:v50+s3+$0x0], $0xffff;
	v35 =	vmin.f32 v6, v34  }
0x136: {  	s31 =	sshll.u32 s30, $0x1;
	[tilespmem:s28+$0xE010] =	vst v35;
	v35 =	vld [tilespmem:$0x1FF50]  }
0x137: {  	v63 =	vmov s31;
	v1 =	vmax.f32 v44, v1;
	v54 =	vmax.f32 v54, v58;
	v48 =	vld.idx.msk [tilespmem:v48+s3+$0x0], $0xffff  }
0x138: {  	v36 =	vmax.f32 v6, v34;
	v37 =	vmin.f32 v54, v1;
	v1 =	vmax.f32 v54, v1;
	v2 =	vld.idx.msk [tilespmem:v2+s3+$0x0], $0xffff  }
0x139: {  	v41 =	vor.u32 v40, v49;
	v34 =	vshll.u32 v63, $0x8;
	v63 =	vld [tilespmem:$0x1FF70];
	v39 =	vmax.f32 v36, v37;
	[tilespmem:s28+$0x13410] =	vst v1  }
0x13a: {  	v38 =	vmin.f32 v36, v37;
	v37 =	vand.u32 $0x7800, v34;
	[tilespmem:s28+$0x11810] =	vst v39;
	v39 =	vld [tilespmem:$0x1FCD0]  }
0x13b: {  	[tilespmem:s28+$0xFC10] =	vst v38;
	v50 =	vbroadcast v37, $0x0;
	v37 =	vld [tilespmem:$0x1FD00];
	v36 =	vor.u32 v35, v49  }
0x13c: {  	v18 =	vor.u32 $0x7A0, v0;
	[tilespmem:s26+$0x11860] =	vst v47;
	v47 =	vld.idx.msk [tilespmem:v59+s3+$0x0], $0xffff  }
0x13d: {  	v1 =	vor.u32 v18, v51;
	v59 =	vld.idx.msk [tilespmem:v60+s3+$0x0], $0xffff  }
0x13e: {  	v54 =	vld.idx.msk [tilespmem:v41+s3+$0x0], $0xffff;
	v43 =	vor.u32 v42, v50  }
0x13f: {  	v38 =	vmin.f32 v53, v62;
	v53 =	vmax.f32 v53, v62;
	v35 =	vld [tilespmem:$0x1FCF0];
	v40 =	vor.u32 v39, v50  }
0x140: {  	v41 =	vmin.f32 v61, v56;
	v56 =	vmax.f32 v61, v56;
	v5 =	vor.u32 v37, v50;
	v58 =	vld.idx.msk [tilespmem:v36+s3+$0x0], $0xffff  }
0x141: {  	[tilespmem:s26+$0x13460] =	vst v45;
	v60 =	vmin.f32 v55, v52;
	v52 =	vmax.f32 v55, v52;
	v34 =	vmin.f32 v38, v41;
	v37 =	vld [tilespmem:$0x1FF90]  }
0x142: {  	v45 =	vmax.f32 v38, v41;
	[tilespmem:s24+$0xE060] =	vst v34;
	v34 =	vor.u32 v63, v49;
	v1 =	vld.idx.msk [tilespmem:v1+s3+$0x0], $0xffff  }
0x143: {  	v39 =	vmin.f32 v47, v54;
	v47 =	vmax.f32 v47, v54;
	v55 =	vld.idx.msk [tilespmem:v43+s3+$0x0], $0xffff;
	v36 =	vmin.f32 v53, v56  }
0x144: {  	v4 =	vor.u32 v35, v50;
	v53 =	vmax.f32 v53, v56;
	v38 =	vmin.f32 v45, v36;
	v56 =	vld.idx.msk [tilespmem:v40+s3+$0x0], $0xffff  }
0x145: {  	v45 =	vmax.f32 v45, v36;
	v5 =	vld.idx.msk [tilespmem:v5+s3+$0x0], $0xffff;
	[tilespmem:s24+$0xFC60] =	vst v38;
	v40 =	vmin.f32 v59, v58  }
0x146: {  	v35 =	vld [tilespmem:$0x1FF80];
	[tilespmem:s24+$0x11860] =	vst v45;
	v38 =	vor.u32 v37, v49;
	v41 =	vmax.f32 v59, v58;
	v42 =	vmin.f32 v39, v40  }
0x147: {  	v37 =	vld [tilespmem:$0x1FD20];
	v43 =	vmax.f32 v39, v40;
	v44 =	vmin.f32 v47, v41;
	v47 =	vmax.f32 v47, v41;
	[tilespmem:s28+$0xE020] =	vst v42  }
0x148: {  	v39 =	vld [tilespmem:$0x1FFA0];
	v62 =	vmin.f32 v43, v44;
	[tilespmem:s28+$0x13420] =	vst v47  }
0x149: {  	v4 =	vld.idx.msk [tilespmem:v4+s3+$0x0], $0xffff;
	v45 =	vmax.f32 v43, v44;
	[tilespmem:s28+$0xFC20] =	vst v62  }
0x14a: {  	[tilespmem:s28+$0x11820] =	vst v45  }
0x14b: {  	v42 =	vmin.f32 v55, v5;
	v5 =	vmax.f32 v55, v5;
	v55 =	vld.idx.msk [tilespmem:v34+s3+$0x0], $0xffff  }
0x14c: {  	v58 =	vmin.f32 v48, v1;
	v36 =	vor.u32 v35, v49;
	v34 =	vld [tilespmem:$0x1FD10]  }
0x14d: {  	v1 =	vmax.f32 v48, v1;
	v45 =	vmin.f32 v2, v46;
	v40 =	vor.u32 v39, v49;
	v39 =	vld [tilespmem:$0x1FD30]  }
0x14e: {  	s30 =	sshll.u32 s30, $0x7;
	v2 =	vmax.f32 v2, v46;
	v48 =	vld.idx.msk [tilespmem:v38+s3+$0x0], $0xffff;
	v38 =	vor.u32 v37, v50;
	v41 =	vmin.f32 v56, v4  }
0x14f: {  	s26 =	sand.u32 $0x3FFFFF80, s30;
	v4 =	vmax.f32 v56, v4;
	v43 =	vmin.f32 v41, v42;
	v46 =	vmax.f32 v41, v42;
	v42 =	vld [tilespmem:$0x1FD40]  }
0x150: {  	v62 =	vld [tilespmem:$0x1FC50];
	v44 =	vmin.f32 v4, v5;
	v4 =	vmax.f32 v4, v5;
	[tilespmem:s26+$0xE000] =	vst v43  }
0x151: {  	v47 =	vld.idx.msk [tilespmem:v36+s3+$0x0], $0xffff;
	v36 =	vmin.f32 v46, v44;
	[tilespmem:s26+$0x13400] =	vst v4;
	v35 =	vor.u32 v34, v50  }
0x152: {  	v46 =	vmax.f32 v46, v44;
	[tilespmem:s26+$0xFC00] =	vst v36;
	v54 =	vld.idx.msk [tilespmem:v40+s3+$0x0], $0xffff;
	v40 =	vor.u32 v39, v50  }
0x153: {  	v61 =	vmin.f32 v57, v3;
	v37 =	vld [tilespmem:$0x1FFB0];
	[tilespmem:s26+$0x11800] =	vst v46  }
0x154: {  	v3 =	vmax.f32 v57, v3;
	v63 =	vmin.f32 v1, v2;
	v57 =	vld.idx.msk [tilespmem:v38+s3+$0x0], $0xffff;
	v43 =	vor.u32 v42, v50  }
0x155: {  	v1 =	vmax.f32 v1, v2;
	v41 =	vmin.f32 v58, v45;
	v45 =	vmax.f32 v58, v45;
	v42 =	vld [tilespmem:$0x1FFD0]  }
0x156: {  	[tilespmem:s29+$0x13450] =	vst v1;
	v2 =	vmax.f32 v45, v63;
	v5 =	vld.idx.msk [tilespmem:v35+s3+$0x0], $0xffff  }
0x157: {  	[tilespmem:s29+$0x11850] =	vst v2;
	v2 =	vmin.f32 v55, v48;
	v48 =	vmax.f32 v55, v48;
	v56 =	vld.idx.msk [tilespmem:v40+s3+$0x0], $0xffff  }
0x158: {  	[tilespmem:s29+$0xE050] =	vst v41;
	v38 =	vor.u32 v37, v49;
	v34 =	vmin.f32 v47, v54;
	v47 =	vmax.f32 v47, v54;
	v40 =	vld [tilespmem:$0x1FFC0]  }
0x159: {  	v36 =	vld.idx.msk [tilespmem:v43+s3+$0x0], $0xffff;
	v35 =	vmin.f32 v2, v34;
	v1 =	vmax.f32 v2, v34;
	v2 =	vmin.f32 v48, v47  }
0x15a: {  	v6 =	vmin.f32 v45, v63;
	v37 =	vld [tilespmem:$0x1FD50];
	v39 =	vmin.f32 v1, v2;
	[tilespmem:s28+$0xE030] =	vst v35;
	v1 =	vmax.f32 v1, v2  }
0x15b: {  	v45 =	vor.u32 $0x740, v0;
	v43 =	vor.u32 v42, v49;
	v47 =	vmax.f32 v48, v47;
	[tilespmem:s28+$0x11830] =	vst v1;
	v1 =	vld [tilespmem:$0x1FFE0]  }
0x15c: {  	v58 =	vmax.f32 v60, v61;
	v46 =	vor.u32 $0x7C0, v0;
	v42 =	vld [tilespmem:$0x1FD70];
	v2 =	vor.u32 v45, v51;
	[tilespmem:s28+$0x13430] =	vst v47  }
0x15d: {  	[tilespmem:s28+$0xFC30] =	vst v39;
	v41 =	vor.u32 v40, v49;
	v63 =	vmin.f32 v5, v56;
	v5 =	vmax.f32 v5, v56;
	v40 =	vld [tilespmem:$0x1FD60]  }
0x15e: {  	v34 =	vmin.f32 v57, v36;
	v55 =	vmax.f32 v57, v36;
	v56 =	vor.u32 v46, v51;
	v57 =	vld.idx.msk [tilespmem:v38+s3+$0x0], $0xffff  }
0x15f: {  	[tilespmem:s29+$0xFC50] =	vst v6;
	v38 =	vor.u32 v37, v50;
	v35 =	vmin.f32 v63, v34;
	v47 =	vmax.f32 v63, v34;
	v34 =	vld [tilespmem:$0x1FD80]  }
0x160: {  	v59 =	vld.idx.msk [tilespmem:v43+s3+$0x0], $0xffff;
	v36 =	vmin.f32 v5, v55;
	v5 =	vmax.f32 v5, v55;
	v1 =	vor.u32 v1, v49  }
0x161: {  	v63 =	vmax.f32 v52, v3;
	v3 =	vmin.f32 v52, v3;
	[tilespmem:s26+$0xE010] =	vst v35;
	v2 =	vld.idx.msk [tilespmem:v2+s3+$0x0], $0xffff  }
0x162: {  	[tilespmem:s26+$0x13410] =	vst v5;
	v37 =	vmin.f32 v58, v3;
	v54 =	vld.idx.msk [tilespmem:v41+s3+$0x0], $0xffff;
	v41 =	vor.u32 v40, v50  }
0x163: {  	v43 =	vor.u32 v42, v50;
	v39 =	vmin.f32 v47, v36;
	[tilespmem:s25+$0xFC60] =	vst v37;
	v37 =	vld [tilespmem:$0x1FC80]  }
0x164: {  	v47 =	vmax.f32 v47, v36;
	[tilespmem:s26+$0xFC10] =	vst v39;
	v36 =	vld.idx.msk [tilespmem:v56+s3+$0x0], $0xffff;
	v35 =	vor.u32 v34, v50  }
0x165: {  	[tilespmem:s26+$0x11810] =	vst v47;
	v47 =	vor.u32 $0x741, v0;
	v1 =	vld.idx.msk [tilespmem:v1+s3+$0x0], $0xffff  }
0x166: {  	v48 =	vor.u32 $0x7C1, v0;
	v39 =	vor.u32 v47, v51;
	v38 =	vld.idx.msk [tilespmem:v38+s3+$0x0], $0xffff  }
0x167: {  	[tilespmem:s24+$0x13460] =	vst v53;
	v4 =	vmin.f32 v60, v61;
	v51 =	vor.u32 v48, v51;
	v53 =	vld.idx.msk [tilespmem:v41+s3+$0x0], $0xffff  }
0x168: {  	[tilespmem:s25+$0xE060] =	vst v4;
	v41 =	vld.idx.msk [tilespmem:v43+s3+$0x0], $0xffff  }
0x169: {  	v3 =	vmax.f32 v58, v3;
	v40 =	vmin.f32 v57, v59;
	v57 =	vmax.f32 v57, v59;
	v43 =	vld.idx.msk [tilespmem:v35+s3+$0x0], $0xffff  }
0x16a: {  	[tilespmem:s25+$0x11860] =	vst v3;
	v34 =	vor.u32 v62, v49;
	v35 =	vld [tilespmem:$0x1FC60];
	v42 =	vmin.f32 v54, v1;
	v1 =	vmax.f32 v54, v1  }
0x16b: {  	v4 =	vld.idx.msk [tilespmem:v39+s3+$0x0], $0xffff;
	v56 =	vmin.f32 v2, v36;
	v3 =	vmax.f32 v40, v42;
	v60 =	vmin.f32 v57, v1  }
0x16c: {  	v51 =	vld.idx.msk [tilespmem:v51+s3+$0x0], $0xffff;
	v2 =	vmax.f32 v2, v36;
	v61 =	vmin.f32 v3, v60;
	v3 =	vmax.f32 v3, v60  }
0x16d: {  	v1 =	vmax.f32 v57, v1;
	v36 =	vmin.f32 v38, v41;
	v52 =	vmax.f32 v38, v41;
	[tilespmem:s28+$0x11840] =	vst v3;
	v3 =	vld [tilespmem:$0x1FC70]  }
0x16e: {  	v38 =	vor.u32 v37, v49;
	[tilespmem:s28+$0x13440] =	vst v1;
	v39 =	vmin.f32 v53, v43;
	v1 =	vmax.f32 v53, v43;
	v43 =	vld [tilespmem:$0x1FD90]  }
0x16f: {  	[tilespmem:s25+$0x13460] =	vst v63;
	v44 =	vmin.f32 v40, v42;
	v5 =	vor.u32 v35, v49;
	v35 =	vld [tilespmem:$0x1FDB0]  }
0x170: {  	v63 =	vld [tilespmem:$0x1FE90];
	[tilespmem:s28+$0xE040] =	vst v44;
	v40 =	vmin.f32 v36, v39  }
0x171: {  	s24 =	sor.u32 $0x6, s23;
	v62 =	vld [tilespmem:$0x1FDA0];
	[tilespmem:s28+$0xFC40] =	vst v61;
	v41 =	vmax.f32 v36, v39;
	v42 =	vmax.f32 v52, v1;
	v1 =	vmin.f32 v52, v1  }
0x172: {  	s31 =	sshll.u32 s24, $0x1;
	v55 =	vld.idx.msk [tilespmem:v34+s3+$0x0], $0xffff;
	v61 =	vmin.f32 v41, v1;
	v1 =	vmax.f32 v41, v1;
	v3 =	vor.u32 v3, v49  }
0x173: {  	v37 =	vmov s31;
	[tilespmem:s26+$0x11820] =	vst v1;
	v1 =	vld.idx.msk [tilespmem:v38+s3+$0x0], $0xffff;
	v38 =	vmin.f32 v4, v51;
	v44 =	vor.u32 v43, v50  }
0x174: {  	v39 =	vld [tilespmem:$0x1FDC0];
	[tilespmem:s26+$0x13420] =	vst v42;
	v4 =	vmax.f32 v4, v51;
	v36 =	vor.u32 v35, v50;
	v41 =	vmin.f32 v56, v38  }
0x175: {  	v5 =	vld.idx.msk [tilespmem:v5+s3+$0x0], $0xffff;
	v42 =	vmax.f32 v56, v38;
	v56 =	vmax.f32 v2, v4;
	v2 =	vmin.f32 v2, v4  }
0x176: {  	v34 =	vor.u32 v62, v50;
	[tilespmem:s26+$0xE020] =	vst v40;
	v43 =	vmin.f32 v42, v2;
	v2 =	vmax.f32 v42, v2;
	v42 =	vld [tilespmem:$0x1FEC0]  }
0x177: {  	v53 =	vshll.u32 v37, $0x8;
	[tilespmem:s26+$0xFC20] =	vst v61;
	v3 =	vld.idx.msk [tilespmem:v3+s3+$0x0], $0xffff  }
0x178: {  	s25 =	sor.u32 $0x7, s23;
	v51 =	vbroadcast v53, $0x0;
	v4 =	vld.idx.msk [tilespmem:v44+s3+$0x0], $0xffff  }
0x179: {  	s31 =	sshll.u32 s25, $0x1;
	v54 =	vld.idx.msk [tilespmem:v36+s3+$0x0], $0xffff  }
0x17a: {  	v38 =	vmov s31;
	v53 =	vand.u32 $0x7800, v51;
	[tilespmem:s29+$0xE060] =	vst v41  }
0x17b: {  	v40 =	vor.u32 v39, v50;
	v58 =	vld.idx.msk [tilespmem:v34+s3+$0x0], $0xffff;
	v34 =	vor.u32 v63, v53;
	[tilespmem:s29+$0x11860] =	vst v2;
	v2 =	vshll.u32 v38, $0x8  }
0x17c: {  	v39 =	vld [tilespmem:$0x1FEB0];
	[tilespmem:s29+$0x13460] =	vst v56;
	v52 =	vbroadcast v2, $0x0;
	v35 =	vmin.f32 v5, v1;
	v44 =	vmin.f32 v55, v3  }
0x17d: {  	v9 =	vld [tilespmem:$0x1FED0];
	[tilespmem:s29+$0xFC60] =	vst v43;
	v43 =	vor.u32 v42, v53;
	v41 =	vmin.f32 v44, v35;
	v56 =	vmax.f32 v44, v35  }
0x17e: {  	v11 =	vld [tilespmem:$0x1FEF0];
	v44 =	vmin.f32 v4, v54;
	v4 =	vmax.f32 v4, v54;
	v54 =	vand.u32 $0x7800, v52  }
0x17f: {  	[tilespmem:$0x1FAA0] =	vst v8;
	v42 =	vor.u32 v8, v54;
	v8 =	vld [tilespmem:$0x1FDD0]  }
0x180: {  	v36 =	vld [tilespmem:$0x1FEA0]  }
0x181: {  	v3 =	vmax.f32 v55, v3;
	v55 =	vld.idx.msk [tilespmem:v40+s3+$0x0], $0xffff;
	v40 =	vor.u32 v39, v53  }
0x182: {  	v1 =	vmax.f32 v5, v1;
	v5 =	vld.idx.msk [tilespmem:v34+s3+$0x0], $0xffff  }
0x183: {  	v38 =	vld.idx.msk [tilespmem:v43+s3+$0x0], $0xffff  }
0x184: {  	v43 =	vor.u32 v8, v50;
	v8 =	vld [tilespmem:$0x1FDE0]  }
0x185: {  	v37 =	vor.u32 v36, v53;
	v36 =	vld [tilespmem:$0x1FA70]  }
0x186: {  	v34 =	vmin.f32 v58, v55;
	v55 =	vmax.f32 v58, v55;
	v58 =	vld.idx.msk [tilespmem:v40+s3+$0x0], $0xffff  }
0x187: {  	[tilespmem:$0x1FA90] =	vst v7;
	v7 =	vor.u32 v7, v54;
	v40 =	vld [tilespmem:$0x1FA80]  }
0x188: {  	v10 =	vld [tilespmem:$0x1FEE0];
	v2 =	vmin.f32 v3, v1;
	v59 =	vmax.f32 v44, v34;
	v39 =	vmin.f32 v4, v55  }
0x189: {  	[tilespmem:s28+$0xE050] =	vst v41;
	v35 =	vmin.f32 v44, v34;
	v41 =	vmin.f32 v59, v39;
	v34 =	vor.u32 v8, v50;
	v8 =	vld [tilespmem:$0x1FDF0]  }
0x18a: {  	v57 =	vmin.f32 v56, v2;
	[tilespmem:s26+$0xFC30] =	vst v41;
	v41 =	vor.u32 v11, v53;
	v11 =	vld [tilespmem:$0x1FF00]  }
0x18b: {  	v2 =	vmax.f32 v56, v2;
	[tilespmem:s28+$0xFC50] =	vst v57;
	v57 =	vld.idx.msk [tilespmem:v37+s3+$0x0], $0xffff;
	v37 =	vor.u32 v36, v54  }
0x18c: {  	[tilespmem:s28+$0x11850] =	vst v2;
	v7 =	vld.idx.msk [tilespmem:v7+s3+$0x0], $0xffff;
	v6 =	vor.u32 v40, v54  }
0x18d: {  	v4 =	vmax.f32 v4, v55;
	[tilespmem:s26+$0xE030] =	vst v35;
	v61 =	vld.idx.msk [tilespmem:v42+s3+$0x0], $0xffff  }
0x18e: {  	v59 =	vmax.f32 v59, v39;
	[tilespmem:s26+$0x13430] =	vst v4;
	v36 =	vor.u32 v8, v50;
	v8 =	vld [tilespmem:$0x1FE00]  }
0x18f: {  	v9 =	vor.u32 v9, v53;
	[tilespmem:s26+$0x11830] =	vst v59;
	v35 =	vmin.f32 v5, v58;
	v42 =	vor.u32 v11, v53;
	v11 =	vld [tilespmem:$0x1FAB0]  }
0x190: {  	s24 =	sshll.u32 s24, $0x7;
	v44 =	vld.idx.msk [tilespmem:v37+s3+$0x0], $0xffff;
	v5 =	vmax.f32 v5, v58;
	v37 =	vmin.f32 v57, v38;
	v57 =	vmax.f32 v57, v38  }
0x191: {  	s24 =	sand.u32 $0x3FFFFF80, s24;
	v62 =	vmax.f32 v35, v37;
	v39 =	vmin.f32 v5, v57;
	v5 =	vmax.f32 v5, v57;
	v6 =	vld.idx.msk [tilespmem:v6+s3+$0x0], $0xffff  }
0x192: {  	v10 =	vor.u32 v10, v53;
	v40 =	vmin.f32 v62, v39;
	[tilespmem:s24+$0x13400] =	vst v5;
	v55 =	vld.idx.msk [tilespmem:v34+s3+$0x0], $0xffff  }
0x193: {  	v62 =	vmax.f32 v62, v39;
	[tilespmem:s24+$0xFC00] =	vst v40;
	v38 =	vor.u32 v8, v50;
	v57 =	vld.idx.msk [tilespmem:v36+s3+$0x0], $0xffff  }
0x194: {  	[tilespmem:s24+$0x11800] =	vst v62;
	v8 =	vmin.f32 v35, v37;
	v36 =	vor.u32 v11, v54;
	v11 =	vld [tilespmem:$0x1FAC0]  }
0x195: {  	v40 =	vor.u32 v12, v54;
	[tilespmem:s24+$0xE000] =	vst v8;
	v8 =	vld.idx.msk [tilespmem:v43+s3+$0x0], $0xffff  }
0x196: {  	s25 =	sshll.u32 s25, $0x7;
	v4 =	vmax.f32 v44, v7;
	v43 =	vmin.f32 v6, v61;
	v6 =	vmax.f32 v6, v61;
	v2 =	vld.idx.msk [tilespmem:v9+s3+$0x0], $0xffff  }
0x197: {  	s25 =	sand.u32 $0x3FFFFF80, s25;
	v9 =	vmin.f32 v44, v7;
	v7 =	vld.idx.msk [tilespmem:v10+s3+$0x0], $0xffff;
	v35 =	vmin.f32 v4, v6;
	v4 =	vmax.f32 v4, v6  }
0x198: {  	v10 =	vmin.f32 v9, v43;
	v9 =	vmax.f32 v9, v43;
	[tilespmem:s25+$0x13400] =	vst v4;
	v5 =	vld.idx.msk [tilespmem:v38+s3+$0x0], $0xffff  }
0x199: {  	[tilespmem:s25+$0xE000] =	vst v10;
	v37 =	vmin.f32 v9, v35;
	v38 =	vor.u32 v11, v54;
	v11 =	vld [tilespmem:$0x1FAD0]  }
0x19a: {  	v39 =	vor.u32 v15, v54;
	v10 =	vld.idx.msk [tilespmem:v42+s3+$0x0], $0xffff;
	v9 =	vmax.f32 v9, v35;
	[tilespmem:s25+$0xFC00] =	vst v37  }
0x19b: {  	v1 =	vmax.f32 v3, v1;
	v44 =	vld.idx.msk [tilespmem:v41+s3+$0x0], $0xffff;
	[tilespmem:s25+$0x11800] =	vst v9  }
0x19c: {  	[tilespmem:s28+$0x13450] =	vst v1;
	v3 =	vmin.f32 v8, v57;
	v1 =	vmax.f32 v8, v57;
	v8 =	vld.idx.msk [tilespmem:v36+s3+$0x0], $0xffff  }
0x19d: {  	v6 =	vld.idx.msk [tilespmem:v40+s3+$0x0], $0xffff  }
0x19e: {  	v41 =	vmin.f32 v55, v5;
	v61 =	vor.u32 v11, v53;
	v11 =	vld [tilespmem:$0x1FAE0]  }
0x19f: {  	v43 =	vmin.f32 v7, v10;
	v7 =	vmax.f32 v7, v10;
	v10 =	vld.idx.msk [tilespmem:v39+s3+$0x0], $0xffff;
	v9 =	vmin.f32 v3, v41  }
0x1a0: {  	v42 =	vmin.f32 v2, v44;
	[tilespmem:s26+$0xE040] =	vst v9;
	v9 =	vld.idx.msk [tilespmem:v38+s3+$0x0], $0xffff  }
0x1a1: {  	v35 =	vmov v12;
	v2 =	vmax.f32 v2, v44;
	v44 =	vmin.f32 v42, v43;
	v38 =	vld [tilespmem:$0x1FB00]  }
0x1a2: {  	v57 =	vmax.f32 v42, v43;
	v60 =	vmin.f32 v2, v7;
	v2 =	vmax.f32 v2, v7;
	[tilespmem:s24+$0xE010] =	vst v44  }
0x1a3: {  	v5 =	vmax.f32 v55, v5;
	v62 =	vmin.f32 v57, v60;
	[tilespmem:s24+$0x13410] =	vst v2;
	v63 =	vor.u32 v11, v53;
	v11 =	vld [tilespmem:$0x1FAF0]  }
0x1a4: {  	v12 =	vld [tilespmem:$0x1FC90];
	v3 =	vmax.f32 v3, v41;
	v34 =	vmax.f32 v57, v60;
	v37 =	vmin.f32 v1, v5;
	[tilespmem:s24+$0xFC10] =	vst v62  }
0x1a5: {  	v44 =	vor.u32 v17, v54;
	[tilespmem:s24+$0x11810] =	vst v34;
	v2 =	vmin.f32 v3, v37;
	v39 =	vmin.f32 v8, v10  }
0x1a6: {  	[tilespmem:s26+$0xFC40] =	vst v2;
	v8 =	vmax.f32 v8, v10;
	v7 =	vor.u32 v38, v53;
	v40 =	vmin.f32 v9, v6  }
0x1a7: {  	v2 =	vld.idx.msk [tilespmem:v61+s3+$0x0], $0xffff;
	v6 =	vmax.f32 v9, v6;
	v10 =	vmin.f32 v39, v40;
	v41 =	vmax.f32 v39, v40  }
0x1a8: {  	v42 =	vmin.f32 v8, v6;
	v6 =	vmax.f32 v8, v6;
	[tilespmem:s25+$0xE010] =	vst v10;
	v36 =	vor.u32 v11, v53  }
0x1a9: {  	v61 =	vor.u32 v12, v49;
	v12 =	vld [tilespmem:$0x1FB10];
	v10 =	vmin.f32 v41, v42;
	[tilespmem:s25+$0x13410] =	vst v6  }
0x1aa: {  	v8 =	vor.u32 v24, v54;
	v56 =	vmax.f32 v41, v42;
	v9 =	vld.idx.msk [tilespmem:v63+s3+$0x0], $0xffff;
	[tilespmem:s25+$0xFC10] =	vst v10  }
0x1ab: {  	v10 =	vor.u32 v23, v54;
	[tilespmem:s25+$0x11810] =	vst v56;
	v7 =	vld.idx.msk [tilespmem:v7+s3+$0x0], $0xffff  }
0x1ac: {  	v6 =	vld.idx.msk [tilespmem:v44+s3+$0x0], $0xffff  }
0x1ad: {  	v55 =	vld.idx.msk [tilespmem:v36+s3+$0x0], $0xffff  }
0x1ae: {  	v36 =	vor.u32 v12, v53;
	v12 =	vld [tilespmem:$0x1FB20]  }
0x1af: {  	v8 =	vld.idx.msk [tilespmem:v8+s3+$0x0], $0xffff  }
0x1b0: {  	v43 =	vor.u32 v19, v54;
	v62 =	vmin.f32 v9, v7;
	v7 =	vmax.f32 v9, v7;
	v9 =	vld.idx.msk [tilespmem:v10+s3+$0x0], $0xffff  }
0x1b1: {  	v10 =	vld [tilespmem:$0x1FCB0];
	_ =	sdelay $0x1  }
0x1b2: {  	v38 =	vor.u32 v12, v53;
	v12 =	vld [tilespmem:$0x1FB30]  }
0x1b3: {  	v3 =	vmax.f32 v3, v37  }
0x1b4: {  	[tilespmem:s26+$0x11840] =	vst v3;
	v3 =	vld.idx.msk [tilespmem:v43+s3+$0x0], $0xffff;
	v43 =	vmin.f32 v6, v8  }
0x1b5: {  	v41 =	vld [tilespmem:$0x1FB40];
	v6 =	vmax.f32 v6, v8;
	v60 =	vmin.f32 v2, v55;
	v10 =	vor.u32 v10, v49  }
0x1b6: {  	v29 =	vmovc v17;
	v8 =	vld [tilespmem:$0x1FCC0];
	v2 =	vmax.f32 v2, v55;
	v63 =	vmin.f32 v60, v62;
	v4 =	vmax.f32 v60, v62  }
0x1b7: {  	v17 =	vld [tilespmem:$0x1FB80];
	v34 =	vmin.f32 v2, v7;
	v2 =	vmax.f32 v2, v7;
	[tilespmem:s24+$0xE020] =	vst v63;
	v39 =	vor.u32 v12, v53  }
0x1b8: {  	v37 =	vmin.f32 v4, v34;
	[tilespmem:s24+$0x13420] =	vst v2;
	v12 =	vld [tilespmem:$0x1FCA0]  }
0x1b9: {  	v40 =	vld.idx.msk [tilespmem:v61+s3+$0x0], $0xffff;
	v4 =	vmax.f32 v4, v34;
	[tilespmem:s24+$0xFC20] =	vst v37  }
0x1ba: {  	v7 =	vor.u32 v41, v53;
	[tilespmem:s24+$0x11820] =	vst v4;
	v2 =	vld.idx.msk [tilespmem:v10+s3+$0x0], $0xffff  }
0x1bb: {  	v8 =	vor.u32 v8, v49;
	v10 =	vmin.f32 v3, v9;
	v3 =	vmax.f32 v3, v9;
	v9 =	vld.idx.msk [tilespmem:v36+s3+$0x0], $0xffff  }
0x1bc: {  	v61 =	vld.idx.msk [tilespmem:v39+s3+$0x0], $0xffff  }
0x1bd: {  	v1 =	vmax.f32 v1, v5;
	v44 =	vld.idx.msk [tilespmem:v38+s3+$0x0], $0xffff;
	v42 =	vor.u32 v12, v49  }
0x1be: {  	v30 =	vmovc v19;
	v19 =	vmov v14;
	[tilespmem:s26+$0x13440] =	vst v1;
	v63 =	vor.u32 v13, v54;
	v36 =	vor.u32 v14, v54;
	v14 =	vld [tilespmem:$0x1FE20]  }
0x1bf: {  	v37 =	vor.u32 v32, v54;
	v7 =	vld.idx.msk [tilespmem:v7+s3+$0x0], $0xffff;
	v62 =	vmin.f32 v3, v6;
	v3 =	vmax.f32 v3, v6  }
0x1c0: {  	v60 =	vmin.f32 v10, v43;
	v10 =	vmax.f32 v10, v43;
	[tilespmem:s25+$0x13420] =	vst v3;
	v3 =	vld.idx.msk [tilespmem:v8+s3+$0x0], $0xffff  }
0x1c1: {  	[tilespmem:s25+$0xE020] =	vst v60;
	v34 =	vmin.f32 v10, v62;
	v1 =	vmin.f32 v9, v61;
	v8 =	vmax.f32 v9, v61;
	v9 =	vld [tilespmem:$0x1FE10]  }
0x1c2: {  	v10 =	vmax.f32 v10, v62;
	[tilespmem:s25+$0xFC20] =	vst v34;
	v38 =	vld.idx.msk [tilespmem:v42+s3+$0x0], $0xffff  }
0x1c3: {  	[tilespmem:s25+$0x11820] =	vst v10;
	v42 =	vor.u32 v14, v50;
	v14 =	vld [tilespmem:$0x1FE30]  }
0x1c4: {  	v39 =	vld.idx.msk [tilespmem:v63+s3+$0x0], $0xffff  }
0x1c5: {  	v10 =	vor.u32 v31, v54;
	v41 =	vld.idx.msk [tilespmem:v37+s3+$0x0], $0xffff;
	v5 =	vmin.f32 v40, v2;
	v2 =	vmax.f32 v40, v2  }
0x1c6: {  	v63 =	vld [tilespmem:$0x1FB50];
	v40 =	vmin.f32 v44, v7;
	v7 =	vmax.f32 v44, v7;
	v9 =	vor.u32 v9, v50  }
0x1c7: {  	v60 =	vmin.f32 v8, v7;
	v7 =	vmax.f32 v8, v7;
	v8 =	vld [tilespmem:$0x1FB60]  }
0x1c8: {  	v44 =	vor.u32 v14, v50;
	v14 =	vld [tilespmem:$0x1FE40]  }
0x1c9: {  	v53 =	vld.idx.msk [tilespmem:v36+s3+$0x0], $0xffff;
	v43 =	vmin.f32 v1, v40;
	v1 =	vmax.f32 v1, v40  }
0x1ca: {  	v10 =	vld.idx.msk [tilespmem:v10+s3+$0x0], $0xffff;
	v62 =	vmin.f32 v1, v60;
	v1 =	vmax.f32 v1, v60  }
0x1cb: {  	[tilespmem:s24+$0x11830] =	vst v1;
	v1 =	vld.idx.msk [tilespmem:v9+s3+$0x0], $0xffff  }
0x1cc: {  	v6 =	vor.u32 v63, v51;
	[tilespmem:s24+$0xE030] =	vst v43;
	v8 =	vor.u32 v8, v51;
	v9 =	vld [tilespmem:$0x1FB70]  }
0x1cd: {  	v36 =	vmin.f32 v39, v41;
	v4 =	vmax.f32 v39, v41;
	[tilespmem:s24+$0x13430] =	vst v7;
	v61 =	vor.u32 v14, v50  }
0x1ce: {  	[tilespmem:s24+$0xFC30] =	vst v62;
	v56 =	vmin.f32 v38, v3;
	v3 =	vmax.f32 v38, v3;
	v38 =	vor.u32 v17, v51  }
0x1cf: {  	v62 =	vor.u32 v33, v52;
	v34 =	vld.idx.msk [tilespmem:v42+s3+$0x0], $0xffff;
	v39 =	vmin.f32 v53, v10;
	v10 =	vmax.f32 v53, v10  }
0x1d0: {  	v40 =	vmin.f32 v36, v39;
	v55 =	vmax.f32 v36, v39;
	v42 =	vmax.f32 v4, v10;
	v37 =	vld.idx.msk [tilespmem:v44+s3+$0x0], $0xffff  }
0x1d1: {  	v4 =	vmin.f32 v4, v10;
	[tilespmem:s25+$0xE030] =	vst v40;
	v8 =	vld.idx.msk [tilespmem:v8+s3+$0x0], $0xffff;
	v9 =	vor.u32 v9, v51  }
0x1d2: {  	v43 =	vmin.f32 v55, v4;
	[tilespmem:s25+$0x13430] =	vst v42;
	v41 =	vld.idx.msk [tilespmem:v61+s3+$0x0], $0xffff  }
0x1d3: {  	v10 =	vor.u32 v26, v52;
	v4 =	vmax.f32 v55, v4;
	[tilespmem:s25+$0xFC30] =	vst v43;
	v61 =	vld.idx.msk [tilespmem:v38+s3+$0x0], $0xffff  }
0x1d4: {  	v60 =	vor.u32 v27, v52;
	v6 =	vld.idx.msk [tilespmem:v6+s3+$0x0], $0xffff;
	[tilespmem:s25+$0x11830] =	vst v4  }
0x1d5: {  	v42 =	vld.idx.msk [tilespmem:v62+s3+$0x0], $0xffff;
	v44 =	vor.u32 v21, v52  }
0x1d6: {  	v28 =	vmov v27;
	v54 =	vmin.f32 v5, v56;
	v9 =	vld.idx.msk [tilespmem:v9+s3+$0x0], $0xffff  }
0x1d7: {  	v27 =	vmovc v33;
	v5 =	vmax.f32 v5, v56;
	v62 =	vld [tilespmem:$0x1FB90];
	v63 =	vmin.f32 v1, v37;
	v1 =	vmax.f32 v1, v37  }
0x1d8: {  	v10 =	vld.idx.msk [tilespmem:v10+s3+$0x0], $0xffff;
	v33 =	vmin.f32 v34, v41;
	v7 =	vmax.f32 v34, v41;
	v4 =	vmax.f32 v8, v61  }
0x1d9: {  	v41 =	vld.idx.msk [tilespmem:v60+s3+$0x0], $0xffff;
	v56 =	vmax.f32 v63, v33;
	v57 =	vmax.f32 v1, v7;
	v1 =	vmin.f32 v1, v7  }
0x1da: {  	v34 =	vmin.f32 v63, v33;
	v7 =	vld.idx.msk [tilespmem:v44+s3+$0x0], $0xffff;
	v58 =	vmin.f32 v56, v1;
	v1 =	vmax.f32 v56, v1  }
0x1db: {  	v44 =	vmin.f32 v8, v61;
	v63 =	vld [tilespmem:$0x1FBA0];
	[tilespmem:s26+$0x11850] =	vst v1;
	v43 =	vmin.f32 v6, v9;
	v1 =	vmax.f32 v6, v9  }
0x1dc: {  	v8 =	vmax.f32 v43, v44;
	v60 =	vmin.f32 v1, v4  }
0x1dd: {  	v36 =	vld [tilespmem:$0x1FBC0];
	v61 =	vmin.f32 v8, v60;
	v8 =	vmax.f32 v8, v60  }
0x1de: {  	v33 =	vmin.f32 v10, v41;
	[tilespmem:s24+$0x11840] =	vst v8;
	v8 =	vmax.f32 v10, v41;
	v10 =	vld [tilespmem:$0x1FBB0]  }
0x1df: {  	[tilespmem:s26+$0xE050] =	vst v34;
	v6 =	vor.u32 v62, v51;
	v59 =	vmin.f32 v43, v44  }
0x1e0: {  	v62 =	vor.u32 v18, v52;
	v1 =	vmax.f32 v1, v4;
	v4 =	vor.u32 v63, v51;
	[tilespmem:s24+$0xE040] =	vst v59  }
0x1e1: {  	v9 =	vld [tilespmem:$0x1FE50];
	v34 =	vmin.f32 v7, v42;
	v63 =	vmin.f32 v2, v3;
	v2 =	vmax.f32 v2, v3;
	[tilespmem:s24+$0x13440] =	vst v1  }
0x1e2: {  	v44 =	vmov v18;
	v18 =	vld [tilespmem:$0x1FBD0];
	v1 =	vmax.f32 v7, v42;
	v7 =	vor.u32 v36, v51;
	[tilespmem:s28+$0x13460] =	vst v2  }
0x1e3: {  	v2 =	vld [tilespmem:$0x1FE80];
	[tilespmem:s24+$0xFC40] =	vst v61;
	v10 =	vor.u32 v10, v51  }
0x1e4: {  	v49 =	vmax.f32 v33, v34;
	v40 =	vmin.f32 v8, v1;
	v6 =	vld.idx.msk [tilespmem:v6+s3+$0x0], $0xffff  }
0x1e5: {  	v60 =	vmin.f32 v49, v40;
	v4 =	vld.idx.msk [tilespmem:v4+s3+$0x0], $0xffff  }
0x1e6: {  	v41 =	vor.u32 v20, v52;
	v1 =	vmax.f32 v8, v1;
	[tilespmem:s25+$0xFC40] =	vst v60;
	v60 =	vld [tilespmem:$0x1FBE0]  }
0x1e7: {  	v38 =	vmin.f32 v33, v34;
	v61 =	vor.u32 v22, v52;
	[tilespmem:s25+$0x13440] =	vst v1;
	v1 =	vld.idx.msk [tilespmem:v7+s3+$0x0], $0xffff  }
0x1e8: {  	[tilespmem:s25+$0xE040] =	vst v38;
	v49 =	vmax.f32 v49, v40;
	v8 =	vld.idx.msk [tilespmem:v10+s3+$0x0], $0xffff  }
0x1e9: {  	v33 =	vmov v16;
	v9 =	vor.u32 v9, v50;
	[tilespmem:s25+$0x11840] =	vst v49;
	v10 =	vor.u32 v16, v52;
	v16 =	vld [tilespmem:$0x1FE60]  }
0x1ea: {  	v3 =	vld.idx.msk [tilespmem:v62+s3+$0x0], $0xffff  }
0x1eb: {  	v36 =	vld.idx.msk [tilespmem:v41+s3+$0x0], $0xffff  }
0x1ec: {  	[tilespmem:s26+$0x13450] =	vst v57;
	v41 =	vld.idx.msk [tilespmem:v61+s3+$0x0], $0xffff  }
0x1ed: {  	[tilespmem:s26+$0xFC50] =	vst v58;
	v38 =	vmin.f32 v5, v63;
	v5 =	vmax.f32 v5, v63;
	v61 =	vld [tilespmem:$0x1FC00]  }
0x1ee: {  	[tilespmem:s28+$0xFC60] =	vst v38;
	v2 =	vor.u32 v2, v50;
	v9 =	vld.idx.msk [tilespmem:v9+s3+$0x0], $0xffff;
	v34 =	vor.u32 v16, v50  }
0x1ef: {  	[tilespmem:s28+$0x11860] =	vst v5;
	v16 =	vld [tilespmem:$0x1FE70];
	v42 =	vmin.f32 v6, v8;
	v6 =	vmax.f32 v6, v8;
	v8 =	vmin.f32 v4, v1  }
0x1f0: {  	v59 =	vor.u32 v18, v51;
	v10 =	vld.idx.msk [tilespmem:v10+s3+$0x0], $0xffff;
	v1 =	vmax.f32 v4, v1;
	v53 =	vmin.f32 v42, v8  }
0x1f1: {  	v5 =	vmax.f32 v42, v8;
	v8 =	vmin.f32 v6, v1;
	v1 =	vmax.f32 v6, v1;
	[tilespmem:s24+$0xE050] =	vst v53  }
0x1f2: {  	v58 =	vmin.f32 v5, v8;
	v5 =	vmax.f32 v5, v8;
	v8 =	vld [tilespmem:$0x1FBF0];
	[tilespmem:s24+$0x13450] =	vst v1  }
0x1f3: {  	v2 =	vld.idx.msk [tilespmem:v2+s3+$0x0], $0xffff;
	v6 =	vor.u32 v60, v51;
	[tilespmem:s24+$0xFC50] =	vst v58  }
0x1f4: {  	v62 =	vmin.f32 v36, v3;
	v3 =	vmax.f32 v36, v3;
	[tilespmem:s24+$0x11850] =	vst v5;
	v40 =	vor.u32 v16, v50  }
0x1f5: {  	v5 =	vor.u32 v61, v51;
	v49 =	vld.idx.msk [tilespmem:v34+s3+$0x0], $0xffff;
	v63 =	vmin.f32 v41, v10;
	v7 =	vmax.f32 v41, v10  }
0x1f6: {  	v50 =	vld.idx.msk [tilespmem:v59+s3+$0x0], $0xffff;
	v41 =	vor.u32 v48, v52;
	v10 =	vmin.f32 v62, v63;
	v1 =	vmax.f32 v62, v63  }
0x1f7: {  	v39 =	vld [tilespmem:$0x1FFE0];
	v34 =	vmin.f32 v3, v7;
	v3 =	vmax.f32 v3, v7;
	v8 =	vor.u32 v8, v51;
	[tilespmem:s25+$0xE050] =	vst v10  }
0x1f8: {  	v6 =	vld.idx.msk [tilespmem:v6+s3+$0x0], $0xffff;
	v38 =	vmin.f32 v1, v34;
	v10 =	vor.u32 v47, v52;
	[tilespmem:s25+$0x13450] =	vst v3  }
0x1f9: {  	v36 =	vor.u32 v45, v52;
	v1 =	vmax.f32 v1, v34;
	[tilespmem:s25+$0xFC50] =	vst v38;
	v43 =	vld.idx.msk [tilespmem:v40+s3+$0x0], $0xffff  }
0x1fa: {  	[tilespmem:s25+$0x11850] =	vst v1;
	v5 =	vld.idx.msk [tilespmem:v5+s3+$0x0], $0xffff;
	v40 =	vor.u32 v46, v52  }
0x1fb: {  	v7 =	vld.idx.msk [tilespmem:v41+s3+$0x0], $0xffff  }
0x1fc: {  	v1 =	vld.idx.msk [tilespmem:v8+s3+$0x0], $0xffff  }
0x1fd: {  	v10 =	vld.idx.msk [tilespmem:v10+s3+$0x0], $0xffff  }
0x1fe: {  	v8 =	vmin.f32 v49, v2;
	v3 =	vmin.f32 v9, v43;
	v4 =	vmax.f32 v9, v43;
	v9 =	vld.idx.msk [tilespmem:v36+s3+$0x0], $0xffff  }
0x1ff: {  	[tilespmem:s28+$0xE060] =	vst v54;
	v2 =	vmax.f32 v49, v2;
	v58 =	vld.idx.msk [tilespmem:v40+s3+$0x0], $0xffff;
	v42 =	vmin.f32 v3, v8  }
0x200: {  	v55 =	vld [tilespmem:$0x1FFA0];
	v3 =	vmax.f32 v3, v8;
	v8 =	vmin.f32 v4, v2;
	v2 =	vmax.f32 v4, v2;
	[tilespmem:s26+$0xE060] =	vst v42  }
0x201: {  	v54 =	vld [tilespmem:$0x1FF90];
	v43 =	vmin.f32 v3, v8;
	v3 =	vmax.f32 v3, v8;
	v59 =	vmin.f32 v50, v1;
	[tilespmem:s26+$0x13460] =	vst v2  }
0x202: {  	v37 =	vld [tilespmem:$0x1FFD0];
	v1 =	vmax.f32 v50, v1;
	[tilespmem:s26+$0x11860] =	vst v3;
	v3 =	vmin.f32 v6, v5;
	v5 =	vmax.f32 v6, v5  }
0x203: {  	v57 =	vld [tilespmem:$0x1FFC0];
	[tilespmem:s26+$0xFC60] =	vst v43;
	v2 =	vmin.f32 v59, v3;
	v3 =	vmax.f32 v59, v3;
	v60 =	vmin.f32 v1, v5  }
0x204: {  	v56 =	vld [tilespmem:$0x1FFB0];
	[tilespmem:s24+$0xE060] =	vst v2;
	v2 =	vmin.f32 v3, v60  }
0x205: {  	v53 =	vld [tilespmem:$0x1FF80];
	v61 =	vmin.f32 v10, v7;
	v62 =	vmax.f32 v10, v7;
	v3 =	vmax.f32 v3, v60;
	[tilespmem:s24+$0xFC60] =	vst v2  }
0x206: {  	p1 =	slt.u32 s23, $0x30;
	v51 =	vld [tilespmem:$0x1FF50];
	v1 =	vmax.f32 v1, v5;
	v2 =	vmin.f32 v9, v58;
	[tilespmem:s24+$0x11860] =	vst v3;
	v3 =	vmax.f32 v9, v58  }
.Ltmp0:
0x207: {  	v52 =	vld [tilespmem:$0x1FF70];
	[tilespmem:s24+$0x13460] =	vst v1;
	v1 =	vmin.f32 v2, v61;
	v2 =	vmax.f32 v2, v61;
	v63 =	vmin.f32 v3, v62;
	(pc) =	sbr.rel @p1 .LBB2_3-.Ltmp0, $4  }
0x208: {  	v49 =	vld [tilespmem:$0x1FFF0];
	[tilespmem:s25+$0xE060] =	vst v1;
	v1 =	vmin.f32 v2, v63  }
0x209: {  	v50 =	vld [tilespmem:$0x1FF60];
	v2 =	vmax.f32 v2, v63;
	[tilespmem:s25+$0xFC60] =	vst v1  }
0x20a: {  	s31 =	sadd.s32 $0x8, s23;
	v10 =	vld [tilespmem:$0x1FF40];
	v1 =	vmax.f32 v3, v62;
	[tilespmem:s25+$0x11860] =	vst v2  }
0x20b: {  	s23 =	smov.u32 s31;
	v9 =	vld [tilespmem:$0x1FF30];
	[tilespmem:s25+$0x13460] =	vst v1  }
0x20c: {  	[tilespmem:$0x1F9E0] =	vst v27  }
0x20d: {  	[tilespmem:$0x1F9F0] =	vst v28  }
0x20e: {  	[tilespmem:$0x1FA00] =	vst v21  }
0x20f: {  	[tilespmem:$0x1FA20] =	vst v31  }
0x210: {  	[tilespmem:$0x1FA30] =	vst v32;
	p1 =	sne.s32 s21, $0x17  }
.Ltmp1:
0x211: {  	[tilespmem:$0x1FA40] =	vst v19;
	(pc) =	sbr.rel @p1 .LBB2_6-.Ltmp1, $4  }
0x212: {  	v17 =	vmov v26;
	[tilespmem:$0x1FA60] =	vst v24  }
0x213: {  	v25 =	vmov v13;
	[tilespmem:$0x1FA10] =	vst v17  }
0x214: {  	s23 =	sadd.s32 s6, s22;
	[tilespmem:$0x1FA50] =	vst v25  }
0x215: {  	v34 =	vmovc v15;
	v11 =	vmov v23;
	v42 =	vmov v20;
	v43 =	vmov v22;
	[hbm4b:s23+s13] =	stream.strided.scatter [tilespmem:s15], [sflag:$0x3], $0x7000, s14, s13, $0x38;
	[tilespmem:$0x1C000] =	vst v63  }
.Ltmp2:
0x216: {  	(pc) =	sbr.rel .LBB2_7-.Ltmp2, $4  }
0x217: {  	_ = 	snop  }
0x218: {  	_ =	swait.ge [sflag:s16], $0x7000  }
0x219: {  	[sflag:s16] =	ssyncset.done $0x0;
	v7 =	vld [tilespmem:$0x1FF10]  }
0x21a: {  	v8 =	vld [tilespmem:$0x1FF20];
	[sflag:s16] =	ssyncadd.s32 $0xFFFF9000  }
.LBB2_6:
0x21b: {  	s23 =	sadd.s32 s21, s8  }
0x21c: {  	s23 =	smul.u32 $0xE000, s23;
	_ =	sdelay $0x1  }
0x21d: {  	s23 =	sadd.s32 s4, s23  }
0x21e: {  	s23 =	sshrl.u32 s23, $0x3  }
.Ltmp3:
0x21f: {  	s23 =	sadd.s32 s0, s23;
	(pc) =	sbr.rel @p0 .LBB2_8-.Ltmp3, $4  }
0x220: {  	[tilespmem:s3], [sflag:$0x1] =	stream.linear.gather [hbm4b:s23+s3], $0x7000, $0x38;
	[tilespmem:$0x1C000] =	vst v63  }
0x221: {  	_ =	swait.ge [sflag:s16], $0x7000  }
0x222: {  	[sflag:s16] =	ssyncset.done $0x0;
	v7 =	vld [tilespmem:$0x1FF10]  }
0x223: {  	v8 =	vld [tilespmem:$0x1FF20];
	[sflag:s16] =	ssyncadd.s32 $0xFFFF9000  }
.LBB2_7:
0x224: {  	_ =	swait.ge [sflag:s17], $0x7000  }
0x225: {  	[sflag:s17] =	ssyncset.done $0x0  }
0x226: {  	[sflag:s17] =	ssyncadd.s32 $0xFFFF9000  }
.LBB2_8:
0x227: {  	[tilespmem:$0x1F910] =	vst v34  }
0x228: {  	[tilespmem:$0x1F920] =	vst v35  }
0x229: {  	[tilespmem:$0x1F930] =	vst v30  }
0x22a: {  	[tilespmem:$0x1F940] =	vst v29  }
0x22b: {  	[tilespmem:$0x1F950] =	vst v11  }
0x22c: {  	[tilespmem:$0x1F960] =	vst v48  }
0x22d: {  	[tilespmem:$0x1F970] =	vst v47  }
0x22e: {  	[tilespmem:$0x1F980] =	vst v46  }
0x22f: {  	[tilespmem:$0x1F990] =	vst v45  }
0x230: {  	[tilespmem:$0x1F9A0] =	vst v33  }
0x231: {  	[tilespmem:$0x1F9B0] =	vst v44  }
0x232: {  	[tilespmem:$0x1F9C0] =	vst v43  }
0x233: {  	s23 =	simm.s32 $0x0;
	[tilespmem:$0x1F9D0] =	vst v42  }
.LBB2_9:
0x234: {  	s24 =	sshll.u32 s23, $0x1  }
0x235: {  	v12 =	vld [tilespmem:$0x1FC10];
	v1 =	vmov s24  }
0x236: {  	v13 =	vld [tilespmem:$0x1FC20];
	v1 =	vshll.u32 v1, $0x8  }
0x237: {  	v25 =	vld [tilespmem:$0x1FC30];
	v49 =	vbroadcast v1, $0x0;
	_ =	sdelay $0x1  }
0x238: {  	v1 =	vor.u32 v0, v49  }
0x239: {  	v2 =	vor.u32 v12, v49  }
0x23a: {  	v3 =	vor.u32 v13, v49  }
0x23b: {  	v4 =	vor.u32 v25, v49;
	_ =	sdelay $0x1  }
0x23c: {  	v1 =	vld.idx.msk [tilespmem:v1+s11+$0x0], $0xffff  }
0x23d: {  	v2 =	vld.idx.msk [tilespmem:v2+s11+$0x0], $0xffff  }
0x23e: {  	v3 =	vld.idx.msk [tilespmem:v3+s11+$0x0], $0xffff  }
0x23f: {  	v4 =	vld.idx.msk [tilespmem:v4+s11+$0x0], $0xffff;
	_ =	sdelay $0x1  }
0x240: {  	v14 =	vld [tilespmem:$0x1FC40];
	_ =	sdelay $0x1  }
0x241: {  	v35 =	vld [tilespmem:$0x1FFF0];
	v5 =	vmin.f32 v1, v3  }
0x242: {  	s29 =	sshll.u32 s23, $0x7;
	v6 =	vmin.f32 v2, v4;
	v1 =	vmax.f32 v1, v3;
	v2 =	vmax.f32 v2, v4  }
0x243: {  	s29 =	sand.u32 $0x3FFFFF80, s29;
	v3 =	vmin.f32 v5, v6;
	v4 =	vmax.f32 v5, v6;
	v6 =	vor.u32 v7, v49  }
0x244: {  	v5 =	vmin.f32 v1, v2;
	v1 =	vmax.f32 v1, v2;
	v2 =	vor.u32 v14, v49;
	[tilespmem:s29+$0x15000] =	vst v3  }
0x245: {  	v7 =	vmin.f32 v4, v5;
	v3 =	vor.u32 v8, v49;
	[tilespmem:s29+$0x1A400] =	vst v1  }
0x246: {  	v4 =	vmax.f32 v4, v5;
	v5 =	vor.u32 v35, v49;
	[tilespmem:s29+$0x16C00] =	vst v7  }
0x247: {  	[tilespmem:s29+$0x18800] =	vst v4  }
0x248: {  	v1 =	vld.idx.msk [tilespmem:v6+s11+$0x0], $0xffff  }
0x249: {  	v2 =	vld.idx.msk [tilespmem:v2+s11+$0x0], $0xffff  }
0x24a: {  	v3 =	vld.idx.msk [tilespmem:v3+s11+$0x0], $0xffff  }
0x24b: {  	v4 =	vld.idx.msk [tilespmem:v5+s11+$0x0], $0xffff  }
0x24c: {  	s25 =	sor.u32 $0x1, s23  }
0x24d: {  	s30 =	sshll.u32 s25, $0x1  }
0x24e: {  	v7 =	vmov s30  }
0x24f: {  	v7 =	vshll.u32 v7, $0x8;
	v6 =	vor.u32 v9, v49  }
0x250: {  	v5 =	vmin.f32 v1, v4;
	v1 =	vmax.f32 v1, v4;
	v4 =	vmin.f32 v3, v2  }
0x251: {  	v38 =	vld [tilespmem:$0x1FCD0];
	v2 =	vmax.f32 v3, v2;
	v3 =	vmin.f32 v5, v4;
	v4 =	vmax.f32 v5, v4  }
0x252: {  	v41 =	vld [tilespmem:$0x1FCF0];
	v5 =	vmin.f32 v1, v2;
	v1 =	vmax.f32 v1, v2;
	v2 =	vor.u32 v51, v49;
	[tilespmem:s29+$0x15010] =	vst v3  }
0x253: {  	v42 =	vld [tilespmem:$0x1FD00];
	v7 =	vand.u32 $0x7000, v7;
	v8 =	vmin.f32 v4, v5;
	v3 =	vor.u32 v10, v49;
	[tilespmem:s29+$0x1A410] =	vst v1  }
0x254: {  	v40 =	vld [tilespmem:$0x1FCE0];
	v51 =	vbroadcast v7, $0x0;
	v4 =	vmax.f32 v4, v5;
	v5 =	vor.u32 v50, v49;
	[tilespmem:s29+$0x16C10] =	vst v8  }
0x255: {  	[tilespmem:s29+$0x18810] =	vst v4  }
0x256: {  	v4 =	vor.u32 v38, v51;
	v1 =	vld.idx.msk [tilespmem:v6+s11+$0x0], $0xffff  }
0x257: {  	v7 =	vor.u32 v41, v51;
	v2 =	vld.idx.msk [tilespmem:v2+s11+$0x0], $0xffff  }
0x258: {  	v8 =	vor.u32 v42, v51;
	v3 =	vld.idx.msk [tilespmem:v3+s11+$0x0], $0xffff  }
0x259: {  	v6 =	vor.u32 v40, v51;
	v5 =	vld.idx.msk [tilespmem:v5+s11+$0x0], $0xffff;
	_ =	sdelay $0x1  }
0x25a: {  	v4 =	vld.idx.msk [tilespmem:v4+s11+$0x0], $0xffff  }
0x25b: {  	v7 =	vld.idx.msk [tilespmem:v7+s11+$0x0], $0xffff  }
0x25c: {  	v8 =	vld.idx.msk [tilespmem:v8+s11+$0x0], $0xffff  }
0x25d: {  	v60 =	vor.u32 v55, v49;
	v6 =	vld.idx.msk [tilespmem:v6+s11+$0x0], $0xffff;
	v9 =	vmin.f32 v1, v5;
	v10 =	vmin.f32 v3, v2  }
0x25e: {  	v1 =	vmax.f32 v1, v5;
	v2 =	vmax.f32 v3, v2;
	v3 =	vmin.f32 v9, v10  }
0x25f: {  	v43 =	vld [tilespmem:$0x1FD10];
	v5 =	vmax.f32 v1, v2;
	v9 =	vmax.f32 v9, v10;
	v1 =	vmin.f32 v1, v2  }
0x260: {  	v44 =	vld [tilespmem:$0x1FD20];
	v10 =	vor.u32 v54, v49;
	v2 =	vmin.f32 v9, v1;
	[tilespmem:s29+$0x15020] =	vst v3  }
0x261: {  	s31 =	sor.u32 $0x2, s23;
	v45 =	vld [tilespmem:$0x1FD30];
	v1 =	vmax.f32 v9, v1;
	v9 =	vor.u32 v52, v49;
	v3 =	vor.u32 v53, v49;
	[tilespmem:s29+$0x1A420] =	vst v5  }
0x262: {  	v46 =	vld [tilespmem:$0x1FD40];
	s28 =	sshll.u32 s31, $0x1;
	[tilespmem:s29+$0x16C20] =	vst v2;
	v2 =	vmin.f32 v4, v7;
	v4 =	vmax.f32 v4, v7;
	v7 =	vmin.f32 v6, v8  }
0x263: {  	v11 =	vld [tilespmem:$0x1FEB0];
	[tilespmem:s29+$0x18820] =	vst v1;
	v1 =	vmax.f32 v6, v8;
	v8 =	vmov s28;
	v6 =	vmin.f32 v2, v7  }
0x264: {  	s25 =	sshll.u32 s25, $0x7;
	v5 =	vmin.f32 v4, v1;
	v8 =	vshll.u32 v8, $0x8;
	v1 =	vmax.f32 v4, v1;
	v4 =	vld.idx.msk [tilespmem:v60+s11+$0x0], $0xffff  }
0x265: {  	s26 =	sand.u32 $0x3FFFFF80, s25;
	v2 =	vmax.f32 v2, v7;
	v7 =	vor.u32 v43, v51;
	v8 =	vand.u32 $0x7000, v8;
	v10 =	vld.idx.msk [tilespmem:v10+s11+$0x0], $0xffff  }
0x266: {  	[tilespmem:s26+$0x15000] =	vst v6;
	v50 =	vbroadcast v8, $0x0;
	v8 =	vld [tilespmem:$0x1FEA0]  }
0x267: {  	v61 =	vmin.f32 v2, v5;
	v6 =	vor.u32 v44, v51;
	[tilespmem:s26+$0x1A400] =	vst v1;
	v9 =	vld.idx.msk [tilespmem:v9+s11+$0x0], $0xffff  }
0x268: {  	v2 =	vmax.f32 v2, v5;
	v5 =	vor.u32 v45, v51;
	[tilespmem:s26+$0x16C00] =	vst v61;
	v3 =	vld.idx.msk [tilespmem:v3+s11+$0x0], $0xffff  }
0x269: {  	[tilespmem:s26+$0x18800] =	vst v2;
	v2 =	vor.u32 v46, v51;
	v62 =	vor.u32 v11, v50;
	v11 =	vld [tilespmem:$0x1FEC0]  }
0x26a: {  	v1 =	vld.idx.msk [tilespmem:v7+s11+$0x0], $0xffff  }
0x26b: {  	v7 =	vld [tilespmem:$0x1FE90]  }
0x26c: {  	v6 =	vld.idx.msk [tilespmem:v6+s11+$0x0], $0xffff  }
0x26d: {  	v5 =	vld.idx.msk [tilespmem:v5+s11+$0x0], $0xffff;
	v8 =	vor.u32 v8, v50  }
0x26e: {  	v2 =	vld.idx.msk [tilespmem:v2+s11+$0x0], $0xffff;
	v15 =	vmin.f32 v9, v10;
	v16 =	vmin.f32 v3, v4;
	v9 =	vmax.f32 v9, v10  }
0x26f: {  	v47 =	vld [tilespmem:$0x1FD50];
	v3 =	vmax.f32 v3, v4;
	v63 =	vor.u32 v11, v50;
	v4 =	vmin.f32 v15, v16  }
0x270: {  	v48 =	vld [tilespmem:$0x1FD70];
	v10 =	vmax.f32 v9, v3;
	v54 =	vmax.f32 v15, v16;
	v3 =	vmin.f32 v9, v3  }
0x271: {  	v11 =	vld [tilespmem:$0x1FED0];
	v7 =	vor.u32 v7, v50;
	v9 =	vmin.f32 v54, v3;
	[tilespmem:s29+$0x15030] =	vst v4  }
0x272: {  	v3 =	vmax.f32 v54, v3;
	v4 =	vld.idx.msk [tilespmem:v62+s11+$0x0], $0xffff;
	[tilespmem:s29+$0x16C30] =	vst v9  }
0x273: {  	v9 =	vmin.f32 v1, v5;
	[tilespmem:s29+$0x18830] =	vst v3;
	v8 =	vld.idx.msk [tilespmem:v8+s11+$0x0], $0xffff;
	v17 =	vmin.f32 v6, v2  }
0x274: {  	v1 =	vmax.f32 v1, v5;
	v2 =	vmax.f32 v6, v2;
	v3 =	vmin.f32 v9, v17;
	v53 =	vld.idx.msk [tilespmem:v63+s11+$0x0], $0xffff  }
0x275: {  	v5 =	vmax.f32 v9, v17;
	v6 =	vmin.f32 v1, v2;
	[tilespmem:s26+$0x15010] =	vst v3;
	v3 =	vld [tilespmem:$0x1FD60]  }
0x276: {  	v1 =	vmax.f32 v1, v2;
	v2 =	vmax.f32 v5, v6;
	v7 =	vld.idx.msk [tilespmem:v7+s11+$0x0], $0xffff  }
0x277: {  	[tilespmem:s26+$0x18810] =	vst v2;
	v2 =	vld [tilespmem:$0x1FD80]  }
0x278: {  	v9 =	vor.u32 v47, v51;
	_ =	sdelay $0x1  }
0x279: {  	v52 =	vmin.f32 v5, v6  }
0x27a: {  	v5 =	vor.u32 v48, v51;
	[tilespmem:s26+$0x1A410] =	vst v1;
	v19 =	vor.u32 v11, v50;
	v3 =	vor.u32 v3, v51  }
0x27b: {  	v11 =	vld [tilespmem:$0x1FD90];
	[tilespmem:s26+$0x16C10] =	vst v52;
	v18 =	vmin.f32 v8, v53;
	v2 =	vor.u32 v2, v51;
	v6 =	vmin.f32 v7, v4  }
0x27c: {  	v1 =	vmax.f32 v7, v4;
	v4 =	vmax.f32 v8, v53;
	v8 =	vld.idx.msk [tilespmem:v9+s11+$0x0], $0xffff;
	v7 =	vmin.f32 v6, v18  }
0x27d: {  	v6 =	vmax.f32 v6, v18;
	v9 =	vmin.f32 v1, v4;
	v1 =	vmax.f32 v1, v4;
	v4 =	vld [tilespmem:$0x1FF00]  }
0x27e: {  	s24 =	sshll.u32 s31, $0x7;
	v20 =	vmin.f32 v6, v9;
	v6 =	vmax.f32 v6, v9;
	v9 =	vld [tilespmem:$0x1FEF0]  }
0x27f: {  	s25 =	sand.u32 $0x3FFFFF80, s24;
	v5 =	vld.idx.msk [tilespmem:v5+s11+$0x0], $0xffff  }
0x280: {  	[tilespmem:s25+$0x15000] =	vst v7;
	v7 =	vld [tilespmem:$0x1FEE0]  }
0x281: {  	v3 =	vld.idx.msk [tilespmem:v3+s11+$0x0], $0xffff  }
0x282: {  	v2 =	vld.idx.msk [tilespmem:v2+s11+$0x0], $0xffff;
	v4 =	vor.u32 v4, v50  }
0x283: {  	[tilespmem:s25+$0x1A400] =	vst v1;
	v9 =	vor.u32 v9, v50  }
0x284: {  	[tilespmem:s25+$0x16C00] =	vst v20  }
0x285: {  	v26 =	vor.u32 v11, v51;
	v11 =	vld [tilespmem:$0x1FAD0];
	[tilespmem:s25+$0x18800] =	vst v6  }
0x286: {  	v52 =	vld.idx.msk [tilespmem:v19+s11+$0x0], $0xffff  }
0x287: {  	v22 =	vmin.f32 v8, v5;
	v7 =	vor.u32 v7, v50;
	v23 =	vmin.f32 v3, v2;
	v4 =	vld.idx.msk [tilespmem:v4+s11+$0x0], $0xffff  }
0x288: {  	v5 =	vmax.f32 v8, v5;
	v2 =	vmax.f32 v3, v2;
	v3 =	vmin.f32 v22, v23;
	v9 =	vld.idx.msk [tilespmem:v9+s11+$0x0], $0xffff  }
0x289: {  	v8 =	vmax.f32 v22, v23;
	v24 =	vmin.f32 v5, v2;
	[tilespmem:s26+$0x15020] =	vst v3;
	v3 =	vld [tilespmem:$0x1FDA0]  }
0x28a: {  	v2 =	vmax.f32 v5, v2;
	v27 =	vmin.f32 v8, v24;
	v5 =	vmax.f32 v8, v24;
	v8 =	vld [tilespmem:$0x1FDB0]  }
0x28b: {  	[tilespmem:s26+$0x18820] =	vst v5;
	v5 =	vld [tilespmem:$0x1FDC0]  }
0x28c: {  	v7 =	vld.idx.msk [tilespmem:v7+s11+$0x0], $0xffff;
	_ =	sdelay $0x1  }
0x28d: {  	v3 =	vor.u32 v3, v51  }
0x28e: {  	v1 =	vor.u32 v37, v49;
	v37 =	vld [tilespmem:$0x1FAE0];
	[tilespmem:s26+$0x1A420] =	vst v2;
	v8 =	vor.u32 v8, v51  }
0x28f: {  	v32 =	vor.u32 v11, v50;
	v11 =	vld [tilespmem:$0x1FAF0];
	[tilespmem:s26+$0x16C20] =	vst v27;
	v28 =	vmin.f32 v52, v9;
	v5 =	vor.u32 v5, v51  }
0x290: {  	v29 =	vmin.f32 v7, v4;
	v2 =	vmax.f32 v52, v9;
	v4 =	vmax.f32 v7, v4;
	v9 =	vld.idx.msk [tilespmem:v26+s11+$0x0], $0xffff  }
0x291: {  	v31 =	vmin.f32 v2, v4;
	v2 =	vmax.f32 v2, v4;
	v4 =	vld [tilespmem:$0x1FB00]  }
0x292: {  	[tilespmem:s29+$0x1A430] =	vst v10;
	v10 =	vor.u32 v56, v49;
	v3 =	vld.idx.msk [tilespmem:v3+s11+$0x0], $0xffff  }
0x293: {  	v8 =	vld.idx.msk [tilespmem:v8+s11+$0x0], $0xffff  }
0x294: {  	v7 =	vmin.f32 v28, v29;
	v5 =	vld.idx.msk [tilespmem:v5+s11+$0x0], $0xffff  }
0x295: {  	v33 =	vor.u32 v11, v50;
	v30 =	vmax.f32 v28, v29;
	[tilespmem:s25+$0x15010] =	vst v7  }
0x296: {  	v21 =	vor.u32 v39, v49;
	v39 =	vld [tilespmem:$0x1FB20];
	v56 =	vmin.f32 v30, v31;
	[tilespmem:s25+$0x1A410] =	vst v2  }
0x297: {  	v6 =	vld.idx.msk [tilespmem:v10+s11+$0x0], $0xffff;
	v52 =	vmax.f32 v30, v31;
	[tilespmem:s25+$0x16C10] =	vst v56  }
0x298: {  	v11 =	vld [tilespmem:$0x1FDD0];
	v7 =	vor.u32 v37, v50;
	[tilespmem:s25+$0x18810] =	vst v52  }
0x299: {  	v2 =	vld.idx.msk [tilespmem:v32+s11+$0x0], $0xffff;
	v4 =	vor.u32 v4, v50;
	v60 =	vmin.f32 v9, v8;
	v61 =	vmin.f32 v3, v5  }
0x29a: {  	v54 =	vld.idx.msk [tilespmem:v33+s11+$0x0], $0xffff;
	v8 =	vmax.f32 v9, v8;
	v3 =	vmax.f32 v3, v5;
	v5 =	vmin.f32 v60, v61  }
0x29b: {  	v10 =	vor.u32 v57, v49;
	v9 =	vmax.f32 v60, v61;
	v62 =	vmin.f32 v8, v3;
	[tilespmem:s26+$0x15030] =	vst v5;
	v5 =	vld [tilespmem:$0x1FDE0]  }
0x29c: {  	v3 =	vmax.f32 v8, v3;
	v16 =	vmin.f32 v9, v62;
	v8 =	vmax.f32 v9, v62;
	v9 =	vld [tilespmem:$0x1FDF0]  }
0x29d: {  	v7 =	vld.idx.msk [tilespmem:v7+s11+$0x0], $0xffff  }
0x29e: {  	v4 =	vld.idx.msk [tilespmem:v4+s11+$0x0], $0xffff  }
0x29f: {  	v53 =	vld.idx.msk [tilespmem:v21+s11+$0x0], $0xffff;
	v63 =	vor.u32 v11, v51  }
0x2a0: {  	v1 =	vld.idx.msk [tilespmem:v1+s11+$0x0], $0xffff;
	v5 =	vor.u32 v5, v51  }
0x2a1: {  	v10 =	vld.idx.msk [tilespmem:v10+s11+$0x0], $0xffff;
	[tilespmem:s26+$0x1A430] =	vst v3;
	v9 =	vor.u32 v9, v51  }
0x2a2: {  	[tilespmem:s26+$0x18830] =	vst v8;
	v8 =	vld [tilespmem:$0x1FE00]  }
0x2a3: {  	v26 =	vld [tilespmem:$0x1FB10];
	v17 =	vmin.f32 v2, v54;
	[tilespmem:s26+$0x16C30] =	vst v16;
	v18 =	vmin.f32 v7, v4  }
0x2a4: {  	v3 =	vmax.f32 v7, v4;
	v7 =	vld.idx.msk [tilespmem:v63+s11+$0x0], $0xffff;
	v4 =	vmin.f32 v17, v18  }
0x2a5: {  	v34 =	vmin.f32 v6, v1;
	v1 =	vmax.f32 v6, v1;
	[tilespmem:s25+$0x15020] =	vst v4;
	v5 =	vld.idx.msk [tilespmem:v5+s11+$0x0], $0xffff  }
0x2a6: {  	v6 =	vmin.f32 v10, v53;
	v10 =	vmax.f32 v10, v53;
	v2 =	vmax.f32 v2, v54;
	v9 =	vld.idx.msk [tilespmem:v9+s11+$0x0], $0xffff  }
0x2a7: {  	v53 =	vmax.f32 v17, v18;
	v54 =	vmin.f32 v2, v3;
	v8 =	vor.u32 v8, v51;
	v11 =	vld [tilespmem:$0x1FB30]  }
0x2a8: {  	v19 =	vor.u32 v26, v50;
	v2 =	vmax.f32 v2, v3;
	v57 =	vmin.f32 v53, v54;
	v3 =	vld [tilespmem:$0x1FB40]  }
0x2a9: {  	v15 =	vmin.f32 v34, v6;
	v21 =	vmax.f32 v1, v10;
	v1 =	vmin.f32 v1, v10;
	[tilespmem:s25+$0x16C20] =	vst v57;
	v10 =	vld [tilespmem:$0x1FC50]  }
0x2aa: {  	v4 =	vor.u32 v39, v50;
	v53 =	vmax.f32 v53, v54;
	[tilespmem:s29+$0x15040] =	vst v15;
	v15 =	vld [tilespmem:$0x1FC90]  }
0x2ab: {  	[tilespmem:s25+$0x18820] =	vst v53;
	v16 =	vld [tilespmem:$0x1FCA0]  }
0x2ac: {  	v6 =	vmax.f32 v34, v6;
	[tilespmem:s25+$0x1A420] =	vst v2;
	v8 =	vld.idx.msk [tilespmem:v8+s11+$0x0], $0xffff  }
0x2ad: {  	s30 =	sor.u32 $0x3, s23;
	v2 =	vmin.f32 v6, v1;
	v22 =	vld.idx.msk [tilespmem:v19+s11+$0x0], $0xffff  }
0x2ae: {  	s31 =	sshll.u32 s30, $0x1;
	[tilespmem:s29+$0x16C40] =	vst v2;
	v2 =	vld [tilespmem:$0x1FC60]  }
0x2af: {  	v32 =	vmov s31;
	v1 =	vmax.f32 v6, v1;
	v4 =	vld.idx.msk [tilespmem:v4+s11+$0x0], $0xffff  }
0x2b0: {  	v52 =	vshll.u32 v32, $0x8;
	[tilespmem:s29+$0x18840] =	vst v1;
	v1 =	vld [tilespmem:$0x1FC70]  }
0x2b1: {  	v19 =	vld [tilespmem:$0x1FA90];
	v20 =	vor.u32 v11, v50;
	v3 =	vor.u32 v3, v50;
	v10 =	vor.u32 v10, v49  }
0x2b2: {  	v6 =	vmin.f32 v7, v9;
	v7 =	vmax.f32 v7, v9;
	v11 =	vld [tilespmem:$0x1FE10];
	v9 =	vmin.f32 v5, v8  }
0x2b3: {  	v5 =	vmax.f32 v5, v8;
	v8 =	vld [tilespmem:$0x1FC80];
	v23 =	vmax.f32 v6, v9;
	v6 =	vmin.f32 v6, v9  }
0x2b4: {  	v52 =	vand.u32 $0x7000, v52;
	v24 =	vmin.f32 v7, v5;
	[tilespmem:s26+$0x15040] =	vst v6;
	v6 =	vld [tilespmem:$0x1FE30]  }
0x2b5: {  	v5 =	vmax.f32 v7, v5;
	v7 =	vmin.f32 v23, v24;
	v9 =	vmax.f32 v23, v24;
	v23 =	vld [tilespmem:$0x1FA80]  }
0x2b6: {  	v52 =	vbroadcast v52, $0x0;
	v2 =	vor.u32 v2, v49;
	v54 =	vld.idx.msk [tilespmem:v20+s11+$0x0], $0xffff  }
0x2b7: {  	[tilespmem:s29+$0x1A440] =	vst v21;
	v1 =	vor.u32 v1, v49;
	v3 =	vld.idx.msk [tilespmem:v3+s11+$0x0], $0xffff  }
0x2b8: {  	v58 =	vor.u32 v19, v52;
	v10 =	vld.idx.msk [tilespmem:v10+s11+$0x0], $0xffff  }
0x2b9: {  	v27 =	vor.u32 v11, v51;
	v11 =	vld [tilespmem:$0x1FE20]  }
0x2ba: {  	v20 =	vld [tilespmem:$0x1FAA0]  }
0x2bb: {  	v2 =	vld.idx.msk [tilespmem:v2+s11+$0x0], $0xffff  }
0x2bc: {  	[tilespmem:s26+$0x1A440] =	vst v5;
	v8 =	vor.u32 v8, v49;
	v1 =	vld.idx.msk [tilespmem:v1+s11+$0x0], $0xffff  }
0x2bd: {  	[tilespmem:s26+$0x16C40] =	vst v7;
	v18 =	vld.idx.msk [tilespmem:v58+s11+$0x0], $0xffff  }
0x2be: {  	[tilespmem:s26+$0x18840] =	vst v9;
	v28 =	vor.u32 v11, v51;
	v11 =	vld [tilespmem:$0x1FE40];
	v30 =	vmin.f32 v22, v54  }
0x2bf: {  	v7 =	vmax.f32 v22, v54;
	v31 =	vmin.f32 v4, v3;
	v3 =	vmax.f32 v4, v3;
	v53 =	vld.idx.msk [tilespmem:v27+s11+$0x0], $0xffff  }
0x2c0: {  	v6 =	vor.u32 v6, v51;
	v22 =	vld [tilespmem:$0x1FA70];
	v9 =	vmax.f32 v30, v31;
	v5 =	vmin.f32 v7, v3  }
0x2c1: {  	v8 =	vld.idx.msk [tilespmem:v8+s11+$0x0], $0xffff;
	v57 =	vmin.f32 v9, v5;
	v5 =	vmax.f32 v9, v5  }
0x2c2: {  	v4 =	vmin.f32 v30, v31;
	[tilespmem:s25+$0x18830] =	vst v5;
	v5 =	vld [tilespmem:$0x1FB80]  }
0x2c3: {  	v59 =	vor.u32 v20, v52;
	[tilespmem:s25+$0x15030] =	vst v4;
	v4 =	vld [tilespmem:$0x1FB60]  }
0x2c4: {  	v3 =	vmax.f32 v7, v3;
	v9 =	vld [tilespmem:$0x1FB70];
	v29 =	vor.u32 v11, v51  }
0x2c5: {  	[tilespmem:s25+$0x1A430] =	vst v3;
	v6 =	vld.idx.msk [tilespmem:v6+s11+$0x0], $0xffff;
	v3 =	vor.u32 v22, v52  }
0x2c6: {  	v11 =	vld [tilespmem:$0x1FB50]  }
0x2c7: {  	v55 =	vld.idx.msk [tilespmem:v28+s11+$0x0], $0xffff;
	v5 =	vor.u32 v5, v50  }
0x2c8: {  	v36 =	vor.u32 v23, v52;
	v24 =	vld.idx.msk [tilespmem:v59+s11+$0x0], $0xffff  }
0x2c9: {  	v34 =	vmin.f32 v10, v1;
	v4 =	vor.u32 v4, v50;
	v7 =	vld.idx.msk [tilespmem:v29+s11+$0x0], $0xffff  }
0x2ca: {  	v1 =	vmax.f32 v10, v1;
	v10 =	vmin.f32 v2, v8;
	v2 =	vmax.f32 v2, v8;
	v3 =	vld.idx.msk [tilespmem:v3+s11+$0x0], $0xffff  }
0x2cb: {  	[tilespmem:s25+$0x16C30] =	vst v57;
	v9 =	vor.u32 v9, v50;
	v8 =	vmin.f32 v34, v10;
	v33 =	vor.u32 v11, v50;
	v11 =	vld [tilespmem:$0x1FCC0]  }
0x2cc: {  	v60 =	vmax.f32 v1, v2;
	v10 =	vmax.f32 v34, v10;
	v1 =	vmin.f32 v1, v2;
	v2 =	vld.idx.msk [tilespmem:v5+s11+$0x0], $0xffff  }
0x2cd: {  	v5 =	vmin.f32 v10, v1;
	v1 =	vmax.f32 v10, v1;
	v10 =	vld.idx.msk [tilespmem:v36+s11+$0x0], $0xffff  }
0x2ce: {  	[tilespmem:s29+$0x15050] =	vst v8;
	v4 =	vld.idx.msk [tilespmem:v4+s11+$0x0], $0xffff  }
0x2cf: {  	v8 =	vor.u32 v15, v49;
	v17 =	vmin.f32 v53, v6;
	[tilespmem:s29+$0x18850] =	vst v1;
	v1 =	vld [tilespmem:$0x1FCB0]  }
0x2d0: {  	v6 =	vmax.f32 v53, v6;
	v9 =	vld.idx.msk [tilespmem:v9+s11+$0x0], $0xffff;
	v21 =	vmin.f32 v55, v7;
	v7 =	vmax.f32 v55, v7  }
0x2d1: {  	v54 =	vld.idx.msk [tilespmem:v33+s11+$0x0], $0xffff;
	v27 =	vmax.f32 v17, v21;
	v28 =	vmin.f32 v6, v7;
	v6 =	vmax.f32 v6, v7  }
0x2d2: {  	[tilespmem:s29+$0x16C50] =	vst v5;
	v7 =	vmin.f32 v27, v28;
	v33 =	vmin.f32 v10, v24;
	v10 =	vmax.f32 v10, v24;
	v24 =	vld [tilespmem:$0x1FAB0]  }
0x2d3: {  	v5 =	vor.u32 v16, v49;
	[tilespmem:s26+$0x16C50] =	vst v7;
	v7 =	vmin.f32 v3, v18;
	v3 =	vmax.f32 v3, v18;
	v18 =	vld [tilespmem:$0x1F910]  }
0x2d4: {  	[tilespmem:s29+$0x1A450] =	vst v60;
	v53 =	vmin.f32 v17, v21;
	v1 =	vor.u32 v1, v49;
	v49 =	vor.u32 v11, v49;
	v11 =	vld [tilespmem:$0x1FE50]  }
0x2d5: {  	v8 =	vld.idx.msk [tilespmem:v8+s11+$0x0], $0xffff;
	[tilespmem:s26+$0x15050] =	vst v53  }
0x2d6: {  	s30 =	sshll.u32 s30, $0x7;
	v17 =	vld [tilespmem:$0x1F920];
	v29 =	vmax.f32 v27, v28;
	[tilespmem:s26+$0x1A450] =	vst v6;
	v34 =	vmin.f32 v7, v33;
	v6 =	vmax.f32 v7, v33  }
0x2d7: {  	s28 =	sand.u32 $0x3FFFFF80, s30;
	s31 =	sor.u32 $0x4, s23;
	v21 =	vld [tilespmem:$0x1FAC0];
	[tilespmem:s26+$0x18850] =	vst v29;
	v7 =	vmin.f32 v3, v10;
	v3 =	vmax.f32 v3, v10;
	v36 =	vor.u32 v24, v52  }
0x2d8: {  	s30 =	sshll.u32 s31, $0x1;
	v53 =	vmin.f32 v6, v7;
	[tilespmem:s28+$0x15000] =	vst v34;
	v6 =	vmax.f32 v6, v7;
	v7 =	vor.u32 v18, v52  }
0x2d9: {  	v28 =	vmov s30;
	v32 =	vmin.f32 v4, v2;
	[tilespmem:s28+$0x1A400] =	vst v3;
	v30 =	vor.u32 v11, v51;
	v1 =	vld.idx.msk [tilespmem:v1+s11+$0x0], $0xffff  }
0x2da: {  	v2 =	vmax.f32 v4, v2;
	v29 =	vshll.u32 v28, $0x8;
	v31 =	vmin.f32 v54, v9;
	[tilespmem:s28+$0x16C00] =	vst v53;
	v11 =	vld [tilespmem:$0x1FB90]  }
0x2db: {  	v4 =	vmin.f32 v31, v32;
	[tilespmem:s28+$0x18800] =	vst v6;
	v6 =	vor.u32 v17, v52;
	v60 =	vld.idx.msk [tilespmem:v49+s11+$0x0], $0xffff;
	v49 =	vbroadcast v29, $0x0  }
0x2dc: {  	v27 =	vor.u32 v21, v52;
	[tilespmem:s25+$0x15040] =	vst v4;
	v4 =	vld.idx.msk [tilespmem:v36+s11+$0x0], $0xffff  }
0x2dd: {  	v10 =	vmax.f32 v31, v32;
	v32 =	vor.u32 v0, v49;
	v7 =	vld.idx.msk [tilespmem:v7+s11+$0x0], $0xffff  }
0x2de: {  	v9 =	vmax.f32 v54, v9;
	v33 =	vor.u32 v12, v49;
	v53 =	vld.idx.msk [tilespmem:v30+s11+$0x0], $0xffff  }
0x2df: {  	v30 =	vmin.f32 v9, v2;
	v31 =	vor.u32 v11, v50;
	v2 =	vmax.f32 v9, v2;
	v11 =	vld [tilespmem:$0x1FBA0]  }
0x2e0: {  	v3 =	vmin.f32 v10, v30;
	[tilespmem:s25+$0x1A440] =	vst v2;
	v2 =	vld.idx.msk [tilespmem:v6+s11+$0x0], $0xffff  }
0x2e1: {  	[tilespmem:s25+$0x16C40] =	vst v3;
	v3 =	vld.idx.msk [tilespmem:v27+s11+$0x0], $0xffff  }
0x2e2: {  	v9 =	vor.u32 v13, v49;
	v12 =	vld.idx.msk [tilespmem:v32+s11+$0x0], $0xffff  }
0x2e3: {  	v10 =	vmax.f32 v10, v30;
	v54 =	vld.idx.msk [tilespmem:v33+s11+$0x0], $0xffff  }
0x2e4: {  	v6 =	vor.u32 v25, v49;
	[tilespmem:s25+$0x18840] =	vst v10;
	v32 =	vld [tilespmem:$0x1F940]  }
0x2e5: {  	v10 =	vld.idx.msk [tilespmem:v31+s11+$0x0], $0xffff  }
0x2e6: {  	v34 =	vor.u32 v11, v50;
	v11 =	vld [tilespmem:$0x1FBB0]  }
0x2e7: {  	v61 =	vmin.f32 v8, v1;
	v56 =	vmax.f32 v8, v1;
	v1 =	vld.idx.msk [tilespmem:v9+s11+$0x0], $0xffff  }
0x2e8: {  	v31 =	vld [tilespmem:$0x1F930]  }
0x2e9: {  	v9 =	vmin.f32 v4, v7;
	v6 =	vld.idx.msk [tilespmem:v6+s11+$0x0], $0xffff  }
0x2ea: {  	v5 =	vld.idx.msk [tilespmem:v5+s11+$0x0], $0xffff;
	v4 =	vmax.f32 v4, v7;
	v62 =	vmin.f32 v3, v2;
	v2 =	vmax.f32 v3, v2  }
0x2eb: {  	v33 =	vld [tilespmem:$0x1FA60];
	v3 =	vmin.f32 v9, v62;
	v9 =	vmax.f32 v9, v62;
	v25 =	vmin.f32 v4, v2  }
0x2ec: {  	v8 =	vld [tilespmem:$0x1FE60];
	v2 =	vmax.f32 v4, v2;
	v63 =	vmin.f32 v9, v25;
	[tilespmem:s28+$0x15010] =	vst v3;
	v3 =	vor.u32 v32, v52  }
0x2ed: {  	v4 =	vmax.f32 v9, v25;
	[tilespmem:s28+$0x1A410] =	vst v2;
	v36 =	vor.u32 v11, v50;
	v55 =	vld.idx.msk [tilespmem:v34+s11+$0x0], $0xffff  }
0x2ee: {  	s24 =	sshll.u32 s31, $0x7;
	v11 =	vld [tilespmem:$0x1FBC0];
	v27 =	vor.u32 v31, v52;
	[tilespmem:s28+$0x16C10] =	vst v63;
	v28 =	vmin.f32 v12, v1;
	v29 =	vmin.f32 v54, v6  }
0x2ef: {  	s24 =	sand.u32 $0x3FFFFF80, s24;
	v34 =	vld [tilespmem:$0x1F950];
	[tilespmem:s28+$0x18810] =	vst v4;
	v2 =	vmax.f32 v54, v6;
	v6 =	vmin.f32 v28, v29  }
0x2f0: {  	v4 =	vor.u32 v33, v52;
	[tilespmem:s24+$0x15000] =	vst v6;
	v6 =	vld [tilespmem:$0x1FF20]  }
0x2f1: {  	v8 =	vor.u32 v8, v51;
	v3 =	vld.idx.msk [tilespmem:v3+s11+$0x0], $0xffff  }
0x2f2: {  	v7 =	vld.idx.msk [tilespmem:v36+s11+$0x0], $0xffff  }
0x2f3: {  	v1 =	vmax.f32 v12, v1;
	v13 =	vor.u32 v11, v50;
	v58 =	vld.idx.msk [tilespmem:v27+s11+$0x0], $0xffff  }
0x2f4: {  	v30 =	vmax.f32 v28, v29;
	v9 =	vor.u32 v34, v52;
	v36 =	vmin.f32 v1, v2;
	v11 =	vld [tilespmem:$0x1FF10]  }
0x2f5: {  	v4 =	vld.idx.msk [tilespmem:v4+s11+$0x0], $0xffff;
	v54 =	vmax.f32 v30, v36  }
0x2f6: {  	[tilespmem:s24+$0x18800] =	vst v54;
	v54 =	vld.idx.msk [tilespmem:v8+s11+$0x0], $0xffff  }
0x2f7: {  	v1 =	vmax.f32 v1, v2;
	v2 =	vor.u32 v14, v49;
	v8 =	vld [tilespmem:$0x1FE70]  }
0x2f8: {  	v6 =	vor.u32 v6, v49;
	v59 =	vld.idx.msk [tilespmem:v13+s11+$0x0], $0xffff  }
0x2f9: {  	v12 =	vor.u32 v11, v49;
	v9 =	vld.idx.msk [tilespmem:v9+s11+$0x0], $0xffff  }
0x2fa: {  	v63 =	vmin.f32 v30, v36;
	[tilespmem:s24+$0x1A400] =	vst v1;
	v13 =	vor.u32 v35, v49;
	v11 =	vld [tilespmem:$0x1FE80]  }
0x2fb: {  	v25 =	vmin.f32 v5, v60;
	v14 =	vld [tilespmem:$0x1FA50];
	[tilespmem:s24+$0x16C00] =	vst v63  }
0x2fc: {  	v60 =	vmax.f32 v5, v60;
	v5 =	vmax.f32 v61, v25;
	v1 =	vmin.f32 v61, v25;
	v2 =	vld.idx.msk [tilespmem:v2+s11+$0x0], $0xffff  }
0x2fd: {  	v27 =	vmin.f32 v10, v7;
	v7 =	vmax.f32 v10, v7;
	v35 =	vmin.f32 v3, v4;
	v6 =	vld.idx.msk [tilespmem:v6+s11+$0x0], $0xffff  }
0x2fe: {  	v3 =	vmax.f32 v3, v4;
	v8 =	vor.u32 v8, v51;
	v61 =	vld.idx.msk [tilespmem:v12+s11+$0x0], $0xffff;
	v28 =	vmin.f32 v55, v59  }
0x2ff: {  	v51 =	vor.u32 v11, v51;
	v57 =	vld.idx.msk [tilespmem:v13+s11+$0x0], $0xffff;
	v30 =	vmin.f32 v58, v9;
	v29 =	vmin.f32 v27, v28  }
0x300: {  	v25 =	vld [tilespmem:$0x1FA40];
	v9 =	vmax.f32 v58, v9;
	v13 =	vor.u32 v14, v52;
	v4 =	vmin.f32 v30, v35;
	[tilespmem:s25+$0x15050] =	vst v29  }
0x301: {  	v62 =	vld [tilespmem:$0x1FF30];
	v36 =	vmax.f32 v30, v35;
	v58 =	vmin.f32 v9, v3;
	v3 =	vmax.f32 v9, v3;
	[tilespmem:s28+$0x15020] =	vst v4  }
0x302: {  	v10 =	vmax.f32 v55, v59;
	v59 =	vmax.f32 v27, v28;
	v27 =	vld [tilespmem:$0x1FF60];
	v11 =	vmin.f32 v36, v58;
	[tilespmem:s28+$0x1A420] =	vst v3  }
0x303: {  	v9 =	vmax.f32 v36, v58;
	v36 =	vld [tilespmem:$0x1FA30];
	[tilespmem:s28+$0x16C20] =	vst v11  }
0x304: {  	v29 =	vld [tilespmem:$0x1FA20];
	[tilespmem:s28+$0x18820] =	vst v9  }
0x305: {  	v4 =	vor.u32 v25, v52;
	v28 =	vmin.f32 v61, v57;
	v3 =	vmax.f32 v61, v57;
	v57 =	vld.idx.msk [tilespmem:v13+s11+$0x0], $0xffff  }
0x306: {  	v30 =	vmin.f32 v6, v2;
	v2 =	vmax.f32 v6, v2;
	v61 =	vor.u32 v62, v49;
	v58 =	vld.idx.msk [tilespmem:v51+s11+$0x0], $0xffff  }
0x307: {  	v6 =	vmin.f32 v28, v30;
	v35 =	vmin.f32 v3, v2;
	v2 =	vmax.f32 v3, v2;
	v3 =	vld [tilespmem:$0x1FF50]  }
0x308: {  	v55 =	vmax.f32 v28, v30;
	v62 =	vor.u32 v27, v49;
	v30 =	vld [tilespmem:$0x1FBD0];
	[tilespmem:s24+$0x15010] =	vst v6  }
0x309: {  	v27 =	vld [tilespmem:$0x1FBE0];
	v13 =	vmin.f32 v55, v35;
	[tilespmem:s24+$0x1A410] =	vst v2  }
0x30a: {  	v11 =	vor.u32 v36, v52;
	v4 =	vld.idx.msk [tilespmem:v4+s11+$0x0], $0xffff;
	v55 =	vmax.f32 v55, v35;
	[tilespmem:s24+$0x16C10] =	vst v13  }
0x30b: {  	v9 =	vor.u32 v29, v52;
	v6 =	vld [tilespmem:$0x1FF40];
	[tilespmem:s24+$0x18810] =	vst v55  }
0x30c: {  	v63 =	vmin.f32 v7, v10;
	v61 =	vld.idx.msk [tilespmem:v61+s11+$0x0], $0xffff;
	v3 =	vor.u32 v3, v49  }
0x30d: {  	v7 =	vmax.f32 v7, v10;
	v28 =	vmin.f32 v59, v63;
	v35 =	vor.u32 v30, v50;
	v10 =	vld.idx.msk [tilespmem:v62+s11+$0x0], $0xffff  }
0x30e: {  	[tilespmem:s25+$0x16C50] =	vst v28;
	v28 =	vor.u32 v27, v50;
	v27 =	vld [tilespmem:$0x1FA10]  }
0x30f: {  	v11 =	vld.idx.msk [tilespmem:v11+s11+$0x0], $0xffff  }
0x310: {  	[tilespmem:s25+$0x1A450] =	vst v7;
	v2 =	vmax.f32 v59, v63;
	v6 =	vor.u32 v6, v49;
	v9 =	vld.idx.msk [tilespmem:v9+s11+$0x0], $0xffff  }
0x311: {  	[tilespmem:s25+$0x18850] =	vst v2;
	v3 =	vld.idx.msk [tilespmem:v3+s11+$0x0], $0xffff  }
0x312: {  	v51 =	vld.idx.msk [tilespmem:v35+s11+$0x0], $0xffff  }
0x313: {  	v55 =	vld.idx.msk [tilespmem:v28+s11+$0x0], $0xffff  }
0x314: {  	v28 =	vld [tilespmem:$0x1FA00]  }
0x315: {  	v2 =	vld.idx.msk [tilespmem:v6+s11+$0x0], $0xffff;
	v7 =	vmin.f32 v57, v11  }
0x316: {  	v6 =	vld [tilespmem:$0x1FBF0];
	v11 =	vmax.f32 v57, v11;
	v30 =	vmin.f32 v4, v9;
	v4 =	vmax.f32 v4, v9  }
0x317: {  	v9 =	vld [tilespmem:$0x1FC00];
	v35 =	vmin.f32 v7, v30;
	v62 =	vmax.f32 v11, v4  }
0x318: {  	[tilespmem:s29+$0x15060] =	vst v1;
	v7 =	vmax.f32 v7, v30;
	v4 =	vmin.f32 v11, v4;
	v11 =	vor.u32 v27, v52;
	v30 =	vld [tilespmem:$0x1F9F0]  }
0x319: {  	[tilespmem:s28+$0x15030] =	vst v35  }
0x31a: {  	v8 =	vld.idx.msk [tilespmem:v8+s11+$0x0], $0xffff;
	v57 =	vmin.f32 v7, v4;
	[tilespmem:s28+$0x1A430] =	vst v62  }
0x31b: {  	v12 =	vmin.f32 v61, v10;
	v4 =	vmax.f32 v7, v4;
	v35 =	vld [tilespmem:$0x1F9E0];
	[tilespmem:s28+$0x16C30] =	vst v57;
	v6 =	vor.u32 v6, v50  }
0x31c: {  	v62 =	vld [tilespmem:$0x1FF70];
	[tilespmem:s28+$0x18830] =	vst v4;
	v4 =	vmax.f32 v61, v10;
	v7 =	vor.u32 v28, v52;
	v9 =	vor.u32 v9, v50  }
0x31d: {  	v10 =	vmin.f32 v2, v3;
	v2 =	vmax.f32 v2, v3;
	v50 =	vor.u32 v30, v52;
	v1 =	vld.idx.msk [tilespmem:v11+s11+$0x0], $0xffff  }
0x31e: {  	s30 =	sor.u32 $0x5, s23;
	v3 =	vmin.f32 v12, v10;
	v11 =	vmin.f32 v4, v2;
	v2 =	vmax.f32 v4, v2;
	v4 =	vld [tilespmem:$0x1FFA0]  }
0x31f: {  	s31 =	sshll.u32 s30, $0x1;
	[tilespmem:s24+$0x15020] =	vst v3;
	v3 =	vld [tilespmem:$0x1FF80]  }
0x320: {  	v59 =	vor.u32 v35, v52;
	v57 =	vld.idx.msk [tilespmem:v6+s11+$0x0], $0xffff;
	v6 =	vmax.f32 v12, v10;
	v10 =	vmov s31  }
0x321: {  	v63 =	vmin.f32 v56, v60;
	v7 =	vld.idx.msk [tilespmem:v7+s11+$0x0], $0xffff;
	v10 =	vshll.u32 v10, $0x8  }
0x322: {  	v12 =	vor.u32 v62, v49;
	v13 =	vmin.f32 v6, v11;
	v62 =	vld.idx.msk [tilespmem:v50+s11+$0x0], $0xffff;
	v10 =	vand.u32 $0x7800, v10  }
0x323: {  	[tilespmem:s24+$0x1A420] =	vst v2;
	v6 =	vmax.f32 v6, v11;
	v11 =	vld [tilespmem:$0x1FF90];
	v4 =	vor.u32 v4, v49;
	v50 =	vbroadcast v10, $0x0  }
0x324: {  	v3 =	vor.u32 v3, v49;
	[tilespmem:s24+$0x18820] =	vst v6;
	v6 =	vmin.f32 v5, v63;
	v5 =	vmax.f32 v5, v63;
	v63 =	vld [tilespmem:$0x1F9D0]  }
0x325: {  	[tilespmem:s24+$0x16C20] =	vst v13;
	v10 =	vld.idx.msk [tilespmem:v59+s11+$0x0], $0xffff;
	v2 =	vor.u32 v38, v50  }
0x326: {  	v59 =	vld.idx.msk [tilespmem:v9+s11+$0x0], $0xffff;
	[tilespmem:s29+$0x16C60] =	vst v6;
	v9 =	vor.u32 v40, v50  }
0x327: {  	[tilespmem:s29+$0x18860] =	vst v5;
	v6 =	vld.idx.msk [tilespmem:v12+s11+$0x0], $0xffff;
	v5 =	vor.u32 v41, v50  }
0x328: {  	v38 =	vmax.f32 v56, v60;
	v56 =	vor.u32 v42, v50;
	v4 =	vld.idx.msk [tilespmem:v4+s11+$0x0], $0xffff  }
0x329: {  	v11 =	vor.u32 v11, v49;
	v3 =	vld.idx.msk [tilespmem:v3+s11+$0x0], $0xffff  }
0x32a: {  	v2 =	vld.idx.msk [tilespmem:v2+s11+$0x0], $0xffff  }
0x32b: {  	v12 =	vmin.f32 v53, v8;
	v9 =	vld.idx.msk [tilespmem:v9+s11+$0x0], $0xffff  }
0x32c: {  	v8 =	vmax.f32 v53, v8;
	v40 =	vmin.f32 v1, v62;
	v41 =	vmin.f32 v7, v10;
	v5 =	vld.idx.msk [tilespmem:v5+s11+$0x0], $0xffff  }
0x32d: {  	v7 =	vmax.f32 v7, v10;
	v10 =	vmin.f32 v40, v41;
	v53 =	vmax.f32 v40, v41;
	v40 =	vld.idx.msk [tilespmem:v56+s11+$0x0], $0xffff  }
0x32e: {  	v11 =	vld.idx.msk [tilespmem:v11+s11+$0x0], $0xffff  }
0x32f: {  	[tilespmem:s29+$0x1A460] =	vst v38;
	v1 =	vmax.f32 v1, v62  }
0x330: {  	v42 =	vmin.f32 v1, v7;
	v1 =	vmax.f32 v1, v7;
	[tilespmem:s28+$0x15040] =	vst v10  }
0x331: {  	v38 =	vor.u32 v63, v52;
	v7 =	vmin.f32 v53, v42;
	v10 =	vmax.f32 v53, v42;
	[tilespmem:s28+$0x1A440] =	vst v1  }
0x332: {  	s30 =	sshll.u32 s30, $0x7;
	[tilespmem:s28+$0x18840] =	vst v10;
	v10 =	vmin.f32 v3, v4;
	v41 =	vmin.f32 v2, v5;
	v42 =	vmin.f32 v9, v40  }
0x333: {  	s29 =	sand.u32 $0x3FFFFF80, s30;
	[tilespmem:s28+$0x16C40] =	vst v7;
	v2 =	vmax.f32 v2, v5;
	v7 =	vmin.f32 v6, v11;
	v5 =	vmin.f32 v41, v42  }
0x334: {  	v3 =	vmax.f32 v3, v4;
	v6 =	vmax.f32 v6, v11;
	v11 =	vld [tilespmem:$0x1FFB0];
	v1 =	vmin.f32 v7, v10;
	[tilespmem:s29+$0x15000] =	vst v5  }
0x335: {  	v4 =	vmax.f32 v7, v10;
	v7 =	vmin.f32 v6, v3;
	v3 =	vmax.f32 v6, v3;
	[tilespmem:s24+$0x15030] =	vst v1  }
0x336: {  	v10 =	vld.idx.msk [tilespmem:v38+s11+$0x0], $0xffff;
	v6 =	vmin.f32 v4, v7;
	v4 =	vmax.f32 v4, v7;
	[tilespmem:s24+$0x1A430] =	vst v3  }
0x337: {  	v63 =	vor.u32 v43, v50;
	v5 =	vor.u32 v44, v50;
	v1 =	vld [tilespmem:$0x1FFC0];
	[tilespmem:s24+$0x18830] =	vst v4;
	v4 =	vmax.f32 v9, v40  }
0x338: {  	v7 =	vld [tilespmem:$0x1FFD0];
	v3 =	vmax.f32 v41, v42;
	[tilespmem:s24+$0x16C30] =	vst v6;
	v9 =	vmin.f32 v2, v4;
	v2 =	vmax.f32 v2, v4  }
0x339: {  	v6 =	vld [tilespmem:$0x1FFE0];
	v11 =	vor.u32 v11, v49;
	v56 =	vmin.f32 v3, v9;
	[tilespmem:s29+$0x1A400] =	vst v2  }
0x33a: {  	v38 =	vld [tilespmem:$0x1F9C0];
	v3 =	vmax.f32 v3, v9;
	v9 =	vor.u32 v45, v50;
	[tilespmem:s29+$0x16C00] =	vst v56  }
0x33b: {  	v45 =	vld [tilespmem:$0x1F9A0];
	[tilespmem:s29+$0x18800] =	vst v3;
	v3 =	vor.u32 v46, v50  }
0x33c: {  	v1 =	vor.u32 v1, v49;
	v53 =	vld.idx.msk [tilespmem:v63+s11+$0x0], $0xffff  }
0x33d: {  	v7 =	vor.u32 v7, v49;
	v5 =	vld.idx.msk [tilespmem:v5+s11+$0x0], $0xffff  }
0x33e: {  	v6 =	vor.u32 v6, v49;
	v11 =	vld.idx.msk [tilespmem:v11+s11+$0x0], $0xffff  }
0x33f: {  	v9 =	vld.idx.msk [tilespmem:v9+s11+$0x0], $0xffff  }
0x340: {  	v40 =	vor.u32 v38, v52;
	v3 =	vld.idx.msk [tilespmem:v3+s11+$0x0], $0xffff  }
0x341: {  	v46 =	vor.u32 v45, v52;
	v1 =	vld.idx.msk [tilespmem:v1+s11+$0x0], $0xffff  }
0x342: {  	v7 =	vld.idx.msk [tilespmem:v7+s11+$0x0], $0xffff  }
0x343: {  	v4 =	vmin.f32 v54, v58;
	v6 =	vld.idx.msk [tilespmem:v6+s11+$0x0], $0xffff  }
0x344: {  	v42 =	vld [tilespmem:$0x1F9B0];
	v2 =	vmax.f32 v54, v58;
	v41 =	vmin.f32 v12, v4  }
0x345: {  	v4 =	vmax.f32 v12, v4;
	v44 =	vmin.f32 v8, v2;
	v2 =	vmax.f32 v8, v2;
	v12 =	vld.idx.msk [tilespmem:v40+s11+$0x0], $0xffff  }
0x346: {  	v8 =	vmin.f32 v4, v44;
	v40 =	vld.idx.msk [tilespmem:v46+s11+$0x0], $0xffff;
	v45 =	vmin.f32 v53, v9;
	v46 =	vmin.f32 v5, v3  }
0x347: {  	[tilespmem:s26+$0x16C60] =	vst v8;
	v3 =	vmax.f32 v5, v3;
	v8 =	vmin.f32 v11, v7;
	v7 =	vmax.f32 v11, v7  }
0x348: {  	v5 =	vmin.f32 v45, v46;
	v11 =	vmin.f32 v1, v6;
	v1 =	vmax.f32 v1, v6  }
0x349: {  	v38 =	vmin.f32 v8, v11;
	v8 =	vmax.f32 v8, v11;
	v11 =	vmin.f32 v7, v1  }
0x34a: {  	[tilespmem:s29+$0x15010] =	vst v5;
	v1 =	vmax.f32 v7, v1;
	v7 =	vmin.f32 v8, v11;
	v8 =	vmax.f32 v8, v11  }
0x34b: {  	v43 =	vor.u32 v42, v52;
	[tilespmem:s24+$0x18840] =	vst v8;
	v8 =	vmax.f32 v53, v9  }
0x34c: {  	v5 =	vld [tilespmem:$0x1FD60];
	[tilespmem:s24+$0x1A440] =	vst v1;
	v1 =	vmax.f32 v45, v46;
	v9 =	vmin.f32 v8, v3  }
0x34d: {  	[tilespmem:s26+$0x15060] =	vst v41;
	v41 =	vld [tilespmem:$0x1FC50];
	v60 =	vmin.f32 v1, v9;
	v1 =	vmax.f32 v1, v9  }
0x34e: {  	[tilespmem:s29+$0x18810] =	vst v1;
	v1 =	vld [tilespmem:$0x1FD80]  }
0x34f: {  	[tilespmem:s26+$0x1A460] =	vst v2;
	v2 =	vld [tilespmem:$0x1F990]  }
0x350: {  	v47 =	vor.u32 v47, v50;
	v6 =	vld.idx.msk [tilespmem:v43+s11+$0x0], $0xffff  }
0x351: {  	v43 =	vld [tilespmem:$0x1FC70];
	v5 =	vor.u32 v5, v50  }
0x352: {  	v11 =	vld [tilespmem:$0x1FC60];
	[tilespmem:s24+$0x16C40] =	vst v7;
	v3 =	vmax.f32 v8, v3;
	v9 =	vor.u32 v48, v50  }
0x353: {  	v45 =	vld [tilespmem:$0x1F960];
	[tilespmem:s29+$0x1A410] =	vst v3;
	v1 =	vor.u32 v1, v50  }
0x354: {  	v42 =	vor.u32 v41, v49;
	v7 =	vld [tilespmem:$0x1FC80];
	[tilespmem:s29+$0x16C10] =	vst v60  }
0x355: {  	v13 =	vmin.f32 v55, v59;
	v53 =	vld.idx.msk [tilespmem:v47+s11+$0x0], $0xffff  }
0x356: {  	v4 =	vmax.f32 v4, v44;
	v2 =	vor.u32 v2, v52;
	[tilespmem:s24+$0x15040] =	vst v38;
	v5 =	vld.idx.msk [tilespmem:v5+s11+$0x0], $0xffff  }
0x357: {  	v8 =	vmin.f32 v51, v57;
	v44 =	vor.u32 v43, v49;
	v38 =	vmin.f32 v10, v6;
	v9 =	vld.idx.msk [tilespmem:v9+s11+$0x0], $0xffff  }
0x358: {  	v6 =	vmax.f32 v10, v6;
	v10 =	vmin.f32 v12, v40;
	v11 =	vor.u32 v11, v49;
	v1 =	vld.idx.msk [tilespmem:v1+s11+$0x0], $0xffff  }
0x359: {  	v58 =	vld.idx.msk [tilespmem:v42+s11+$0x0], $0xffff;
	v12 =	vmax.f32 v12, v40;
	v40 =	vmin.f32 v38, v10;
	v7 =	vor.u32 v7, v49  }
0x35a: {  	[tilespmem:s26+$0x18860] =	vst v4;
	v43 =	vld [tilespmem:$0x1F980];
	v10 =	vmax.f32 v38, v10;
	v41 =	vmin.f32 v6, v12;
	v4 =	vmax.f32 v6, v12  }
0x35b: {  	v42 =	vld [tilespmem:$0x1F970];
	v3 =	vmax.f32 v51, v57;
	v6 =	vmin.f32 v10, v41;
	v10 =	vmax.f32 v10, v41;
	[tilespmem:s28+$0x1A450] =	vst v4  }
0x35c: {  	v51 =	vmin.f32 v8, v13;
	[tilespmem:s28+$0x18850] =	vst v10;
	v54 =	vld.idx.msk [tilespmem:v44+s11+$0x0], $0xffff;
	v10 =	vmin.f32 v53, v9  }
0x35d: {  	v11 =	vld.idx.msk [tilespmem:v11+s11+$0x0], $0xffff;
	v9 =	vmax.f32 v53, v9;
	v38 =	vmin.f32 v5, v1;
	v1 =	vmax.f32 v5, v1  }
0x35e: {  	v7 =	vld.idx.msk [tilespmem:v7+s11+$0x0], $0xffff;
	v4 =	vmin.f32 v10, v38;
	v5 =	vmax.f32 v10, v38;
	v10 =	vmin.f32 v9, v1  }
0x35f: {  	s26 =	sor.u32 $0x6, s23;
	v44 =	vor.u32 v43, v52;
	v43 =	vmin.f32 v5, v10;
	v5 =	vmax.f32 v5, v10;
	v10 =	vld [tilespmem:$0x1FDB0]  }
0x360: {  	s31 =	sshll.u32 s26, $0x1;
	[tilespmem:s25+$0x15060] =	vst v51  }
0x361: {  	v63 =	vld [tilespmem:$0x1FEA0];
	[tilespmem:s28+$0x15050] =	vst v40;
	v12 =	vor.u32 v42, v52;
	v42 =	vmov s31  }
0x362: {  	v40 =	vld [tilespmem:$0x1FD90];
	[tilespmem:s28+$0x16C50] =	vst v6;
	v51 =	vshll.u32 v42, $0x8  }
0x363: {  	v2 =	vld.idx.msk [tilespmem:v2+s11+$0x0], $0xffff;
	v52 =	vor.u32 v45, v52;
	v51 =	vbroadcast v51, $0x0;
	v6 =	vmax.f32 v58, v54  }
0x364: {  	v47 =	vmin.f32 v11, v7;
	v7 =	vmax.f32 v11, v7;
	[tilespmem:s29+$0x15020] =	vst v4;
	v4 =	vld [tilespmem:$0x1FDA0];
	v10 =	vor.u32 v10, v50  }
0x365: {  	v46 =	vmin.f32 v58, v54;
	v45 =	vmin.f32 v6, v7;
	v6 =	vmax.f32 v6, v7;
	[tilespmem:s29+$0x18820] =	vst v5;
	v5 =	vld [tilespmem:$0x1FDC0]  }
0x366: {  	v44 =	vld.idx.msk [tilespmem:v44+s11+$0x0], $0xffff;
	v54 =	vand.u32 $0x7800, v51;
	v11 =	vmin.f32 v46, v47;
	[tilespmem:s24+$0x1A450] =	vst v6;
	v1 =	vmax.f32 v9, v1  }
0x367: {  	v56 =	vmax.f32 v46, v47;
	v46 =	vor.u32 v15, v49;
	v47 =	vld [tilespmem:$0x1FE90];
	v15 =	vor.u32 v63, v54;
	[tilespmem:s29+$0x1A420] =	vst v1  }
0x368: {  	v41 =	vor.u32 v40, v50;
	v6 =	vld [tilespmem:$0x1FEC0];
	[tilespmem:s29+$0x16C20] =	vst v43  }
0x369: {  	s30 =	sor.u32 $0x7, s23;
	v57 =	vmax.f32 v55, v59;
	v4 =	vor.u32 v4, v50;
	v7 =	vld.idx.msk [tilespmem:v10+s11+$0x0], $0xffff  }
0x36a: {  	v55 =	vmin.f32 v3, v57;
	v3 =	vmax.f32 v3, v57;
	s31 =	sshll.u32 s30, $0x1;
	v5 =	vor.u32 v5, v50;
	v10 =	vld [tilespmem:$0x1FEB0]  }
0x36b: {  	v8 =	vmax.f32 v8, v13;
	[tilespmem:s25+$0x1A460] =	vst v3;
	v9 =	vld.idx.msk [tilespmem:v52+s11+$0x0], $0xffff;
	v1 =	vmov s31  }
0x36c: {  	[tilespmem:s24+$0x15050] =	vst v11;
	v52 =	vmax.f32 v56, v45;
	v48 =	vor.u32 v47, v54;
	v1 =	vshll.u32 v1, $0x8;
	v3 =	vld.idx.msk [tilespmem:v15+s11+$0x0], $0xffff  }
0x36d: {  	[tilespmem:s24+$0x18850] =	vst v52;
	v11 =	vld.idx.msk [tilespmem:v41+s11+$0x0], $0xffff;
	v52 =	vbroadcast v1, $0x0;
	v1 =	vmin.f32 v8, v55;
	v6 =	vor.u32 v6, v54  }
0x36e: {  	[tilespmem:s25+$0x16C60] =	vst v1;
	v1 =	vor.u32 v16, v49;
	v4 =	vld.idx.msk [tilespmem:v4+s11+$0x0], $0xffff  }
0x36f: {  	v8 =	vmax.f32 v8, v55;
	v55 =	vand.u32 $0x7800, v52;
	v5 =	vld.idx.msk [tilespmem:v5+s11+$0x0], $0xffff;
	v10 =	vor.u32 v10, v54  }
0x370: {  	v16 =	vor.u32 v22, v55;
	v40 =	vor.u32 v20, v55;
	v20 =	vld [tilespmem:$0x1FDF0]  }
0x371: {  	v60 =	vmin.f32 v56, v45;
	[tilespmem:s25+$0x18860] =	vst v8;
	v8 =	vld.idx.msk [tilespmem:v48+s11+$0x0], $0xffff  }
0x372: {  	[tilespmem:s24+$0x16C50] =	vst v60;
	v22 =	vor.u32 v23, v55;
	v6 =	vld.idx.msk [tilespmem:v6+s11+$0x0], $0xffff  }
0x373: {  	v61 =	vmin.f32 v2, v44;
	v57 =	vmax.f32 v2, v44;
	v56 =	vld.idx.msk [tilespmem:v1+s11+$0x0], $0xffff  }
0x374: {  	v23 =	vmin.f32 v11, v7;
	v38 =	vmin.f32 v4, v5;
	v2 =	vld.idx.msk [tilespmem:v10+s11+$0x0], $0xffff;
	v10 =	vor.u32 v19, v55  }
0x375: {  	v59 =	vld.idx.msk [tilespmem:v16+s11+$0x0], $0xffff;
	v1 =	vmax.f32 v11, v7;
	v4 =	vmax.f32 v4, v5;
	v5 =	vmin.f32 v23, v38  }
0x376: {  	v41 =	vld [tilespmem:$0x1FDD0];
	v7 =	vmax.f32 v23, v38;
	v11 =	vmin.f32 v1, v4;
	v1 =	vmax.f32 v1, v4;
	[tilespmem:s29+$0x15030] =	vst v5  }
0x377: {  	v5 =	vld.idx.msk [tilespmem:v22+s11+$0x0], $0xffff;
	v4 =	vmax.f32 v7, v11;
	[tilespmem:s29+$0x1A430] =	vst v1  }
0x378: {  	v13 =	vor.u32 v20, v50;
	[tilespmem:s29+$0x18830] =	vst v4;
	v19 =	vmin.f32 v7, v11;
	v11 =	vld.idx.msk [tilespmem:v40+s11+$0x0], $0xffff  }
0x379: {  	s26 =	sshll.u32 s26, $0x7;
	v7 =	vld.idx.msk [tilespmem:v10+s11+$0x0], $0xffff;
	v4 =	vmin.f32 v8, v2;
	v10 =	vmin.f32 v3, v6;
	v1 =	vmax.f32 v8, v2  }
0x37a: {  	s25 =	sand.u32 $0x3FFFFF80, s26;
	v2 =	vmax.f32 v3, v6;
	v3 =	vmin.f32 v4, v10;
	v4 =	vmax.f32 v4, v10;
	v10 =	vld [tilespmem:$0x1FED0]  }
0x37b: {  	v42 =	vor.u32 v41, v50;
	v8 =	vmin.f32 v1, v2;
	[tilespmem:s25+$0x15000] =	vst v3;
	v3 =	vld [tilespmem:$0x1FEE0]  }
0x37c: {  	v1 =	vmax.f32 v1, v2;
	v22 =	vmin.f32 v4, v8;
	v2 =	vmax.f32 v4, v8;
	v4 =	vld [tilespmem:$0x1FEF0]  }
0x37d: {  	[tilespmem:s25+$0x18800] =	vst v2;
	v2 =	vld [tilespmem:$0x1FF00]  }
0x37e: {  	v12 =	vld.idx.msk [tilespmem:v12+s11+$0x0], $0xffff;
	[tilespmem:s29+$0x16C30] =	vst v19;
	v23 =	vmin.f32 v5, v11  }
0x37f: {  	v40 =	vld.idx.msk [tilespmem:v13+s11+$0x0], $0xffff;
	v5 =	vmax.f32 v5, v11;
	v8 =	vmin.f32 v59, v7;
	v10 =	vor.u32 v10, v54  }
0x380: {  	[tilespmem:s25+$0x1A400] =	vst v1;
	v1 =	vmax.f32 v59, v7;
	v7 =	vmin.f32 v8, v23;
	v3 =	vor.u32 v3, v54  }
0x381: {  	s30 =	sshll.u32 s30, $0x7;
	v6 =	vld.idx.msk [tilespmem:v42+s11+$0x0], $0xffff;
	v8 =	vmax.f32 v8, v23;
	v11 =	vmin.f32 v1, v5;
	v4 =	vor.u32 v4, v54  }
0x382: {  	s26 =	sand.u32 $0x3FFFFF80, s30;
	v42 =	vld [tilespmem:$0x1FCB0];
	[tilespmem:s25+$0x16C00] =	vst v22;
	v38 =	vmin.f32 v8, v11;
	v8 =	vmax.f32 v8, v11;
	v2 =	vor.u32 v2, v54  }
0x383: {  	v43 =	vmin.f32 v12, v9;
	[tilespmem:s26+$0x18800] =	vst v8;
	v8 =	vmax.f32 v12, v9;
	v9 =	vld [tilespmem:$0x1FDE0]  }
0x384: {  	v24 =	vor.u32 v24, v55;
	v10 =	vld.idx.msk [tilespmem:v10+s11+$0x0], $0xffff  }
0x385: {  	v1 =	vmax.f32 v1, v5;
	[tilespmem:s26+$0x15000] =	vst v7;
	v7 =	vor.u32 v21, v55;
	v3 =	vld.idx.msk [tilespmem:v3+s11+$0x0], $0xffff  }
0x386: {  	v11 =	vor.u32 v18, v55;
	[tilespmem:s26+$0x1A400] =	vst v1;
	v4 =	vld.idx.msk [tilespmem:v4+s11+$0x0], $0xffff  }
0x387: {  	v5 =	vor.u32 v17, v55;
	v1 =	vmin.f32 v61, v43;
	[tilespmem:s26+$0x16C00] =	vst v38;
	v2 =	vld.idx.msk [tilespmem:v2+s11+$0x0], $0xffff  }
0x388: {  	[tilespmem:s28+$0x15060] =	vst v1;
	v1 =	vld [tilespmem:$0x1FE00];
	v9 =	vor.u32 v9, v50  }
0x389: {  	v58 =	vld.idx.msk [tilespmem:v24+s11+$0x0], $0xffff  }
0x38a: {  	v7 =	vld.idx.msk [tilespmem:v7+s11+$0x0], $0xffff  }
0x38b: {  	v11 =	vld.idx.msk [tilespmem:v11+s11+$0x0], $0xffff;
	v44 =	vmin.f32 v10, v4  }
0x38c: {  	v4 =	vmax.f32 v10, v4;
	v10 =	vmin.f32 v3, v2;
	v2 =	vmax.f32 v3, v2;
	v3 =	vld.idx.msk [tilespmem:v5+s11+$0x0], $0xffff  }
0x38d: {  	v13 =	vmax.f32 v61, v43;
	v5 =	vld.idx.msk [tilespmem:v9+s11+$0x0], $0xffff;
	v9 =	vmin.f32 v44, v10  }
0x38e: {  	v10 =	vmax.f32 v44, v10;
	v15 =	vmin.f32 v4, v2;
	v2 =	vmax.f32 v4, v2;
	[tilespmem:s25+$0x15010] =	vst v9;
	v9 =	vld [tilespmem:$0x1FAD0]  }
0x38f: {  	v43 =	vor.u32 v42, v49;
	v38 =	vmin.f32 v10, v15;
	v10 =	vmax.f32 v10, v15;
	[tilespmem:s25+$0x1A410] =	vst v2;
	v2 =	vld [tilespmem:$0x1FB00]  }
0x390: {  	v1 =	vor.u32 v1, v50;
	[tilespmem:s25+$0x18810] =	vst v10;
	v10 =	vld [tilespmem:$0x1FAF0]  }
0x391: {  	v42 =	vor.u32 v31, v55;
	v59 =	vmin.f32 v57, v8  }
0x392: {  	v24 =	vmin.f32 v6, v40;
	v41 =	vmin.f32 v13, v59;
	v4 =	vor.u32 v37, v54  }
0x393: {  	v6 =	vmax.f32 v6, v40;
	[tilespmem:s28+$0x16C60] =	vst v41;
	v40 =	vmin.f32 v58, v11;
	v9 =	vor.u32 v9, v54  }
0x394: {  	v60 =	vld.idx.msk [tilespmem:v43+s11+$0x0], $0xffff;
	v11 =	vmax.f32 v58, v11;
	v44 =	vor.u32 v33, v55;
	v2 =	vor.u32 v2, v54  }
0x395: {  	v1 =	vld.idx.msk [tilespmem:v1+s11+$0x0], $0xffff;
	v41 =	vmin.f32 v7, v3;
	v3 =	vmax.f32 v7, v3;
	v10 =	vor.u32 v10, v54  }
0x396: {  	[tilespmem:s25+$0x16C10] =	vst v38;
	v7 =	vmin.f32 v40, v41;
	v12 =	vmax.f32 v40, v41;
	v58 =	vmin.f32 v11, v3  }
0x397: {  	v3 =	vmax.f32 v11, v3;
	v4 =	vld.idx.msk [tilespmem:v4+s11+$0x0], $0xffff;
	v11 =	vmin.f32 v12, v58;
	[tilespmem:s26+$0x15010] =	vst v7  }
0x398: {  	[tilespmem:s26+$0x16C10] =	vst v11;
	v11 =	vor.u32 v34, v55;
	v9 =	vld.idx.msk [tilespmem:v9+s11+$0x0], $0xffff  }
0x399: {  	v7 =	vor.u32 v32, v55;
	v12 =	vmax.f32 v12, v58;
	[tilespmem:s26+$0x1A410] =	vst v3;
	v2 =	vld.idx.msk [tilespmem:v2+s11+$0x0], $0xffff  }
0x39a: {  	v43 =	vmin.f32 v5, v1;
	v1 =	vmax.f32 v5, v1;
	[tilespmem:s26+$0x18810] =	vst v12;
	v10 =	vld.idx.msk [tilespmem:v10+s11+$0x0], $0xffff  }
0x39b: {  	v15 =	vmax.f32 v24, v43;
	v3 =	vmin.f32 v24, v43;
	v24 =	vmin.f32 v6, v1;
	v61 =	vld.idx.msk [tilespmem:v42+s11+$0x0], $0xffff  }
0x39c: {  	[tilespmem:s29+$0x15040] =	vst v3;
	v3 =	vmin.f32 v15, v24;
	v12 =	vld.idx.msk [tilespmem:v44+s11+$0x0], $0xffff  }
0x39d: {  	[tilespmem:s29+$0x16C40] =	vst v3;
	v3 =	vld.idx.msk [tilespmem:v11+s11+$0x0], $0xffff  }
0x39e: {  	v1 =	vmax.f32 v6, v1;
	v6 =	vmax.f32 v15, v24;
	v7 =	vld.idx.msk [tilespmem:v7+s11+$0x0], $0xffff  }
0x39f: {  	v63 =	vld [tilespmem:$0x1FB70];
	[tilespmem:s29+$0x1A440] =	vst v1;
	v11 =	vmin.f32 v9, v10;
	v9 =	vmax.f32 v9, v10;
	v10 =	vmin.f32 v4, v2  }
0x3a0: {  	v53 =	vld.idx.msk [tilespmem:v46+s11+$0x0], $0xffff;
	[tilespmem:s29+$0x18840] =	vst v6;
	v2 =	vmax.f32 v4, v2;
	v1 =	vmin.f32 v11, v10  }
0x3a1: {  	v45 =	vld [tilespmem:$0x1F990];
	v4 =	vmax.f32 v11, v10;
	v10 =	vmin.f32 v9, v2;
	v2 =	vmax.f32 v9, v2;
	[tilespmem:s25+$0x15020] =	vst v1  }
0x3a2: {  	v46 =	vld [tilespmem:$0x1F980];
	v34 =	vor.u32 v25, v55;
	v11 =	vmin.f32 v61, v3;
	v9 =	vmin.f32 v4, v10;
	[tilespmem:s25+$0x1A420] =	vst v2  }
0x3a3: {  	v1 =	vor.u32 v26, v54;
	v4 =	vmax.f32 v4, v10;
	v10 =	vld [tilespmem:$0x1FB30];
	v26 =	vmin.f32 v7, v12;
	[tilespmem:s25+$0x16C20] =	vst v9  }
0x3a4: {  	v5 =	vld [tilespmem:$0x1FCC0];
	v3 =	vmax.f32 v61, v3;
	v7 =	vmax.f32 v7, v12;
	[tilespmem:s25+$0x18820] =	vst v4;
	v31 =	vmin.f32 v11, v26  }
0x3a5: {  	v4 =	vld [tilespmem:$0x1FB40];
	v2 =	vmax.f32 v11, v26;
	v11 =	vmin.f32 v3, v7;
	v3 =	vmax.f32 v3, v7;
	[tilespmem:s26+$0x15020] =	vst v31  }
0x3a6: {  	v6 =	vld [tilespmem:$0x1FE10];
	v9 =	vor.u32 v39, v54;
	v33 =	vmin.f32 v2, v11;
	v2 =	vmax.f32 v2, v11;
	[tilespmem:s26+$0x1A420] =	vst v3  }
0x3a7: {  	v42 =	vld [tilespmem:$0x1FE20];
	[tilespmem:s26+$0x18820] =	vst v2;
	v2 =	vor.u32 v29, v55  }
0x3a8: {  	v3 =	vmax.f32 v57, v8;
	v8 =	vld [tilespmem:$0x1FE30];
	[tilespmem:s26+$0x16C20] =	vst v33;
	v10 =	vor.u32 v10, v54  }
0x3a9: {  	v12 =	vld.idx.msk [tilespmem:v34+s11+$0x0], $0xffff  }
0x3aa: {  	v1 =	vld.idx.msk [tilespmem:v1+s11+$0x0], $0xffff;
	v4 =	vor.u32 v4, v54  }
0x3ab: {  	v9 =	vld.idx.msk [tilespmem:v9+s11+$0x0], $0xffff  }
0x3ac: {  	v11 =	vor.u32 v36, v55;
	v2 =	vld.idx.msk [tilespmem:v2+s11+$0x0], $0xffff  }
0x3ad: {  	v32 =	vor.u32 v14, v55;
	v7 =	vld.idx.msk [tilespmem:v10+s11+$0x0], $0xffff  }
0x3ae: {  	v6 =	vor.u32 v6, v50;
	v10 =	vmax.f32 v13, v59;
	v59 =	vld [tilespmem:$0x1FE40]  }
0x3af: {  	v8 =	vor.u32 v8, v50;
	v4 =	vld.idx.msk [tilespmem:v4+s11+$0x0], $0xffff  }
0x3b0: {  	v47 =	vld [tilespmem:$0x1F970];
	v13 =	vor.u32 v42, v50  }
0x3b1: {  	v27 =	vor.u32 v27, v52;
	v24 =	vor.u32 v63, v51;
	[tilespmem:s28+$0x1A460] =	vst v3;
	v11 =	vld.idx.msk [tilespmem:v11+s11+$0x0], $0xffff  }
0x3b2: {  	v5 =	vor.u32 v5, v49;
	v3 =	vmin.f32 v53, v60;
	[tilespmem:s28+$0x18860] =	vst v10;
	v10 =	vld.idx.msk [tilespmem:v32+s11+$0x0], $0xffff  }
0x3b3: {  	v6 =	vld.idx.msk [tilespmem:v6+s11+$0x0], $0xffff;
	v53 =	vmax.f32 v53, v60;
	v26 =	vmin.f32 v12, v2;
	v60 =	vor.u32 v59, v50  }
0x3b4: {  	v8 =	vld.idx.msk [tilespmem:v8+s11+$0x0], $0xffff;
	v61 =	vmin.f32 v1, v7;
	v1 =	vmax.f32 v1, v7;
	v7 =	vmin.f32 v9, v4  }
0x3b5: {  	v2 =	vmax.f32 v12, v2;
	v13 =	vld.idx.msk [tilespmem:v13+s11+$0x0], $0xffff;
	v4 =	vmax.f32 v9, v4;
	v9 =	vmin.f32 v61, v7  }
0x3b6: {  	v48 =	vld [tilespmem:$0x1F960];
	v7 =	vmax.f32 v61, v7;
	v62 =	vmin.f32 v1, v4;
	v1 =	vmax.f32 v1, v4;
	[tilespmem:s25+$0x15030] =	vst v9  }
0x3b7: {  	v25 =	vmin.f32 v10, v11;
	v10 =	vmax.f32 v10, v11;
	v4 =	vmin.f32 v7, v62;
	v9 =	vld [tilespmem:$0x1FB50];
	[tilespmem:s25+$0x1A430] =	vst v1  }
0x3b8: {  	v12 =	vmin.f32 v10, v2;
	v7 =	vmax.f32 v7, v62;
	v1 =	vmax.f32 v25, v26;
	[tilespmem:s25+$0x16C30] =	vst v4;
	v4 =	vld [tilespmem:$0x1FB60]  }
0x3b9: {  	[tilespmem:s25+$0x18830] =	vst v7;
	v57 =	vmin.f32 v1, v12;
	v1 =	vmax.f32 v1, v12;
	v49 =	vld.idx.msk [tilespmem:v60+s11+$0x0], $0xffff  }
0x3ba: {  	v11 =	vmin.f32 v25, v26;
	v7 =	vld [tilespmem:$0x1FB80];
	[tilespmem:s26+$0x18830] =	vst v1;
	v1 =	vor.u32 v35, v52  }
0x3bb: {  	v16 =	vld [tilespmem:$0x1F9C0];
	v2 =	vmax.f32 v10, v2;
	[tilespmem:s26+$0x15030] =	vst v11;
	v11 =	vor.u32 v28, v52  }
0x3bc: {  	v5 =	vld.idx.msk [tilespmem:v5+s11+$0x0], $0xffff;
	v29 =	vor.u32 v30, v52;
	[tilespmem:s26+$0x1A430] =	vst v2  }
0x3bd: {  	v10 =	vmin.f32 v6, v8;
	[tilespmem:s26+$0x16C30] =	vst v57;
	v55 =	vld.idx.msk [tilespmem:v24+s11+$0x0], $0xffff;
	v9 =	vor.u32 v9, v51  }
0x3be: {  	v6 =	vmax.f32 v6, v8;
	v31 =	vld.idx.msk [tilespmem:v27+s11+$0x0], $0xffff;
	v4 =	vor.u32 v4, v51;
	v2 =	vmin.f32 v13, v49  }
0x3bf: {  	v7 =	vor.u32 v7, v51;
	v8 =	vmax.f32 v13, v49;
	v1 =	vld.idx.msk [tilespmem:v1+s11+$0x0], $0xffff;
	v30 =	vmin.f32 v10, v2  }
0x3c0: {  	v2 =	vmax.f32 v10, v2;
	v10 =	vmax.f32 v6, v8;
	v6 =	vmin.f32 v6, v8;
	v8 =	vld.idx.msk [tilespmem:v11+s11+$0x0], $0xffff  }
0x3c1: {  	v11 =	vmin.f32 v2, v6;
	v2 =	vmax.f32 v2, v6;
	v6 =	vld.idx.msk [tilespmem:v29+s11+$0x0], $0xffff  }
0x3c2: {  	v9 =	vld.idx.msk [tilespmem:v9+s11+$0x0], $0xffff  }
0x3c3: {  	v4 =	vld.idx.msk [tilespmem:v4+s11+$0x0], $0xffff  }
0x3c4: {  	v43 =	vmin.f32 v56, v5;
	v7 =	vld.idx.msk [tilespmem:v7+s11+$0x0], $0xffff  }
0x3c5: {  	v20 =	vld [tilespmem:$0x1F9A0];
	v5 =	vmax.f32 v56, v5;
	v44 =	vmin.f32 v3, v43;
	[tilespmem:s29+$0x1A450] =	vst v10  }
0x3c6: {  	v22 =	vld [tilespmem:$0x1F9B0];
	[tilespmem:s29+$0x16C50] =	vst v11;
	v34 =	vmin.f32 v8, v1;
	v1 =	vmax.f32 v8, v1;
	v33 =	vmin.f32 v31, v6  }
0x3c7: {  	v18 =	vld [tilespmem:$0x1F9D0];
	[tilespmem:s29+$0x18850] =	vst v2;
	v6 =	vmax.f32 v31, v6;
	v32 =	vmin.f32 v9, v55;
	v8 =	vmin.f32 v33, v34  }
0x3c8: {  	v17 =	vld [tilespmem:$0x1FBD0];
	v2 =	vmax.f32 v9, v55;
	v35 =	vmin.f32 v6, v1;
	v1 =	vmax.f32 v6, v1;
	[tilespmem:s26+$0x15040] =	vst v8  }
0x3c9: {  	v41 =	vld [tilespmem:$0x1FE60];
	v6 =	vmin.f32 v53, v5;
	v5 =	vmax.f32 v53, v5;
	v9 =	vmin.f32 v4, v7;
	[tilespmem:s26+$0x1A440] =	vst v1  }
0x3ca: {  	v3 =	vmax.f32 v3, v43;
	v43 =	vld [tilespmem:$0x1FE70];
	v4 =	vmax.f32 v4, v7;
	[tilespmem:s24+$0x1A460] =	vst v5;
	v7 =	vmin.f32 v32, v9  }
0x3cb: {  	v9 =	vmax.f32 v32, v9;
	v10 =	vmin.f32 v2, v4;
	v2 =	vmax.f32 v2, v4;
	[tilespmem:s25+$0x15040] =	vst v7;
	v7 =	vld [tilespmem:$0x1FB90]  }
0x3cc: {  	v36 =	vor.u32 v18, v52;
	v4 =	vmin.f32 v9, v10;
	v9 =	vmax.f32 v9, v10;
	v10 =	vld [tilespmem:$0x1FBB0];
	[tilespmem:s25+$0x1A440] =	vst v2  }
0x3cd: {  	v8 =	vor.u32 v16, v52;
	v2 =	vmax.f32 v33, v34;
	[tilespmem:s25+$0x16C40] =	vst v4;
	v4 =	vld [tilespmem:$0x1FBA0]  }
0x3ce: {  	v40 =	vor.u32 v22, v52;
	[tilespmem:s25+$0x18840] =	vst v9;
	v9 =	vld [tilespmem:$0x1FBC0];
	v38 =	vmin.f32 v2, v35;
	v2 =	vmax.f32 v2, v35  }
0x3cf: {  	v11 =	vld [tilespmem:$0x1FE50];
	[tilespmem:s26+$0x18840] =	vst v2;
	v2 =	vor.u32 v20, v52  }
0x3d0: {  	v5 =	vld [tilespmem:$0x1FE80];
	[tilespmem:s26+$0x16C40] =	vst v38;
	v7 =	vor.u32 v7, v51  }
0x3d1: {  	v1 =	vmin.f32 v3, v6;
	v13 =	vld.idx.msk [tilespmem:v36+s11+$0x0], $0xffff;
	v10 =	vor.u32 v10, v51  }
0x3d2: {  	v3 =	vmax.f32 v3, v6;
	[tilespmem:s24+$0x16C60] =	vst v1;
	v1 =	vld.idx.msk [tilespmem:v8+s11+$0x0], $0xffff;
	v4 =	vor.u32 v4, v51  }
0x3d3: {  	[tilespmem:s24+$0x18860] =	vst v3;
	v3 =	vld.idx.msk [tilespmem:v40+s11+$0x0], $0xffff;
	v9 =	vor.u32 v9, v51  }
0x3d4: {  	v2 =	vld.idx.msk [tilespmem:v2+s11+$0x0], $0xffff  }
0x3d5: {  	v7 =	vld.idx.msk [tilespmem:v7+s11+$0x0], $0xffff  }
0x3d6: {  	v10 =	vld.idx.msk [tilespmem:v10+s11+$0x0], $0xffff  }
0x3d7: {  	v4 =	vld.idx.msk [tilespmem:v4+s11+$0x0], $0xffff  }
0x3d8: {  	v11 =	vor.u32 v11, v50;
	v9 =	vld.idx.msk [tilespmem:v9+s11+$0x0], $0xffff  }
0x3d9: {  	v19 =	vld [tilespmem:$0x1FBE0];
	v42 =	vor.u32 v41, v50  }
0x3da: {  	v23 =	vld [tilespmem:$0x1FC00]  }
0x3db: {  	v21 =	vld [tilespmem:$0x1FBF0];
	[tilespmem:s24+$0x15060] =	vst v44;
	v44 =	vor.u32 v43, v50;
	v59 =	vor.u32 v17, v51;
	v5 =	vor.u32 v5, v50  }
0x3dc: {  	v37 =	vld [tilespmem:$0x1FFD0];
	[tilespmem:s29+$0x15050] =	vst v30;
	v60 =	vmin.f32 v13, v3;
	v61 =	vmin.f32 v1, v2;
	v1 =	vmax.f32 v1, v2  }
0x3dd: {  	v11 =	vld.idx.msk [tilespmem:v11+s11+$0x0], $0xffff;
	v6 =	vmin.f32 v7, v10;
	v7 =	vmax.f32 v7, v10;
	v10 =	vmin.f32 v4, v9  }
0x3de: {  	v8 =	vld.idx.msk [tilespmem:v42+s11+$0x0], $0xffff;
	v2 =	vmin.f32 v60, v61;
	v4 =	vmax.f32 v4, v9;
	v58 =	vmin.f32 v6, v10  }
0x3df: {  	v56 =	vld [tilespmem:$0x1FFB0];
	[tilespmem:s26+$0x15050] =	vst v2;
	v6 =	vmax.f32 v6, v10;
	v10 =	vmin.f32 v7, v4;
	v4 =	vmax.f32 v7, v4  }
0x3e0: {  	v39 =	vld [tilespmem:$0x1FFE0];
	v7 =	vmin.f32 v6, v10;
	[tilespmem:s25+$0x15050] =	vst v58;
	v6 =	vmax.f32 v6, v10;
	v10 =	vor.u32 v21, v51  }
0x3e1: {  	v5 =	vld.idx.msk [tilespmem:v5+s11+$0x0], $0xffff;
	[tilespmem:s25+$0x16C50] =	vst v7;
	v7 =	vor.u32 v19, v51  }
0x3e2: {  	v3 =	vmax.f32 v13, v3;
	v9 =	vld.idx.msk [tilespmem:v44+s11+$0x0], $0xffff;
	[tilespmem:s25+$0x18850] =	vst v6;
	v6 =	vor.u32 v23, v51  }
0x3e3: {  	v54 =	vld [tilespmem:$0x1FF90];
	v13 =	vmin.f32 v3, v1;
	v2 =	vor.u32 v47, v52;
	[tilespmem:s25+$0x1A450] =	vst v4;
	v4 =	vmax.f32 v60, v61  }
0x3e4: {  	v62 =	vor.u32 v45, v52;
	v50 =	vmin.f32 v4, v13;
	v4 =	vmax.f32 v4, v13;
	v12 =	vld.idx.msk [tilespmem:v59+s11+$0x0], $0xffff  }
0x3e5: {  	v1 =	vmax.f32 v3, v1;
	[tilespmem:s26+$0x18850] =	vst v4;
	v4 =	vor.u32 v48, v52;
	v3 =	vld.idx.msk [tilespmem:v10+s11+$0x0], $0xffff  }
0x3e6: {  	v63 =	vor.u32 v46, v52;
	[tilespmem:s26+$0x1A450] =	vst v1;
	v7 =	vld.idx.msk [tilespmem:v7+s11+$0x0], $0xffff  }
0x3e7: {  	[tilespmem:s26+$0x16C50] =	vst v50;
	v1 =	vmin.f32 v11, v9;
	v6 =	vld.idx.msk [tilespmem:v6+s11+$0x0], $0xffff  }
0x3e8: {  	v9 =	vmax.f32 v11, v9;
	v2 =	vld.idx.msk [tilespmem:v2+s11+$0x0], $0xffff;
	v10 =	vmin.f32 v8, v5;
	v5 =	vmax.f32 v8, v5  }
0x3e9: {  	v8 =	vld.idx.msk [tilespmem:v62+s11+$0x0], $0xffff;
	v11 =	vmin.f32 v1, v10;
	v1 =	vmax.f32 v1, v10;
	v10 =	vmin.f32 v9, v5  }
0x3ea: {  	v5 =	vmax.f32 v9, v5;
	[tilespmem:s29+$0x15060] =	vst v11;
	v9 =	vmin.f32 v1, v10;
	v4 =	vld.idx.msk [tilespmem:v4+s11+$0x0], $0xffff  }
0x3eb: {  	v11 =	vld.idx.msk [tilespmem:v63+s11+$0x0], $0xffff;
	v1 =	vmax.f32 v1, v10;
	[tilespmem:s29+$0x16C60] =	vst v9;
	v9 =	vmin.f32 v12, v3  }
0x3ec: {  	v57 =	vld [tilespmem:$0x1FFC0];
	[tilespmem:s29+$0x18860] =	vst v1;
	v1 =	vmax.f32 v12, v3;
	v3 =	vmin.f32 v7, v6;
	v6 =	vmax.f32 v7, v6  }
0x3ed: {  	v55 =	vld [tilespmem:$0x1FFA0];
	[tilespmem:s29+$0x1A460] =	vst v5;
	v5 =	vmin.f32 v9, v3;
	v3 =	vmax.f32 v9, v3;
	v7 =	vmin.f32 v1, v6  }
0x3ee: {  	v53 =	vld [tilespmem:$0x1FF80];
	[tilespmem:s25+$0x15060] =	vst v5;
	v5 =	vmin.f32 v3, v7  }
0x3ef: {  	v51 =	vld [tilespmem:$0x1FF50];
	v1 =	vmax.f32 v1, v6;
	v6 =	vmin.f32 v2, v4;
	v3 =	vmax.f32 v3, v7;
	[tilespmem:s25+$0x16C60] =	vst v5  }
0x3f0: {  	p0 =	slt.u32 s23, $0x30;
	v50 =	vld [tilespmem:$0x1FF60];
	v2 =	vmax.f32 v2, v4;
	v5 =	vmin.f32 v8, v11;
	[tilespmem:s25+$0x18860] =	vst v3;
	v3 =	vmax.f32 v8, v11  }
.Ltmp4:
0x3f1: {  	v52 =	vld [tilespmem:$0x1FF70];
	[tilespmem:s25+$0x1A460] =	vst v1;
	v1 =	vmin.f32 v5, v6;
	v4 =	vmax.f32 v5, v6;
	v5 =	vmin.f32 v3, v2;
	(pc) =	sbr.rel @p0 .LBB2_9-.Ltmp4, $4  }
0x3f2: {  	v10 =	vld [tilespmem:$0x1FF40];
	[tilespmem:s26+$0x15060] =	vst v1;
	v1 =	vmin.f32 v4, v5  }
0x3f3: {  	v9 =	vld [tilespmem:$0x1FF30];
	v4 =	vmax.f32 v4, v5;
	[tilespmem:s26+$0x16C60] =	vst v1  }
0x3f4: {  	s31 =	sadd.s32 $0x8, s23;
	v7 =	vld [tilespmem:$0x1FF10];
	v1 =	vmax.f32 v3, v2;
	[tilespmem:s26+$0x18860] =	vst v4  }
0x3f5: {  	s23 =	smov.u32 s31;
	v8 =	vld [tilespmem:$0x1FF20];
	[tilespmem:s26+$0x1A460] =	vst v1  }
0x3f6: {  	s21 =	sadd.s32 $0x1, s21  }
0x3f7: {  	p0 =	sne.s32 s21, $0x18  }
.Ltmp5:
0x3f8: {  	_ = 	snop;
	(pc) =	sbr.rel @p0 .LBB2_2-.Ltmp5, $3  }
0x3f9: {  	_ =	sdelay $0x1  }
0x3fa: {  	s22 =	sadd.s32 s22, s9  }
0x3fb: {  	v49 =	vld [tilespmem:$0x1FFF0];
	[hbm4b:s22+s13] =	stream.strided.scatter [tilespmem:s18], [sflag:$0x4], $0x7000, s14, s13, $0x38  }
0x3fc: {  	s20 =	sadd.s32 $0x1, s20  }
0x3fd: {  	_ =	swait.ge [sflag:s19], $0x7000;
	p0 =	sne.s32 s20, s10  }
.Ltmp6:
0x3fe: {  	[sflag:s19] =	ssyncset.done $0x0;
	(pc) =	sbr.rel @p0 .LBB2_1-.Ltmp6, $4  }
0x3ff: {  	[sflag:s19] =	ssyncadd.s32 $0xFFFF9000  }
0x400: {  	_ =	swait.ge [sflag:s17], $0x7000  }
0x401: {  	[sflag:s17] =	ssyncset.done $0x0  }
0x402: {  	[sflag:s17] =	ssyncadd.s32 $0xFFFF9000  }
0x403: {  	_ =	sfence.sel $0x180000  }
0x404: {  	[bflag:$0x0] =	sbarrier.arrive $0xFFFF  }
0x405: {  	p0 =	sne.s32 s1, $0x0;
	_ =	strace $0x90000047  }
0x406: {  	s0 =	sadd.s32 @!p0 $0x100000, s2;
	[bflag:$0x2] =	sbarrier.arrive $0xFFFF  }
0x407: {  	[sflag:s0] =	ssyncadd.tile.s32 @!p0 $0x1;
	_ =	shalt  }
.Lfunc_end2:
_tile_overlayer_lowered:
.L_overlay_start_2:
0x408: {  	(tag) =	ssettag $0x2  }
0x409: {  	s0 =	rddreg [dreg:$0x0];
	s2 =	stileid.u32  }
0x40a: {  	s1 =	rddreg [dreg:$0x1];
	p0 =	sne.s32 s2, $0x0  }
0x40b: {  	s3 =	rddreg [dreg:$0x2];
	[bflag:$0x3] =	sbarrier.arrive $0xFFFF;
	s2 =	simm.s32 @!p0 $0x1C05  }
0x40c: {  	[timem:s3], [sflag:s2] =	dma.local @!p0 [hbm:s0], s1  }
0x40d: {  	s0 =	simm.s32 @!p0 $0x5  }
0x40e: {  	_ =	swait.ge @!p0 [sflag:s0], s1  }
0x40f: {  	s1 =	ssub.s32 @!p0 $0x0, s1;
	[sflag:s0] =	ssyncset.done @!p0 $0x0  }
0x410: {  	[sflag:s0] =	ssyncadd.s32 @!p0 s1  }
0x411: {  	[bflag:$0x3] =	sbarrier.arrive $0xFFFF  }
0x412: {  	_ =	shalt  }

</sc_bundles>
